<compile_context>
chip_gen: v7x
topology: tpu7x:2x2x1
jax: 0.10.2.dev20260603
libtpu: 0.0.44.dev20260713+nightly
codegen_flags: <defaults>
</compile_context>

<pallas_src>
import functools

import jax
import jax.numpy as jnp
from jax import lax
from jax.experimental import pallas as pl
from jax.experimental.pallas import tpu as pltpu
from jax.experimental.pallas import tpu_sc as plsc

N = 10000
E = 320000
NF = 11
EF = 4
H = 128
G = 64

NC = 2
NS = 16
NW = NC * NS
EPW = E // NW
L = 16


NB = 5


def _edge_body(c_off, a_hbm, b_hbm, src_hbm, dst_hbm, c_hbm, out_hbm,
               a_v, b_v, src_v, dst_v, c_v, *banks):
    wid = lax.axis_index("s") * NC + lax.axis_index("c")
    base = wid * EPW
    pltpu.sync_copy(a_hbm, a_v)
    pltpu.sync_copy(b_hbm, b_v)
    pltpu.sync_copy(src_hbm.at[pl.ds(base, EPW)], src_v)
    pltpu.sync_copy(dst_hbm.at[pl.ds(base, EPW)], dst_v)
    pltpu.sync_copy(c_hbm.at[pl.ds(c_off + base, EPW)], c_v)

    zeros16 = jnp.zeros((L,), jnp.float32)

    @plsc.parallel_loop(0, N // L, 1, unroll=4)
    def _zero(i):
        sl = pl.ds(i * L, L)
        for k in range(NB):
            banks[k][sl] = zeros16

    @plsc.parallel_loop(0, EPW // (L * NB), 1, unroll=4)
    def _edges(i):
        for k in range(NB):
            off = (i * NB + k) * L
            d16 = dst_v[pl.ds(off, L)]
            s16 = src_v[pl.ds(off, L)]
            cv = c_v[pl.ds(off, L)]
            av = plsc.load_gather(a_v, [d16])
            bv = plsc.load_gather(b_v, [s16])
            m = jnp.maximum(av + bv + cv, 0.0)
            plsc.addupdate_scatter(banks[k], [d16], m)

    @plsc.parallel_loop(0, N // L, 1, unroll=4)
    def _merge(i):
        sl = pl.ds(i * L, L)
        acc = banks[0][sl]
        for k in range(1, NB):
            acc = acc + banks[k][sl]
        banks[0][sl] = acc

    pltpu.sync_copy(banks[0], out_hbm.at[wid])


_edge_pass_cache = []


def _edge_pass(layer, a, b, src, dst, cflat):
    if not _edge_pass_cache:
        for l in range(3):
            _edge_pass_cache.append(pl.kernel(
                functools.partial(_edge_body, l * E),
                out_type=jax.ShapeDtypeStruct((NW, N), jnp.float32),
                mesh=plsc.VectorSubcoreMesh(core_axis_name="c",
                                            subcore_axis_name="s",
                                            num_cores=NC, num_subcores=NS),
                compiler_params=pltpu.CompilerParams(needs_layout_passes=False),
                scratch_types=[
                    pltpu.VMEM((N,), jnp.float32),
                    pltpu.VMEM((N,), jnp.float32),
                    pltpu.VMEM((EPW,), jnp.int32),
                    pltpu.VMEM((EPW,), jnp.int32),
                    pltpu.VMEM((EPW,), jnp.float32),
                ] + [pltpu.VMEM((N,), jnp.float32) for _ in range(NB)],
            ))
    return _edge_pass_cache[layer](a, b, src, dst, cflat)


def _row_dot(wT, m):
    return lax.dot_general(wT, m, (((1,), (1,)), ((), ())),
                           preferred_element_type=jnp.float32)[0]


def _pre_body(x_ref, eat_ref, wi_ref, wj_ref, wct_ref, bc_ref,
              a_out, b_out, c_out):
    x = x_ref[...]
    a_out[...] = _row_dot(wi_ref[...], x)
    b_out[...] = _row_dot(wj_ref[...], x)
    c = jnp.dot(wct_ref[...], eat_ref[...],
                preferred_element_type=jnp.float32) + bc_ref[...]
    for l in range(3):
        c_out[pl.ds(l * E, E)] = c[l]


def _bf16r(v):
    return v.astype(jnp.bfloat16).astype(jnp.float32)


def _agg_col(p):
    return lax.dot_general(p, jnp.ones((NW, 1), jnp.float32),
                           (((0,), (0,)), ((), ())),
                           preferred_element_type=jnp.float32,
                           precision=jax.lax.Precision.HIGHEST)


def _premm_body(x_ref, whx_ref, bh_ref, hpre_out):
    hpre_out[...] = (jnp.dot(x_ref[...], whx_ref[...],
                             preferred_element_type=jnp.float32)
                     + bh_ref[...])


def _layer_body(hpre_ref, p_ref, whl_ref, wi_ref, wj_ref,
                h_out, a_out, b_out):
    outer = _bf16r(_agg_col(p_ref[...])) * _bf16r(whl_ref[...])
    h = jnp.maximum(hpre_ref[...] + outer, 0.0)
    h_out[...] = h
    a_out[...] = _row_dot(wi_ref[...], h)
    b_out[...] = _row_dot(wj_ref[...], h)


def _final_body(hpre_ref, p_ref, whl_ref, batch_ref,
                wl_ref, bl_ref, wl2_ref, bl2_ref, out_ref):
    outer = _bf16r(_agg_col(p_ref[...])) * _bf16r(whl_ref[...])
    h = jnp.maximum(hpre_ref[...] + outer, 0.0)
    gid = lax.broadcasted_iota(jnp.int32, (G, N), 0)
    onehot = jnp.where(gid == batch_ref[...], 1.0, 0.0)
    g = jnp.dot(onehot, h, preferred_element_type=jnp.float32,
                precision=jax.lax.Precision.HIGHEST)
    g = jnp.maximum(
        jnp.dot(g, wl_ref[...], preferred_element_type=jnp.float32)
        + bl_ref[...], 0.0)
    out_ref[...] = (jnp.dot(g, wl2_ref[...], preferred_element_type=jnp.float32)
                    + bl2_ref[...])


def _f32(shape):
    return jax.ShapeDtypeStruct(shape, jnp.float32)


def kernel(x, edge_index, edge_attr, batch,
           We1, be1, Wh1, bh1, We2, be2, Wh2, bh2, We3, be3, Wh3, bh3,
           Wl, bl, Wl2, bl2):
    src = edge_index[0]
    dst = edge_index[1]

    wct = jnp.concatenate([We1[2 * NF:2 * NF + EF],
                           We2[2 * H:2 * H + EF],
                           We3[2 * H:2 * H + EF]], axis=1).T
    bc = jnp.concatenate([be1, be2, be3]).reshape(3, 1)

    a1, b1, cf = pl.pallas_call(
        _pre_body,
        out_shape=[_f32((N,)), _f32((N,)), _f32((3 * E,))],
    )(x, edge_attr.T, We1[0:NF].T, We1[NF:2 * NF].T, wct, bc)

    _premm = lambda xx, whx, bh: pl.pallas_call(
        _premm_body, out_shape=_f32((N, H)))(xx, whx, bh)

    p1 = _edge_pass(0, a1, b1, src, dst, cf)
    hpre1 = _premm(x, Wh1[:NF], bh1.reshape(1, H))

    h1, a2, b2 = pl.pallas_call(
        _layer_body,
        out_shape=[_f32((N, H)), _f32((N,)), _f32((N,))],
    )(hpre1, p1, Wh1[NF:NF + 1], We2[0:H].T, We2[H:2 * H].T)

    p2 = _edge_pass(1, a2, b2, src, dst, cf)
    hpre2 = _premm(h1, Wh2[:H], bh2.reshape(1, H))

    h2, a3, b3 = pl.pallas_call(
        _layer_body,
        out_shape=[_f32((N, H)), _f32((N,)), _f32((N,))],
    )(hpre2, p2, Wh2[H:H + 1], We3[0:H].T, We3[H:2 * H].T)

    p3 = _edge_pass(2, a3, b3, src, dst, cf)
    hpre3 = _premm(h2, Wh3[:H], bh3.reshape(1, H))

    out = pl.pallas_call(
        _final_body,
        out_shape=_f32((G, 1)),
    )(hpre3, p3, Wh3[H:H + 1],
      batch.reshape(1, N), Wl, bl.reshape(1, G), Wl2, bl2.reshape(1, 1))

    return out

# --- scband reference (transcript-rebuilt; emitter-appended) ---
"""Pipeline reference for scband-nn-22359599743360 (READ-ONLY COPY).

The authoritative reference and input builder live on the scoring server;
editing this copy changes nothing except your own understanding.
"""

import jax, jax.numpy as jnp
import numpy as np

N = 10000
E = 320000
NF = 11
EF = 4
H = 128
G = 64


def setup_inputs(seed: int = 0) -> dict:
    key = jax.random.key(seed)
    ks = jax.random.split(key, 24)
    inp = {}
    inp["x"] = jax.random.normal(ks[0], (N, NF), dtype=jnp.float32)
    inp["edge_index"] = jax.random.randint(ks[1], (2, E), 0, N, dtype=jnp.int32)
    inp["edge_attr"] = jax.random.normal(ks[2], (E, EF), dtype=jnp.float32)
    inp["batch"] = jnp.sort(jax.random.randint(ks[3], (N,), 0, G, dtype=jnp.int32))
    dims = [(NF, H), (H, H), (H, H)]
    for i, (cin, cout) in enumerate(dims, start=1):
        inp["We%d" % i] = jax.random.normal(ks[4 * i], (2 * cin + EF, 1), dtype=jnp.float32) * 0.1
        inp["be%d" % i] = jnp.zeros((1,), dtype=jnp.float32)
        inp["Wh%d" % i] = jax.random.normal(ks[4 * i + 1], (cin + 1, cout), dtype=jnp.float32) * 0.1
        inp["bh%d" % i] = jnp.zeros((cout,), dtype=jnp.float32)
    inp["Wl"] = jax.random.normal(ks[20], (H, 64), dtype=jnp.float32) * 0.1
    inp["bl"] = jnp.zeros((64,), dtype=jnp.float32)
    inp["Wl2"] = jax.random.normal(ks[21], (64, 1), dtype=jnp.float32) * 0.1
    inp["bl2"] = jnp.zeros((1,), dtype=jnp.float32)
    return inp


def _gnn_layer(x, src, dst, edge_attr, We, be, Wh, bh):
    # MessagePassing(aggr='add', flow='source_to_target'):
    # x_i = x[dst], x_j = x[src]
    x_i = x[dst]
    x_j = x[src]
    m = jax.nn.relu(jnp.concatenate([x_i, x_j, edge_attr], axis=1) @ We + be)
    agg = jax.ops.segment_sum(m, dst, num_segments=x.shape[0])
    return jnp.concatenate([x, agg], axis=1) @ Wh + bh


def reference(x, edge_index, edge_attr, batch, We1, be1, Wh1, bh1, We2, be2, Wh2, bh2, We3, be3, Wh3, bh3, Wl, bl, Wl2, bl2):
    src = edge_index[0]
    dst = edge_index[1]
    h = jax.nn.relu(_gnn_layer(x, src, dst, edge_attr, We1, be1, Wh1, bh1))
    h = jax.nn.relu(_gnn_layer(h, src, dst, edge_attr, We2, be2, Wh2, bh2))
    h = jax.nn.relu(_gnn_layer(h, src, dst, edge_attr, We3, be3, Wh3, bh3))
    g = jax.ops.segment_sum(h, batch, num_segments=G)
    g = jax.nn.relu(g @ Wl + bl)
    return g @ Wl2 + bl2

if __name__ == "__main__":
    import jax
    _d = setup_inputs()
    print(jax.jit(kernel)(*tuple(_d.values())))

</pallas_src>

<mosaic_0001>
#map = affine_map<(d0, d1) -> (0)>
#map1 = affine_map<(d0, d1) -> (0, 0)>
module attributes {stable_mosaic.version = 14 : i64} {
  func.func @_edge_body(%arg0: i32, %arg1: i32, %arg2: memref<10000xf32, #tpu.memory_space<hbm>>, %arg3: memref<10000xf32, #tpu.memory_space<hbm>>, %arg4: memref<320000xi32, #tpu.memory_space<hbm>>, %arg5: memref<320000xi32, #tpu.memory_space<hbm>>, %arg6: memref<960000xf32, #tpu.memory_space<hbm>>, %arg7: memref<32x10000xf32, #tpu.memory_space<hbm>>, %arg8: memref<10000xf32, #tpu.memory_space<vmem>>, %arg9: memref<10000xf32, #tpu.memory_space<vmem>>, %arg10: memref<10000xi32, #tpu.memory_space<vmem>>, %arg11: memref<10000xi32, #tpu.memory_space<vmem>>, %arg12: memref<10000xf32, #tpu.memory_space<vmem>>, %arg13: memref<10000xf32, #tpu.memory_space<vmem>>, %arg14: memref<10000xf32, #tpu.memory_space<vmem>>, %arg15: memref<10000xf32, #tpu.memory_space<vmem>>, %arg16: memref<10000xf32, #tpu.memory_space<vmem>>, %arg17: memref<10000xf32, #tpu.memory_space<vmem>>) attributes {dimension_semantics = [#tpu.dimension_semantics<core_parallel>, #tpu.dimension_semantics<subcore_parallel>], iteration_bounds = array<i64: 2, 16>, scalar_prefetch = 0 : i64, scratch_operands = 10 : i64, tpu.core_type = #tpu.core_type<sc_vector_subcore>, window_params = [{transform_indices = #map}, {transform_indices = #map}, {transform_indices = #map}, {transform_indices = #map}, {transform_indices = #map}, {transform_indices = #map1}]} {
    %mul3A = arith.constant 2 : i32
    %mul3A_0 = arith.muli %arg1, %mul3A : i32
    %add3A = arith.addi %mul3A_0, %arg0 : i32
    %mul3A_1 = arith.constant 10000 : i32
    %mul3A_2 = arith.muli %add3A, %mul3A_1 : i32
    "tpu.region"() ({
      %run_scoped3A = tpu.sem_alloc : memref<!tpu.dma_semaphore, #tpu.memory_space<semaphore_mem>>
      tpu.enqueue_dma source(%arg2 : memref<10000xf32, #tpu.memory_space<hbm>>) target(%arg8 : memref<10000xf32, #tpu.memory_space<vmem>>) target_semaphore(%run_scoped3A : memref<!tpu.dma_semaphore, #tpu.memory_space<semaphore_mem>>)
      tpu.wait_dma2 semaphore(%run_scoped3A : memref<!tpu.dma_semaphore, #tpu.memory_space<semaphore_mem>>) src(%arg2 : memref<10000xf32, #tpu.memory_space<hbm>>) dst(%arg8 : memref<10000xf32, #tpu.memory_space<vmem>>)
      tpu.yield
    }) : () -> ()
    "tpu.region"() ({
      %run_scoped3A = tpu.sem_alloc : memref<!tpu.dma_semaphore, #tpu.memory_space<semaphore_mem>>
      tpu.enqueue_dma source(%arg3 : memref<10000xf32, #tpu.memory_space<hbm>>) target(%arg9 : memref<10000xf32, #tpu.memory_space<vmem>>) target_semaphore(%run_scoped3A : memref<!tpu.dma_semaphore, #tpu.memory_space<semaphore_mem>>)
      tpu.wait_dma2 semaphore(%run_scoped3A : memref<!tpu.dma_semaphore, #tpu.memory_space<semaphore_mem>>) src(%arg3 : memref<10000xf32, #tpu.memory_space<hbm>>) dst(%arg9 : memref<10000xf32, #tpu.memory_space<vmem>>)
      tpu.yield
    }) : () -> ()
    "tpu.region"() ({
      %run_scoped3A = tpu.sem_alloc : memref<!tpu.dma_semaphore, #tpu.memory_space<semaphore_mem>>
      %dma_start3A = tpu.memref_slice %arg4[%mul3A_2] : memref<320000xi32, #tpu.memory_space<hbm>> -> memref<10000xi32, #tpu.memory_space<hbm>>
      %dma_start3A_14 = tpu.memref_slice %arg4[%mul3A_2] : memref<320000xi32, #tpu.memory_space<hbm>> -> memref<10000xi32, #tpu.memory_space<hbm>>
      tpu.enqueue_dma source(%dma_start3A_14 : memref<10000xi32, #tpu.memory_space<hbm>>) target(%arg10 : memref<10000xi32, #tpu.memory_space<vmem>>) target_semaphore(%run_scoped3A : memref<!tpu.dma_semaphore, #tpu.memory_space<semaphore_mem>>)
      %dma_wait3A = tpu.memref_slice %arg4[%mul3A_2] : memref<320000xi32, #tpu.memory_space<hbm>> -> memref<10000xi32, #tpu.memory_space<hbm>>
      %dma_wait3A_15 = tpu.memref_slice %arg4[%mul3A_2] : memref<320000xi32, #tpu.memory_space<hbm>> -> memref<10000xi32, #tpu.memory_space<hbm>>
      tpu.wait_dma2 semaphore(%run_scoped3A : memref<!tpu.dma_semaphore, #tpu.memory_space<semaphore_mem>>) src(%dma_wait3A_15 : memref<10000xi32, #tpu.memory_space<hbm>>) dst(%arg10 : memref<10000xi32, #tpu.memory_space<vmem>>)
      tpu.yield
    }) : () -> ()
    "tpu.region"() ({
      %run_scoped3A = tpu.sem_alloc : memref<!tpu.dma_semaphore, #tpu.memory_space<semaphore_mem>>
      %dma_start3A = tpu.memref_slice %arg5[%mul3A_2] : memref<320000xi32, #tpu.memory_space<hbm>> -> memref<10000xi32, #tpu.memory_space<hbm>>
      %dma_start3A_14 = tpu.memref_slice %arg5[%mul3A_2] : memref<320000xi32, #tpu.memory_space<hbm>> -> memref<10000xi32, #tpu.memory_space<hbm>>
      tpu.enqueue_dma source(%dma_start3A_14 : memref<10000xi32, #tpu.memory_space<hbm>>) target(%arg11 : memref<10000xi32, #tpu.memory_space<vmem>>) target_semaphore(%run_scoped3A : memref<!tpu.dma_semaphore, #tpu.memory_space<semaphore_mem>>)
      %dma_wait3A = tpu.memref_slice %arg5[%mul3A_2] : memref<320000xi32, #tpu.memory_space<hbm>> -> memref<10000xi32, #tpu.memory_space<hbm>>
      %dma_wait3A_15 = tpu.memref_slice %arg5[%mul3A_2] : memref<320000xi32, #tpu.memory_space<hbm>> -> memref<10000xi32, #tpu.memory_space<hbm>>
      tpu.wait_dma2 semaphore(%run_scoped3A : memref<!tpu.dma_semaphore, #tpu.memory_space<semaphore_mem>>) src(%dma_wait3A_15 : memref<10000xi32, #tpu.memory_space<hbm>>) dst(%arg11 : memref<10000xi32, #tpu.memory_space<vmem>>)
      tpu.yield
    }) : () -> ()
    %add3A_3 = arith.constant 320000 : i32
    %add3A_4 = arith.addi %add3A_3, %mul3A_2 : i32
    "tpu.region"() ({
      %run_scoped3A = tpu.sem_alloc : memref<!tpu.dma_semaphore, #tpu.memory_space<semaphore_mem>>
      %dma_start3A = tpu.memref_slice %arg6[%add3A_4] : memref<960000xf32, #tpu.memory_space<hbm>> -> memref<10000xf32, #tpu.memory_space<hbm>>
      %dma_start3A_14 = tpu.memref_slice %arg6[%add3A_4] : memref<960000xf32, #tpu.memory_space<hbm>> -> memref<10000xf32, #tpu.memory_space<hbm>>
      tpu.enqueue_dma source(%dma_start3A_14 : memref<10000xf32, #tpu.memory_space<hbm>>) target(%arg12 : memref<10000xf32, #tpu.memory_space<vmem>>) target_semaphore(%run_scoped3A : memref<!tpu.dma_semaphore, #tpu.memory_space<semaphore_mem>>)
      %dma_wait3A = tpu.memref_slice %arg6[%add3A_4] : memref<960000xf32, #tpu.memory_space<hbm>> -> memref<10000xf32, #tpu.memory_space<hbm>>
      %dma_wait3A_15 = tpu.memref_slice %arg6[%add3A_4] : memref<960000xf32, #tpu.memory_space<hbm>> -> memref<10000xf32, #tpu.memory_space<hbm>>
      tpu.wait_dma2 semaphore(%run_scoped3A : memref<!tpu.dma_semaphore, #tpu.memory_space<semaphore_mem>>) src(%dma_wait3A_15 : memref<10000xf32, #tpu.memory_space<hbm>>) dst(%arg12 : memref<10000xf32, #tpu.memory_space<vmem>>)
      tpu.yield
    }) : () -> ()
    %broadcast_in_dim3A = arith.constant 0.000000e+00 : f32
    %broadcast_in_dim3A_5 = vector.broadcast %broadcast_in_dim3A : f32 to vector<16xf32>
    %parallel_loop3A = arith.constant 0 : i32
    %parallel_loop3A_6 = arith.constant 625 : i32
    %parallel_loop3A_7 = arith.constant 1 : i32
    scf.for %parallel_loop3A_14 = %parallel_loop3A to %parallel_loop3A_6 step %parallel_loop3A_7  : i32 {
      %parallel_loop3A_15 = arith.constant 16 : i32
      %parallel_loop3A_16 = arith.muli %parallel_loop3A_14, %parallel_loop3A_15 : i32
      %parallel_loop3A_17 = arith.index_cast %parallel_loop3A_16 : i32 to index
      %parallel_loop3A_18 = tpu.vector_load %arg13[%parallel_loop3A_17] {strides = array<i32>} : memref<10000xf32, #tpu.memory_space<vmem>>, vector<16xf32>,
      tpu.vector_store %arg13[%parallel_loop3A_17], %broadcast_in_dim3A_5 {strides = array<i32>} : memref<10000xf32, #tpu.memory_space<vmem>>, vector<16xf32>,
      %parallel_loop3A_19 = arith.index_cast %parallel_loop3A_16 : i32 to index
      %parallel_loop3A_20 = tpu.vector_load %arg14[%parallel_loop3A_19] {strides = array<i32>} : memref<10000xf32, #tpu.memory_space<vmem>>, vector<16xf32>,
      tpu.vector_store %arg14[%parallel_loop3A_19], %broadcast_in_dim3A_5 {strides = array<i32>} : memref<10000xf32, #tpu.memory_space<vmem>>, vector<16xf32>,
      %parallel_loop3A_21 = arith.index_cast %parallel_loop3A_16 : i32 to index
      %parallel_loop3A_22 = tpu.vector_load %arg15[%parallel_loop3A_21] {strides = array<i32>} : memref<10000xf32, #tpu.memory_space<vmem>>, vector<16xf32>,
      tpu.vector_store %arg15[%parallel_loop3A_21], %broadcast_in_dim3A_5 {strides = array<i32>} : memref<10000xf32, #tpu.memory_space<vmem>>, vector<16xf32>,
      %parallel_loop3A_23 = arith.index_cast %parallel_loop3A_16 : i32 to index
      %parallel_loop3A_24 = tpu.vector_load %arg16[%parallel_loop3A_23] {strides = array<i32>} : memref<10000xf32, #tpu.memory_space<vmem>>, vector<16xf32>,
      tpu.vector_store %arg16[%parallel_loop3A_23], %broadcast_in_dim3A_5 {strides = array<i32>} : memref<10000xf32, #tpu.memory_space<vmem>>, vector<16xf32>,
      %parallel_loop3A_25 = arith.index_cast %parallel_loop3A_16 : i32 to index
      %parallel_loop3A_26 = tpu.vector_load %arg17[%parallel_loop3A_25] {strides = array<i32>} : memref<10000xf32, #tpu.memory_space<vmem>>, vector<16xf32>,
      tpu.vector_store %arg17[%parallel_loop3A_25], %broadcast_in_dim3A_5 {strides = array<i32>} : memref<10000xf32, #tpu.memory_space<vmem>>, vector<16xf32>,
    } {sc.loop_unroll_factor = 4 : i64, sc.parallel_access}
    %parallel_loop3A_8 = arith.constant 0 : i32
    %parallel_loop3A_9 = arith.constant 125 : i32
    %parallel_loop3A_10 = arith.constant 1 : i32
    scf.for %parallel_loop3A_14 = %parallel_loop3A_8 to %parallel_loop3A_9 step %parallel_loop3A_10  : i32 {
      %parallel_loop3A_15 = arith.constant 5 : i32
      %parallel_loop3A_16 = arith.muli %parallel_loop3A_14, %parallel_loop3A_15 : i32
      %parallel_loop3A_17 = arith.constant 0 : i32
      %parallel_loop3A_18 = arith.addi %parallel_loop3A_16, %parallel_loop3A_17 : i32
      %parallel_loop3A_19 = arith.constant 16 : i32
      %parallel_loop3A_20 = arith.muli %parallel_loop3A_18, %parallel_loop3A_19 : i32
      %parallel_loop3A_21 = arith.index_cast %parallel_loop3A_20 : i32 to index
      %parallel_loop3A_22 = tpu.vector_load %arg11[%parallel_loop3A_21] {strides = array<i32>} : memref<10000xi32, #tpu.memory_space<vmem>>, vector<16xi32>,
      %parallel_loop3A_23 = arith.index_cast %parallel_loop3A_20 : i32 to index
      %parallel_loop3A_24 = tpu.vector_load %arg10[%parallel_loop3A_23] {strides = array<i32>} : memref<10000xi32, #tpu.memory_space<vmem>>, vector<16xi32>,
      %parallel_loop3A_25 = arith.index_cast %parallel_loop3A_20 : i32 to index
      %parallel_loop3A_26 = tpu.vector_load %arg12[%parallel_loop3A_25] {strides = array<i32>} : memref<10000xf32, #tpu.memory_space<vmem>>, vector<16xf32>,
      %parallel_loop3A_27 = tpu.vector_load_idx %arg8[%parallel_loop3A_22] : memref<10000xf32, #tpu.memory_space<vmem>>[vector<16xi32>], vector<16xf32>,
      %parallel_loop3A_28 = tpu.vector_load_idx %arg9[%parallel_loop3A_24] : memref<10000xf32, #tpu.memory_space<vmem>>[vector<16xi32>], vector<16xf32>,
      %parallel_loop3A_29 = arith.addf %parallel_loop3A_27, %parallel_loop3A_28 : vector<16xf32>
      %parallel_loop3A_30 = arith.addf %parallel_loop3A_29, %parallel_loop3A_26 : vector<16xf32>
      %parallel_loop3A_31 = arith.constant 0.000000e+00 : f32
      %parallel_loop3A_32 = vector.broadcast %parallel_loop3A_31 : f32 to vector<16xf32>
      %parallel_loop3A_33 = arith.maximumf %parallel_loop3A_30, %parallel_loop3A_32 : vector<16xf32>
      tpu.vector_store_idx %arg13[%parallel_loop3A_22], %parallel_loop3A_33 {add = true} : memref<10000xf32, #tpu.memory_space<vmem>>[vector<16xi32>], vector<16xf32>,
      %parallel_loop3A_34 = arith.constant 5 : i32
      %parallel_loop3A_35 = arith.muli %parallel_loop3A_14, %parallel_loop3A_34 : i32
      %parallel_loop3A_36 = arith.constant 1 : i32
      %parallel_loop3A_37 = arith.addi %parallel_loop3A_35, %parallel_loop3A_36 : i32
      %parallel_loop3A_38 = arith.constant 16 : i32
      %parallel_loop3A_39 = arith.muli %parallel_loop3A_37, %parallel_loop3A_38 : i32
      %parallel_loop3A_40 = arith.index_cast %parallel_loop3A_39 : i32 to index
      %parallel_loop3A_41 = tpu.vector_load %arg11[%parallel_loop3A_40] {strides = array<i32>} : memref<10000xi32, #tpu.memory_space<vmem>>, vector<16xi32>,
      %parallel_loop3A_42 = arith.index_cast %parallel_loop3A_39 : i32 to index
      %parallel_loop3A_43 = tpu.vector_load %arg10[%parallel_loop3A_42] {strides = array<i32>} : memref<10000xi32, #tpu.memory_space<vmem>>, vector<16xi32>,
      %parallel_loop3A_44 = arith.index_cast %parallel_loop3A_39 : i32 to index
      %parallel_loop3A_45 = tpu.vector_load %arg12[%parallel_loop3A_44] {strides = array<i32>} : memref<10000xf32, #tpu.memory_space<vmem>>, vector<16xf32>,
      %parallel_loop3A_46 = tpu.vector_load_idx %arg8[%parallel_loop3A_41] : memref<10000xf32, #tpu.memory_space<vmem>>[vector<16xi32>], vector<16xf32>,
      %parallel_loop3A_47 = tpu.vector_load_idx %arg9[%parallel_loop3A_43] : memref<10000xf32, #tpu.memory_space<vmem>>[vector<16xi32>], vector<16xf32>,
      %parallel_loop3A_48 = arith.addf %parallel_loop3A_46, %parallel_loop3A_47 : vector<16xf32>
      %parallel_loop3A_49 = arith.addf %parallel_loop3A_48, %parallel_loop3A_45 : vector<16xf32>
      %parallel_loop3A_50 = arith.constant 0.000000e+00 : f32
      %parallel_loop3A_51 = vector.broadcast %parallel_loop3A_50 : f32 to vector<16xf32>
      %parallel_loop3A_52 = arith.maximumf %parallel_loop3A_49, %parallel_loop3A_51 : vector<16xf32>
      tpu.vector_store_idx %arg14[%parallel_loop3A_41], %parallel_loop3A_52 {add = true} : memref<10000xf32, #tpu.memory_space<vmem>>[vector<16xi32>], vector<16xf32>,
      %parallel_loop3A_53 = arith.constant 5 : i32
      %parallel_loop3A_54 = arith.muli %parallel_loop3A_14, %parallel_loop3A_53 : i32
      %parallel_loop3A_55 = arith.constant 2 : i32
      %parallel_loop3A_56 = arith.addi %parallel_loop3A_54, %parallel_loop3A_55 : i32
      %parallel_loop3A_57 = arith.constant 16 : i32
      %parallel_loop3A_58 = arith.muli %parallel_loop3A_56, %parallel_loop3A_57 : i32
      %parallel_loop3A_59 = arith.index_cast %parallel_loop3A_58 : i32 to index
      %parallel_loop3A_60 = tpu.vector_load %arg11[%parallel_loop3A_59] {strides = array<i32>} : memref<10000xi32, #tpu.memory_space<vmem>>, vector<16xi32>,
      %parallel_loop3A_61 = arith.index_cast %parallel_loop3A_58 : i32 to index
      %parallel_loop3A_62 = tpu.vector_load %arg10[%parallel_loop3A_61] {strides = array<i32>} : memref<10000xi32, #tpu.memory_space<vmem>>, vector<16xi32>,
      %parallel_loop3A_63 = arith.index_cast %parallel_loop3A_58 : i32 to index
      %parallel_loop3A_64 = tpu.vector_load %arg12[%parallel_loop3A_63] {strides = array<i32>} : memref<10000xf32, #tpu.memory_space<vmem>>, vector<16xf32>,
      %parallel_loop3A_65 = tpu.vector_load_idx %arg8[%parallel_loop3A_60] : memref<10000xf32, #tpu.memory_space<vmem>>[vector<16xi32>], vector<16xf32>,
      %parallel_loop3A_66 = tpu.vector_load_idx %arg9[%parallel_loop3A_62] : memref<10000xf32, #tpu.memory_space<vmem>>[vector<16xi32>], vector<16xf32>,
      %parallel_loop3A_67 = arith.addf %parallel_loop3A_65, %parallel_loop3A_66 : vector<16xf32>
      %parallel_loop3A_68 = arith.addf %parallel_loop3A_67, %parallel_loop3A_64 : vector<16xf32>
      %parallel_loop3A_69 = arith.constant 0.000000e+00 : f32
      %parallel_loop3A_70 = vector.broadcast %parallel_loop3A_69 : f32 to vector<16xf32>
      %parallel_loop3A_71 = arith.maximumf %parallel_loop3A_68, %parallel_loop3A_70 : vector<16xf32>
      tpu.vector_store_idx %arg15[%parallel_loop3A_60], %parallel_loop3A_71 {add = true} : memref<10000xf32, #tpu.memory_space<vmem>>[vector<16xi32>], vector<16xf32>,
      %parallel_loop3A_72 = arith.constant 5 : i32
      %parallel_loop3A_73 = arith.muli %parallel_loop3A_14, %parallel_loop3A_72 : i32
      %parallel_loop3A_74 = arith.constant 3 : i32
      %parallel_loop3A_75 = arith.addi %parallel_loop3A_73, %parallel_loop3A_74 : i32
      %parallel_loop3A_76 = arith.constant 16 : i32
      %parallel_loop3A_77 = arith.muli %parallel_loop3A_75, %parallel_loop3A_76 : i32
      %parallel_loop3A_78 = arith.index_cast %parallel_loop3A_77 : i32 to index
      %parallel_loop3A_79 = tpu.vector_load %arg11[%parallel_loop3A_78] {strides = array<i32>} : memref<10000xi32, #tpu.memory_space<vmem>>, vector<16xi32>,
      %parallel_loop3A_80 = arith.index_cast %parallel_loop3A_77 : i32 to index
      %parallel_loop3A_81 = tpu.vector_load %arg10[%parallel_loop3A_80] {strides = array<i32>} : memref<10000xi32, #tpu.memory_space<vmem>>, vector<16xi32>,
      %parallel_loop3A_82 = arith.index_cast %parallel_loop3A_77 : i32 to index
      %parallel_loop3A_83 = tpu.vector_load %arg12[%parallel_loop3A_82] {strides = array<i32>} : memref<10000xf32, #tpu.memory_space<vmem>>, vector<16xf32>,
      %parallel_loop3A_84 = tpu.vector_load_idx %arg8[%parallel_loop3A_79] : memref<10000xf32, #tpu.memory_space<vmem>>[vector<16xi32>], vector<16xf32>,
      %parallel_loop3A_85 = tpu.vector_load_idx %arg9[%parallel_loop3A_81] : memref<10000xf32, #tpu.memory_space<vmem>>[vector<16xi32>], vector<16xf32>,
      %parallel_loop3A_86 = arith.addf %parallel_loop3A_84, %parallel_loop3A_85 : vector<16xf32>
      %parallel_loop3A_87 = arith.addf %parallel_loop3A_86, %parallel_loop3A_83 : vector<16xf32>
      %parallel_loop3A_88 = arith.constant 0.000000e+00 : f32
      %parallel_loop3A_89 = vector.broadcast %parallel_loop3A_88 : f32 to vector<16xf32>
      %parallel_loop3A_90 = arith.maximumf %parallel_loop3A_87, %parallel_loop3A_89 : vector<16xf32>
      tpu.vector_store_idx %arg16[%parallel_loop3A_79], %parallel_loop3A_90 {add = true} : memref<10000xf32, #tpu.memory_space<vmem>>[vector<16xi32>], vector<16xf32>,
      %parallel_loop3A_91 = arith.constant 5 : i32
      %parallel_loop3A_92 = arith.muli %parallel_loop3A_14, %parallel_loop3A_91 : i32
      %parallel_loop3A_93 = arith.constant 4 : i32
      %parallel_loop3A_94 = arith.addi %parallel_loop3A_92, %parallel_loop3A_93 : i32
      %parallel_loop3A_95 = arith.constant 16 : i32
      %parallel_loop3A_96 = arith.muli %parallel_loop3A_94, %parallel_loop3A_95 : i32
      %parallel_loop3A_97 = arith.index_cast %parallel_loop3A_96 : i32 to index
      %parallel_loop3A_98 = tpu.vector_load %arg11[%parallel_loop3A_97] {strides = array<i32>} : memref<10000xi32, #tpu.memory_space<vmem>>, vector<16xi32>,
      %parallel_loop3A_99 = arith.index_cast %parallel_loop3A_96 : i32 to index
      %parallel_loop3A_100 = tpu.vector_load %arg10[%parallel_loop3A_99] {strides = array<i32>} : memref<10000xi32, #tpu.memory_space<vmem>>, vector<16xi32>,
      %parallel_loop3A_101 = arith.index_cast %parallel_loop3A_96 : i32 to index
      %parallel_loop3A_102 = tpu.vector_load %arg12[%parallel_loop3A_101] {strides = array<i32>} : memref<10000xf32, #tpu.memory_space<vmem>>, vector<16xf32>,
      %parallel_loop3A_103 = tpu.vector_load_idx %arg8[%parallel_loop3A_98] : memref<10000xf32, #tpu.memory_space<vmem>>[vector<16xi32>], vector<16xf32>,
      %parallel_loop3A_104 = tpu.vector_load_idx %arg9[%parallel_loop3A_100] : memref<10000xf32, #tpu.memory_space<vmem>>[vector<16xi32>], vector<16xf32>,
      %parallel_loop3A_105 = arith.addf %parallel_loop3A_103, %parallel_loop3A_104 : vector<16xf32>
      %parallel_loop3A_106 = arith.addf %parallel_loop3A_105, %parallel_loop3A_102 : vector<16xf32>
      %parallel_loop3A_107 = arith.constant 0.000000e+00 : f32
      %parallel_loop3A_108 = vector.broadcast %parallel_loop3A_107 : f32 to vector<16xf32>
      %parallel_loop3A_109 = arith.maximumf %parallel_loop3A_106, %parallel_loop3A_108 : vector<16xf32>
      tpu.vector_store_idx %arg17[%parallel_loop3A_98], %parallel_loop3A_109 {add = true} : memref<10000xf32, #tpu.memory_space<vmem>>[vector<16xi32>], vector<16xf32>,
    } {sc.loop_unroll_factor = 4 : i64, sc.parallel_access}
    %parallel_loop3A_11 = arith.constant 0 : i32
    %parallel_loop3A_12 = arith.constant 625 : i32
    %parallel_loop3A_13 = arith.constant 1 : i32
    scf.for %parallel_loop3A_14 = %parallel_loop3A_11 to %parallel_loop3A_12 step %parallel_loop3A_13  : i32 {
      %parallel_loop3A_15 = arith.constant 16 : i32
      %parallel_loop3A_16 = arith.muli %parallel_loop3A_14, %parallel_loop3A_15 : i32
      %parallel_loop3A_17 = arith.index_cast %parallel_loop3A_16 : i32 to index
      %parallel_loop3A_18 = tpu.vector_load %arg13[%parallel_loop3A_17] {strides = array<i32>} : memref<10000xf32, #tpu.memory_space<vmem>>, vector<16xf32>,
      %parallel_loop3A_19 = arith.index_cast %parallel_loop3A_16 : i32 to index
      %parallel_loop3A_20 = tpu.vector_load %arg14[%parallel_loop3A_19] {strides = array<i32>} : memref<10000xf32, #tpu.memory_space<vmem>>, vector<16xf32>,
      %parallel_loop3A_21 = arith.addf %parallel_loop3A_18, %parallel_loop3A_20 : vector<16xf32>
      %parallel_loop3A_22 = arith.index_cast %parallel_loop3A_16 : i32 to index
      %parallel_loop3A_23 = tpu.vector_load %arg15[%parallel_loop3A_22] {strides = array<i32>} : memref<10000xf32, #tpu.memory_space<vmem>>, vector<16xf32>,
      %parallel_loop3A_24 = arith.addf %parallel_loop3A_21, %parallel_loop3A_23 : vector<16xf32>
      %parallel_loop3A_25 = arith.index_cast %parallel_loop3A_16 : i32 to index
      %parallel_loop3A_26 = tpu.vector_load %arg16[%parallel_loop3A_25] {strides = array<i32>} : memref<10000xf32, #tpu.memory_space<vmem>>, vector<16xf32>,
      %parallel_loop3A_27 = arith.addf %parallel_loop3A_24, %parallel_loop3A_26 : vector<16xf32>
      %parallel_loop3A_28 = arith.index_cast %parallel_loop3A_16 : i32 to index
      %parallel_loop3A_29 = tpu.vector_load %arg17[%parallel_loop3A_28] {strides = array<i32>} : memref<10000xf32, #tpu.memory_space<vmem>>, vector<16xf32>,
      %parallel_loop3A_30 = arith.addf %parallel_loop3A_27, %parallel_loop3A_29 : vector<16xf32>
      %parallel_loop3A_31 = arith.index_cast %parallel_loop3A_16 : i32 to index
      %parallel_loop3A_32 = tpu.vector_load %arg13[%parallel_loop3A_31] {strides = array<i32>} : memref<10000xf32, #tpu.memory_space<vmem>>, vector<16xf32>,
      tpu.vector_store %arg13[%parallel_loop3A_31], %parallel_loop3A_30 {strides = array<i32>} : memref<10000xf32, #tpu.memory_space<vmem>>, vector<16xf32>,
    } {sc.loop_unroll_factor = 4 : i64, sc.parallel_access}
    "tpu.region"() ({
      %run_scoped3A = tpu.sem_alloc : memref<!tpu.dma_semaphore, #tpu.memory_space<semaphore_mem>>
      %dma_start3A = arith.constant 0 : i32
      %dma_start3A_14 = tpu.memref_slice %arg7[%add3A, %dma_start3A] : memref<32x10000xf32, #tpu.memory_space<hbm>> -> memref<1x10000xf32, #tpu.memory_space<hbm>>
      %dma_start3A_15 = tpu.memref_squeeze %dma_start3A_14 : memref<1x10000xf32, #tpu.memory_space<hbm>> -> memref<10000xf32, #tpu.memory_space<hbm>>
      %dma_start3A_16 = arith.constant 0 : i32
      %dma_start3A_17 = tpu.memref_slice %arg7[%add3A, %dma_start3A_16] : memref<32x10000xf32, #tpu.memory_space<hbm>> -> memref<1x10000xf32, #tpu.memory_space<hbm>>
      %dma_start3A_18 = tpu.memref_squeeze %dma_start3A_17 : memref<1x10000xf32, #tpu.memory_space<hbm>> -> memref<10000xf32, #tpu.memory_space<hbm>>
      tpu.enqueue_dma source(%arg13 : memref<10000xf32, #tpu.memory_space<vmem>>) target(%dma_start3A_18 : memref<10000xf32, #tpu.memory_space<hbm>>) target_semaphore(%run_scoped3A : memref<!tpu.dma_semaphore, #tpu.memory_space<semaphore_mem>>)
      %dma_wait3A = arith.constant 0 : i32
      %dma_wait3A_19 = tpu.memref_slice %arg7[%add3A, %dma_wait3A] : memref<32x10000xf32, #tpu.memory_space<hbm>> -> memref<1x10000xf32, #tpu.memory_space<hbm>>
      %dma_wait3A_20 = tpu.memref_squeeze %dma_wait3A_19 : memref<1x10000xf32, #tpu.memory_space<hbm>> -> memref<10000xf32, #tpu.memory_space<hbm>>
      %dma_wait3A_21 = arith.constant 0 : i32
      %dma_wait3A_22 = tpu.memref_slice %arg7[%add3A, %dma_wait3A_21] : memref<32x10000xf32, #tpu.memory_space<hbm>> -> memref<1x10000xf32, #tpu.memory_space<hbm>>
      %dma_wait3A_23 = tpu.memref_squeeze %dma_wait3A_22 : memref<1x10000xf32, #tpu.memory_space<hbm>> -> memref<10000xf32, #tpu.memory_space<hbm>>
      tpu.wait_dma2 semaphore(%run_scoped3A : memref<!tpu.dma_semaphore, #tpu.memory_space<semaphore_mem>>) src(%arg13 : memref<10000xf32, #tpu.memory_space<vmem>>) dst(%dma_wait3A_23 : memref<10000xf32, #tpu.memory_space<hbm>>)
      tpu.yield
    }) : () -> ()
    return
  }
}

#map = affine_map<(d0, d1) -> (0)>
#map1 = affine_map<(d0, d1) -> (0, 0)>
module attributes {stable_mosaic.version = 14 : i64} {
  func.func @_edge_body(%arg0: i32, %arg1: i32, %arg2: memref<10000xf32, #tpu.memory_space<hbm>>, %arg3: memref<10000xf32, #tpu.memory_space<hbm>>, %arg4: memref<320000xi32, #tpu.memory_space<hbm>>, %arg5: memref<320000xi32, #tpu.memory_space<hbm>>, %arg6: memref<960000xf32, #tpu.memory_space<hbm>>, %arg7: memref<32x10000xf32, #tpu.memory_space<hbm>>, %arg8: memref<10000xf32, #tpu.memory_space<vmem>>, %arg9: memref<10000xf32, #tpu.memory_space<vmem>>, %arg10: memref<10000xi32, #tpu.memory_space<vmem>>, %arg11: memref<10000xi32, #tpu.memory_space<vmem>>, %arg12: memref<10000xf32, #tpu.memory_space<vmem>>, %arg13: memref<10000xf32, #tpu.memory_space<vmem>>, %arg14: memref<10000xf32, #tpu.memory_space<vmem>>, %arg15: memref<10000xf32, #tpu.memory_space<vmem>>, %arg16: memref<10000xf32, #tpu.memory_space<vmem>>, %arg17: memref<10000xf32, #tpu.memory_space<vmem>>) attributes {dimension_semantics = [#tpu.dimension_semantics<core_parallel>, #tpu.dimension_semantics<subcore_parallel>], iteration_bounds = array<i64: 2, 16>, scalar_prefetch = 0 : i64, scratch_operands = 10 : i64, tpu.core_type = #tpu.core_type<sc_vector_subcore>, window_params = [{transform_indices = #map}, {transform_indices = #map}, {transform_indices = #map}, {transform_indices = #map}, {transform_indices = #map}, {transform_indices = #map1}]} {
    %mul3A = arith.constant 2 : i32
    %mul3A_0 = arith.muli %arg1, %mul3A : i32
    %add3A = arith.addi %mul3A_0, %arg0 : i32
    %mul3A_1 = arith.constant 10000 : i32
    %mul3A_2 = arith.muli %add3A, %mul3A_1 : i32
    "tpu.region"() ({
      %run_scoped3A = tpu.sem_alloc : memref<!tpu.dma_semaphore, #tpu.memory_space<semaphore_mem>>
      tpu.enqueue_dma source(%arg2 : memref<10000xf32, #tpu.memory_space<hbm>>) target(%arg8 : memref<10000xf32, #tpu.memory_space<vmem>>) target_semaphore(%run_scoped3A : memref<!tpu.dma_semaphore, #tpu.memory_space<semaphore_mem>>)
      tpu.wait_dma2 semaphore(%run_scoped3A : memref<!tpu.dma_semaphore, #tpu.memory_space<semaphore_mem>>) src(%arg2 : memref<10000xf32, #tpu.memory_space<hbm>>) dst(%arg8 : memref<10000xf32, #tpu.memory_space<vmem>>)
      tpu.yield
    }) : () -> ()
    "tpu.region"() ({
      %run_scoped3A = tpu.sem_alloc : memref<!tpu.dma_semaphore, #tpu.memory_space<semaphore_mem>>
      tpu.enqueue_dma source(%arg3 : memref<10000xf32, #tpu.memory_space<hbm>>) target(%arg9 : memref<10000xf32, #tpu.memory_space<vmem>>) target_semaphore(%run_scoped3A : memref<!tpu.dma_semaphore, #tpu.memory_space<semaphore_mem>>)
      tpu.wait_dma2 semaphore(%run_scoped3A : memref<!tpu.dma_semaphore, #tpu.memory_space<semaphore_mem>>) src(%arg3 : memref<10000xf32, #tpu.memory_space<hbm>>) dst(%arg9 : memref<10000xf32, #tpu.memory_space<vmem>>)
      tpu.yield
    }) : () -> ()
    "tpu.region"() ({
      %run_scoped3A = tpu.sem_alloc : memref<!tpu.dma_semaphore, #tpu.memory_space<semaphore_mem>>
      %dma_start3A = tpu.memref_slice %arg4[%mul3A_2] : memref<320000xi32, #tpu.memory_space<hbm>> -> memref<10000xi32, #tpu.memory_space<hbm>>
      %dma_start3A_14 = tpu.memref_slice %arg4[%mul3A_2] : memref<320000xi32, #tpu.memory_space<hbm>> -> memref<10000xi32, #tpu.memory_space<hbm>>
      tpu.enqueue_dma source(%dma_start3A_14 : memref<10000xi32, #tpu.memory_space<hbm>>) target(%arg10 : memref<10000xi32, #tpu.memory_space<vmem>>) target_semaphore(%run_scoped3A : memref<!tpu.dma_semaphore, #tpu.memory_space<semaphore_mem>>)
      %dma_wait3A = tpu.memref_slice %arg4[%mul3A_2] : memref<320000xi32, #tpu.memory_space<hbm>> -> memref<10000xi32, #tpu.memory_space<hbm>>
      %dma_wait3A_15 = tpu.memref_slice %arg4[%mul3A_2] : memref<320000xi32, #tpu.memory_space<hbm>> -> memref<10000xi32, #tpu.memory_space<hbm>>
      tpu.wait_dma2 semaphore(%run_scoped3A : memref<!tpu.dma_semaphore, #tpu.memory_space<semaphore_mem>>) src(%dma_wait3A_15 : memref<10000xi32, #tpu.memory_space<hbm>>) dst(%arg10 : memref<10000xi32, #tpu.memory_space<vmem>>)
      tpu.yield
    }) : () -> ()
    "tpu.region"() ({
      %run_scoped3A = tpu.sem_alloc : memref<!tpu.dma_semaphore, #tpu.memory_space<semaphore_mem>>
      %dma_start3A = tpu.memref_slice %arg5[%mul3A_2] : memref<320000xi32, #tpu.memory_space<hbm>> -> memref<10000xi32, #tpu.memory_space<hbm>>
      %dma_start3A_14 = tpu.memref_slice %arg5[%mul3A_2] : memref<320000xi32, #tpu.memory_space<hbm>> -> memref<10000xi32, #tpu.memory_space<hbm>>
      tpu.enqueue_dma source(%dma_start3A_14 : memref<10000xi32, #tpu.memory_space<hbm>>) target(%arg11 : memref<10000xi32, #tpu.memory_space<vmem>>) target_semaphore(%run_scoped3A : memref<!tpu.dma_semaphore, #tpu.memory_space<semaphore_mem>>)
      %dma_wait3A = tpu.memref_slice %arg5[%mul3A_2] : memref<320000xi32, #tpu.memory_space<hbm>> -> memref<10000xi32, #tpu.memory_space<hbm>>
      %dma_wait3A_15 = tpu.memref_slice %arg5[%mul3A_2] : memref<320000xi32, #tpu.memory_space<hbm>> -> memref<10000xi32, #tpu.memory_space<hbm>>
      tpu.wait_dma2 semaphore(%run_scoped3A : memref<!tpu.dma_semaphore, #tpu.memory_space<semaphore_mem>>) src(%dma_wait3A_15 : memref<10000xi32, #tpu.memory_space<hbm>>) dst(%arg11 : memref<10000xi32, #tpu.memory_space<vmem>>)
      tpu.yield
    }) : () -> ()
    %add3A_3 = arith.constant 0 : i32
    %add3A_4 = arith.addi %add3A_3, %mul3A_2 : i32
    "tpu.region"() ({
      %run_scoped3A = tpu.sem_alloc : memref<!tpu.dma_semaphore, #tpu.memory_space<semaphore_mem>>
      %dma_start3A = tpu.memref_slice %arg6[%add3A_4] : memref<960000xf32, #tpu.memory_space<hbm>> -> memref<10000xf32, #tpu.memory_space<hbm>>
      %dma_start3A_14 = tpu.memref_slice %arg6[%add3A_4] : memref<960000xf32, #tpu.memory_space<hbm>> -> memref<10000xf32, #tpu.memory_space<hbm>>
      tpu.enqueue_dma source(%dma_start3A_14 : memref<10000xf32, #tpu.memory_space<hbm>>) target(%arg12 : memref<10000xf32, #tpu.memory_space<vmem>>) target_semaphore(%run_scoped3A : memref<!tpu.dma_semaphore, #tpu.memory_space<semaphore_mem>>)
      %dma_wait3A = tpu.memref_slice %arg6[%add3A_4] : memref<960000xf32, #tpu.memory_space<hbm>> -> memref<10000xf32, #tpu.memory_space<hbm>>
      %dma_wait3A_15 = tpu.memref_slice %arg6[%add3A_4] : memref<960000xf32, #tpu.memory_space<hbm>> -> memref<10000xf32, #tpu.memory_space<hbm>>
      tpu.wait_dma2 semaphore(%run_scoped3A : memref<!tpu.dma_semaphore, #tpu.memory_space<semaphore_mem>>) src(%dma_wait3A_15 : memref<10000xf32, #tpu.memory_space<hbm>>) dst(%arg12 : memref<10000xf32, #tpu.memory_space<vmem>>)
      tpu.yield
    }) : () -> ()
    %broadcast_in_dim3A = arith.constant 0.000000e+00 : f32
    %broadcast_in_dim3A_5 = vector.broadcast %broadcast_in_dim3A : f32 to vector<16xf32>
    %parallel_loop3A = arith.constant 0 : i32
    %parallel_loop3A_6 = arith.constant 625 : i32
    %parallel_loop3A_7 = arith.constant 1 : i32
    scf.for %parallel_loop3A_14 = %parallel_loop3A to %parallel_loop3A_6 step %parallel_loop3A_7  : i32 {
      %parallel_loop3A_15 = arith.constant 16 : i32
      %parallel_loop3A_16 = arith.muli %parallel_loop3A_14, %parallel_loop3A_15 : i32
      %parallel_loop3A_17 = arith.index_cast %parallel_loop3A_16 : i32 to index
      %parallel_loop3A_18 = tpu.vector_load %arg13[%parallel_loop3A_17] {strides = array<i32>} : memref<10000xf32, #tpu.memory_space<vmem>>, vector<16xf32>,
      tpu.vector_store %arg13[%parallel_loop3A_17], %broadcast_in_dim3A_5 {strides = array<i32>} : memref<10000xf32, #tpu.memory_space<vmem>>, vector<16xf32>,
      %parallel_loop3A_19 = arith.index_cast %parallel_loop3A_16 : i32 to index
      %parallel_loop3A_20 = tpu.vector_load %arg14[%parallel_loop3A_19] {strides = array<i32>} : memref<10000xf32, #tpu.memory_space<vmem>>, vector<16xf32>,
      tpu.vector_store %arg14[%parallel_loop3A_19], %broadcast_in_dim3A_5 {strides = array<i32>} : memref<10000xf32, #tpu.memory_space<vmem>>, vector<16xf32>,
      %parallel_loop3A_21 = arith.index_cast %parallel_loop3A_16 : i32 to index
      %parallel_loop3A_22 = tpu.vector_load %arg15[%parallel_loop3A_21] {strides = array<i32>} : memref<10000xf32, #tpu.memory_space<vmem>>, vector<16xf32>,
      tpu.vector_store %arg15[%parallel_loop3A_21], %broadcast_in_dim3A_5 {strides = array<i32>} : memref<10000xf32, #tpu.memory_space<vmem>>, vector<16xf32>,
      %parallel_loop3A_23 = arith.index_cast %parallel_loop3A_16 : i32 to index
      %parallel_loop3A_24 = tpu.vector_load %arg16[%parallel_loop3A_23] {strides = array<i32>} : memref<10000xf32, #tpu.memory_space<vmem>>, vector<16xf32>,
      tpu.vector_store %arg16[%parallel_loop3A_23], %broadcast_in_dim3A_5 {strides = array<i32>} : memref<10000xf32, #tpu.memory_space<vmem>>, vector<16xf32>,
      %parallel_loop3A_25 = arith.index_cast %parallel_loop3A_16 : i32 to index
      %parallel_loop3A_26 = tpu.vector_load %arg17[%parallel_loop3A_25] {strides = array<i32>} : memref<10000xf32, #tpu.memory_space<vmem>>, vector<16xf32>,
      tpu.vector_store %arg17[%parallel_loop3A_25], %broadcast_in_dim3A_5 {strides = array<i32>} : memref<10000xf32, #tpu.memory_space<vmem>>, vector<16xf32>,
    } {sc.loop_unroll_factor = 4 : i64, sc.parallel_access}
    %parallel_loop3A_8 = arith.constant 0 : i32
    %parallel_loop3A_9 = arith.constant 125 : i32
    %parallel_loop3A_10 = arith.constant 1 : i32
    scf.for %parallel_loop3A_14 = %parallel_loop3A_8 to %parallel_loop3A_9 step %parallel_loop3A_10  : i32 {
      %parallel_loop3A_15 = arith.constant 5 : i32
      %parallel_loop3A_16 = arith.muli %parallel_loop3A_14, %parallel_loop3A_15 : i32
      %parallel_loop3A_17 = arith.constant 0 : i32
      %parallel_loop3A_18 = arith.addi %parallel_loop3A_16, %parallel_loop3A_17 : i32
      %parallel_loop3A_19 = arith.constant 16 : i32
      %parallel_loop3A_20 = arith.muli %parallel_loop3A_18, %parallel_loop3A_19 : i32
      %parallel_loop3A_21 = arith.index_cast %parallel_loop3A_20 : i32 to index
      %parallel_loop3A_22 = tpu.vector_load %arg11[%parallel_loop3A_21] {strides = array<i32>} : memref<10000xi32, #tpu.memory_space<vmem>>, vector<16xi32>,
      %parallel_loop3A_23 = arith.index_cast %parallel_loop3A_20 : i32 to index
      %parallel_loop3A_24 = tpu.vector_load %arg10[%parallel_loop3A_23] {strides = array<i32>} : memref<10000xi32, #tpu.memory_space<vmem>>, vector<16xi32>,
      %parallel_loop3A_25 = arith.index_cast %parallel_loop3A_20 : i32 to index
      %parallel_loop3A_26 = tpu.vector_load %arg12[%parallel_loop3A_25] {strides = array<i32>} : memref<10000xf32, #tpu.memory_space<vmem>>, vector<16xf32>,
      %parallel_loop3A_27 = tpu.vector_load_idx %arg8[%parallel_loop3A_22] : memref<10000xf32, #tpu.memory_space<vmem>>[vector<16xi32>], vector<16xf32>,
      %parallel_loop3A_28 = tpu.vector_load_idx %arg9[%parallel_loop3A_24] : memref<10000xf32, #tpu.memory_space<vmem>>[vector<16xi32>], vector<16xf32>,
      %parallel_loop3A_29 = arith.addf %parallel_loop3A_27, %parallel_loop3A_28 : vector<16xf32>
      %parallel_loop3A_30 = arith.addf %parallel_loop3A_29, %parallel_loop3A_26 : vector<16xf32>
      %parallel_loop3A_31 = arith.constant 0.000000e+00 : f32
      %parallel_loop3A_32 = vector.broadcast %parallel_loop3A_31 : f32 to vector<16xf32>
      %parallel_loop3A_33 = arith.maximumf %parallel_loop3A_30, %parallel_loop3A_32 : vector<16xf32>
      tpu.vector_store_idx %arg13[%parallel_loop3A_22], %parallel_loop3A_33 {add = true} : memref<10000xf32, #tpu.memory_space<vmem>>[vector<16xi32>], vector<16xf32>,
      %parallel_loop3A_34 = arith.constant 5 : i32
      %parallel_loop3A_35 = arith.muli %parallel_loop3A_14, %parallel_loop3A_34 : i32
      %parallel_loop3A_36 = arith.constant 1 : i32
      %parallel_loop3A_37 = arith.addi %parallel_loop3A_35, %parallel_loop3A_36 : i32
      %parallel_loop3A_38 = arith.constant 16 : i32
      %parallel_loop3A_39 = arith.muli %parallel_loop3A_37, %parallel_loop3A_38 : i32
      %parallel_loop3A_40 = arith.index_cast %parallel_loop3A_39 : i32 to index
      %parallel_loop3A_41 = tpu.vector_load %arg11[%parallel_loop3A_40] {strides = array<i32>} : memref<10000xi32, #tpu.memory_space<vmem>>, vector<16xi32>,
      %parallel_loop3A_42 = arith.index_cast %parallel_loop3A_39 : i32 to index
      %parallel_loop3A_43 = tpu.vector_load %arg10[%parallel_loop3A_42] {strides = array<i32>} : memref<10000xi32, #tpu.memory_space<vmem>>, vector<16xi32>,
      %parallel_loop3A_44 = arith.index_cast %parallel_loop3A_39 : i32 to index
      %parallel_loop3A_45 = tpu.vector_load %arg12[%parallel_loop3A_44] {strides = array<i32>} : memref<10000xf32, #tpu.memory_space<vmem>>, vector<16xf32>,
      %parallel_loop3A_46 = tpu.vector_load_idx %arg8[%parallel_loop3A_41] : memref<10000xf32, #tpu.memory_space<vmem>>[vector<16xi32>], vector<16xf32>,
      %parallel_loop3A_47 = tpu.vector_load_idx %arg9[%parallel_loop3A_43] : memref<10000xf32, #tpu.memory_space<vmem>>[vector<16xi32>], vector<16xf32>,
      %parallel_loop3A_48 = arith.addf %parallel_loop3A_46, %parallel_loop3A_47 : vector<16xf32>
      %parallel_loop3A_49 = arith.addf %parallel_loop3A_48, %parallel_loop3A_45 : vector<16xf32>
      %parallel_loop3A_50 = arith.constant 0.000000e+00 : f32
      %parallel_loop3A_51 = vector.broadcast %parallel_loop3A_50 : f32 to vector<16xf32>
      %parallel_loop3A_52 = arith.maximumf %parallel_loop3A_49, %parallel_loop3A_51 : vector<16xf32>
      tpu.vector_store_idx %arg14[%parallel_loop3A_41], %parallel_loop3A_52 {add = true} : memref<10000xf32, #tpu.memory_space<vmem>>[vector<16xi32>], vector<16xf32>,
      %parallel_loop3A_53 = arith.constant 5 : i32
      %parallel_loop3A_54 = arith.muli %parallel_loop3A_14, %parallel_loop3A_53 : i32
      %parallel_loop3A_55 = arith.constant 2 : i32
      %parallel_loop3A_56 = arith.addi %parallel_loop3A_54, %parallel_loop3A_55 : i32
      %parallel_loop3A_57 = arith.constant 16 : i32
      %parallel_loop3A_58 = arith.muli %parallel_loop3A_56, %parallel_loop3A_57 : i32
      %parallel_loop3A_59 = arith.index_cast %parallel_loop3A_58 : i32 to index
      %parallel_loop3A_60 = tpu.vector_load %arg11[%parallel_loop3A_59] {strides = array<i32>} : memref<10000xi32, #tpu.memory_space<vmem>>, vector<16xi32>,
      %parallel_loop3A_61 = arith.index_cast %parallel_loop3A_58 : i32 to index
      %parallel_loop3A_62 = tpu.vector_load %arg10[%parallel_loop3A_61] {strides = array<i32>} : memref<10000xi32, #tpu.memory_space<vmem>>, vector<16xi32>,
      %parallel_loop3A_63 = arith.index_cast %parallel_loop3A_58 : i32 to index
      %parallel_loop3A_64 = tpu.vector_load %arg12[%parallel_loop3A_63] {strides = array<i32>} : memref<10000xf32, #tpu.memory_space<vmem>>, vector<16xf32>,
      %parallel_loop3A_65 = tpu.vector_load_idx %arg8[%parallel_loop3A_60] : memref<10000xf32, #tpu.memory_space<vmem>>[vector<16xi32>], vector<16xf32>,
      %parallel_loop3A_66 = tpu.vector_load_idx %arg9[%parallel_loop3A_62] : memref<10000xf32, #tpu.memory_space<vmem>>[vector<16xi32>], vector<16xf32>,
      %parallel_loop3A_67 = arith.addf %parallel_loop3A_65, %parallel_loop3A_66 : vector<16xf32>
      %parallel_loop3A_68 = arith.addf %parallel_loop3A_67, %parallel_loop3A_64 : vector<16xf32>
      %parallel_loop3A_69 = arith.constant 0.000000e+00 : f32
      %parallel_loop3A_70 = vector.broadcast %parallel_loop3A_69 : f32 to vector<16xf32>
      %parallel_loop3A_71 = arith.maximumf %parallel_loop3A_68, %parallel_loop3A_70 : vector<16xf32>
      tpu.vector_store_idx %arg15[%parallel_loop3A_60], %parallel_loop3A_71 {add = true} : memref<10000xf32, #tpu.memory_space<vmem>>[vector<16xi32>], vector<16xf32>,
      %parallel_loop3A_72 = arith.constant 5 : i32
      %parallel_loop3A_73 = arith.muli %parallel_loop3A_14, %parallel_loop3A_72 : i32
      %parallel_loop3A_74 = arith.constant 3 : i32
      %parallel_loop3A_75 = arith.addi %parallel_loop3A_73, %parallel_loop3A_74 : i32
      %parallel_loop3A_76 = arith.constant 16 : i32
      %parallel_loop3A_77 = arith.muli %parallel_loop3A_75, %parallel_loop3A_76 : i32
      %parallel_loop3A_78 = arith.index_cast %parallel_loop3A_77 : i32 to index
      %parallel_loop3A_79 = tpu.vector_load %arg11[%parallel_loop3A_78] {strides = array<i32>} : memref<10000xi32, #tpu.memory_space<vmem>>, vector<16xi32>,
      %parallel_loop3A_80 = arith.index_cast %parallel_loop3A_77 : i32 to index
      %parallel_loop3A_81 = tpu.vector_load %arg10[%parallel_loop3A_80] {strides = array<i32>} : memref<10000xi32, #tpu.memory_space<vmem>>, vector<16xi32>,
      %parallel_loop3A_82 = arith.index_cast %parallel_loop3A_77 : i32 to index
      %parallel_loop3A_83 = tpu.vector_load %arg12[%parallel_loop3A_82] {strides = array<i32>} : memref<10000xf32, #tpu.memory_space<vmem>>, vector<16xf32>,
      %parallel_loop3A_84 = tpu.vector_load_idx %arg8[%parallel_loop3A_79] : memref<10000xf32, #tpu.memory_space<vmem>>[vector<16xi32>], vector<16xf32>,
      %parallel_loop3A_85 = tpu.vector_load_idx %arg9[%parallel_loop3A_81] : memref<10000xf32, #tpu.memory_space<vmem>>[vector<16xi32>], vector<16xf32>,
      %parallel_loop3A_86 = arith.addf %parallel_loop3A_84, %parallel_loop3A_85 : vector<16xf32>
      %parallel_loop3A_87 = arith.addf %parallel_loop3A_86, %parallel_loop3A_83 : vector<16xf32>
      %parallel_loop3A_88 = arith.constant 0.000000e+00 : f32
      %parallel_loop3A_89 = vector.broadcast %parallel_loop3A_88 : f32 to vector<16xf32>
      %parallel_loop3A_90 = arith.maximumf %parallel_loop3A_87, %parallel_loop3A_89 : vector<16xf32>
      tpu.vector_store_idx %arg16[%parallel_loop3A_79], %parallel_loop3A_90 {add = true} : memref<10000xf32, #tpu.memory_space<vmem>>[vector<16xi32>], vector<16xf32>,
      %parallel_loop3A_91 = arith.constant 5 : i32
      %parallel_loop3A_92 = arith.muli %parallel_loop3A_14, %parallel_loop3A_91 : i32
      %parallel_loop3A_93 = arith.constant 4 : i32
      %parallel_loop3A_94 = arith.addi %parallel_loop3A_92, %parallel_loop3A_93 : i32
      %parallel_loop3A_95 = arith.constant 16 : i32
      %parallel_loop3A_96 = arith.muli %parallel_loop3A_94, %parallel_loop3A_95 : i32
      %parallel_loop3A_97 = arith.index_cast %parallel_loop3A_96 : i32 to index
      %parallel_loop3A_98 = tpu.vector_load %arg11[%parallel_loop3A_97] {strides = array<i32>} : memref<10000xi32, #tpu.memory_space<vmem>>, vector<16xi32>,
      %parallel_loop3A_99 = arith.index_cast %parallel_loop3A_96 : i32 to index
      %parallel_loop3A_100 = tpu.vector_load %arg10[%parallel_loop3A_99] {strides = array<i32>} : memref<10000xi32, #tpu.memory_space<vmem>>, vector<16xi32>,
      %parallel_loop3A_101 = arith.index_cast %parallel_loop3A_96 : i32 to index
      %parallel_loop3A_102 = tpu.vector_load %arg12[%parallel_loop3A_101] {strides = array<i32>} : memref<10000xf32, #tpu.memory_space<vmem>>, vector<16xf32>,
      %parallel_loop3A_103 = tpu.vector_load_idx %arg8[%parallel_loop3A_98] : memref<10000xf32, #tpu.memory_space<vmem>>[vector<16xi32>], vector<16xf32>,
      %parallel_loop3A_104 = tpu.vector_load_idx %arg9[%parallel_loop3A_100] : memref<10000xf32, #tpu.memory_space<vmem>>[vector<16xi32>], vector<16xf32>,
      %parallel_loop3A_105 = arith.addf %parallel_loop3A_103, %parallel_loop3A_104 : vector<16xf32>
      %parallel_loop3A_106 = arith.addf %parallel_loop3A_105, %parallel_loop3A_102 : vector<16xf32>
      %parallel_loop3A_107 = arith.constant 0.000000e+00 : f32
      %parallel_loop3A_108 = vector.broadcast %parallel_loop3A_107 : f32 to vector<16xf32>
      %parallel_loop3A_109 = arith.maximumf %parallel_loop3A_106, %parallel_loop3A_108 : vector<16xf32>
      tpu.vector_store_idx %arg17[%parallel_loop3A_98], %parallel_loop3A_109 {add = true} : memref<10000xf32, #tpu.memory_space<vmem>>[vector<16xi32>], vector<16xf32>,
    } {sc.loop_unroll_factor = 4 : i64, sc.parallel_access}
    %parallel_loop3A_11 = arith.constant 0 : i32
    %parallel_loop3A_12 = arith.constant 625 : i32
    %parallel_loop3A_13 = arith.constant 1 : i32
    scf.for %parallel_loop3A_14 = %parallel_loop3A_11 to %parallel_loop3A_12 step %parallel_loop3A_13  : i32 {
      %parallel_loop3A_15 = arith.constant 16 : i32
      %parallel_loop3A_16 = arith.muli %parallel_loop3A_14, %parallel_loop3A_15 : i32
      %parallel_loop3A_17 = arith.index_cast %parallel_loop3A_16 : i32 to index
      %parallel_loop3A_18 = tpu.vector_load %arg13[%parallel_loop3A_17] {strides = array<i32>} : memref<10000xf32, #tpu.memory_space<vmem>>, vector<16xf32>,
      %parallel_loop3A_19 = arith.index_cast %parallel_loop3A_16 : i32 to index
      %parallel_loop3A_20 = tpu.vector_load %arg14[%parallel_loop3A_19] {strides = array<i32>} : memref<10000xf32, #tpu.memory_space<vmem>>, vector<16xf32>,
      %parallel_loop3A_21 = arith.addf %parallel_loop3A_18, %parallel_loop3A_20 : vector<16xf32>
      %parallel_loop3A_22 = arith.index_cast %parallel_loop3A_16 : i32 to index
      %parallel_loop3A_23 = tpu.vector_load %arg15[%parallel_loop3A_22] {strides = array<i32>} : memref<10000xf32, #tpu.memory_space<vmem>>, vector<16xf32>,
      %parallel_loop3A_24 = arith.addf %parallel_loop3A_21, %parallel_loop3A_23 : vector<16xf32>
      %parallel_loop3A_25 = arith.index_cast %parallel_loop3A_16 : i32 to index
      %parallel_loop3A_26 = tpu.vector_load %arg16[%parallel_loop3A_25] {strides = array<i32>} : memref<10000xf32, #tpu.memory_space<vmem>>, vector<16xf32>,
      %parallel_loop3A_27 = arith.addf %parallel_loop3A_24, %parallel_loop3A_26 : vector<16xf32>
      %parallel_loop3A_28 = arith.index_cast %parallel_loop3A_16 : i32 to index
      %parallel_loop3A_29 = tpu.vector_load %arg17[%parallel_loop3A_28] {strides = array<i32>} : memref<10000xf32, #tpu.memory_space<vmem>>, vector<16xf32>,
      %parallel_loop3A_30 = arith.addf %parallel_loop3A_27, %parallel_loop3A_29 : vector<16xf32>
      %parallel_loop3A_31 = arith.index_cast %parallel_loop3A_16 : i32 to index
      %parallel_loop3A_32 = tpu.vector_load %arg13[%parallel_loop3A_31] {strides = array<i32>} : memref<10000xf32, #tpu.memory_space<vmem>>, vector<16xf32>,
      tpu.vector_store %arg13[%parallel_loop3A_31], %parallel_loop3A_30 {strides = array<i32>} : memref<10000xf32, #tpu.memory_space<vmem>>, vector<16xf32>,
    } {sc.loop_unroll_factor = 4 : i64, sc.parallel_access}
    "tpu.region"() ({
      %run_scoped3A = tpu.sem_alloc : memref<!tpu.dma_semaphore, #tpu.memory_space<semaphore_mem>>
      %dma_start3A = arith.constant 0 : i32
      %dma_start3A_14 = tpu.memref_slice %arg7[%add3A, %dma_start3A] : memref<32x10000xf32, #tpu.memory_space<hbm>> -> memref<1x10000xf32, #tpu.memory_space<hbm>>
      %dma_start3A_15 = tpu.memref_squeeze %dma_start3A_14 : memref<1x10000xf32, #tpu.memory_space<hbm>> -> memref<10000xf32, #tpu.memory_space<hbm>>
      %dma_start3A_16 = arith.constant 0 : i32
      %dma_start3A_17 = tpu.memref_slice %arg7[%add3A, %dma_start3A_16] : memref<32x10000xf32, #tpu.memory_space<hbm>> -> memref<1x10000xf32, #tpu.memory_space<hbm>>
      %dma_start3A_18 = tpu.memref_squeeze %dma_start3A_17 : memref<1x10000xf32, #tpu.memory_space<hbm>> -> memref<10000xf32, #tpu.memory_space<hbm>>
      tpu.enqueue_dma source(%arg13 : memref<10000xf32, #tpu.memory_space<vmem>>) target(%dma_start3A_18 : memref<10000xf32, #tpu.memory_space<hbm>>) target_semaphore(%run_scoped3A : memref<!tpu.dma_semaphore, #tpu.memory_space<semaphore_mem>>)
      %dma_wait3A = arith.constant 0 : i32
      %dma_wait3A_19 = tpu.memref_slice %arg7[%add3A, %dma_wait3A] : memref<32x10000xf32, #tpu.memory_space<hbm>> -> memref<1x10000xf32, #tpu.memory_space<hbm>>
      %dma_wait3A_20 = tpu.memref_squeeze %dma_wait3A_19 : memref<1x10000xf32, #tpu.memory_space<hbm>> -> memref<10000xf32, #tpu.memory_space<hbm>>
      %dma_wait3A_21 = arith.constant 0 : i32
      %dma_wait3A_22 = tpu.memref_slice %arg7[%add3A, %dma_wait3A_21] : memref<32x10000xf32, #tpu.memory_space<hbm>> -> memref<1x10000xf32, #tpu.memory_space<hbm>>
      %dma_wait3A_23 = tpu.memref_squeeze %dma_wait3A_22 : memref<1x10000xf32, #tpu.memory_space<hbm>> -> memref<10000xf32, #tpu.memory_space<hbm>>
      tpu.wait_dma2 semaphore(%run_scoped3A : memref<!tpu.dma_semaphore, #tpu.memory_space<semaphore_mem>>) src(%arg13 : memref<10000xf32, #tpu.memory_space<vmem>>) dst(%dma_wait3A_23 : memref<10000xf32, #tpu.memory_space<hbm>>)
      tpu.yield
    }) : () -> ()
    return
  }
}

#map = affine_map<(d0, d1) -> (0)>
#map1 = affine_map<(d0, d1) -> (0, 0)>
module attributes {stable_mosaic.version = 14 : i64} {
  func.func @_edge_body(%arg0: i32, %arg1: i32, %arg2: memref<10000xf32, #tpu.memory_space<hbm>>, %arg3: memref<10000xf32, #tpu.memory_space<hbm>>, %arg4: memref<320000xi32, #tpu.memory_space<hbm>>, %arg5: memref<320000xi32, #tpu.memory_space<hbm>>, %arg6: memref<960000xf32, #tpu.memory_space<hbm>>, %arg7: memref<32x10000xf32, #tpu.memory_space<hbm>>, %arg8: memref<10000xf32, #tpu.memory_space<vmem>>, %arg9: memref<10000xf32, #tpu.memory_space<vmem>>, %arg10: memref<10000xi32, #tpu.memory_space<vmem>>, %arg11: memref<10000xi32, #tpu.memory_space<vmem>>, %arg12: memref<10000xf32, #tpu.memory_space<vmem>>, %arg13: memref<10000xf32, #tpu.memory_space<vmem>>, %arg14: memref<10000xf32, #tpu.memory_space<vmem>>, %arg15: memref<10000xf32, #tpu.memory_space<vmem>>, %arg16: memref<10000xf32, #tpu.memory_space<vmem>>, %arg17: memref<10000xf32, #tpu.memory_space<vmem>>) attributes {dimension_semantics = [#tpu.dimension_semantics<core_parallel>, #tpu.dimension_semantics<subcore_parallel>], iteration_bounds = array<i64: 2, 16>, scalar_prefetch = 0 : i64, scratch_operands = 10 : i64, tpu.core_type = #tpu.core_type<sc_vector_subcore>, window_params = [{transform_indices = #map}, {transform_indices = #map}, {transform_indices = #map}, {transform_indices = #map}, {transform_indices = #map}, {transform_indices = #map1}]} {
    %mul3A = arith.constant 2 : i32
    %mul3A_0 = arith.muli %arg1, %mul3A : i32
    %add3A = arith.addi %mul3A_0, %arg0 : i32
    %mul3A_1 = arith.constant 10000 : i32
    %mul3A_2 = arith.muli %add3A, %mul3A_1 : i32
    "tpu.region"() ({
      %run_scoped3A = tpu.sem_alloc : memref<!tpu.dma_semaphore, #tpu.memory_space<semaphore_mem>>
      tpu.enqueue_dma source(%arg2 : memref<10000xf32, #tpu.memory_space<hbm>>) target(%arg8 : memref<10000xf32, #tpu.memory_space<vmem>>) target_semaphore(%run_scoped3A : memref<!tpu.dma_semaphore, #tpu.memory_space<semaphore_mem>>)
      tpu.wait_dma2 semaphore(%run_scoped3A : memref<!tpu.dma_semaphore, #tpu.memory_space<semaphore_mem>>) src(%arg2 : memref<10000xf32, #tpu.memory_space<hbm>>) dst(%arg8 : memref<10000xf32, #tpu.memory_space<vmem>>)
      tpu.yield
    }) : () -> ()
    "tpu.region"() ({
      %run_scoped3A = tpu.sem_alloc : memref<!tpu.dma_semaphore, #tpu.memory_space<semaphore_mem>>
      tpu.enqueue_dma source(%arg3 : memref<10000xf32, #tpu.memory_space<hbm>>) target(%arg9 : memref<10000xf32, #tpu.memory_space<vmem>>) target_semaphore(%run_scoped3A : memref<!tpu.dma_semaphore, #tpu.memory_space<semaphore_mem>>)
      tpu.wait_dma2 semaphore(%run_scoped3A : memref<!tpu.dma_semaphore, #tpu.memory_space<semaphore_mem>>) src(%arg3 : memref<10000xf32, #tpu.memory_space<hbm>>) dst(%arg9 : memref<10000xf32, #tpu.memory_space<vmem>>)
      tpu.yield
    }) : () -> ()
    "tpu.region"() ({
      %run_scoped3A = tpu.sem_alloc : memref<!tpu.dma_semaphore, #tpu.memory_space<semaphore_mem>>
      %dma_start3A = tpu.memref_slice %arg4[%mul3A_2] : memref<320000xi32, #tpu.memory_space<hbm>> -> memref<10000xi32, #tpu.memory_space<hbm>>
      %dma_start3A_14 = tpu.memref_slice %arg4[%mul3A_2] : memref<320000xi32, #tpu.memory_space<hbm>> -> memref<10000xi32, #tpu.memory_space<hbm>>
      tpu.enqueue_dma source(%dma_start3A_14 : memref<10000xi32, #tpu.memory_space<hbm>>) target(%arg10 : memref<10000xi32, #tpu.memory_space<vmem>>) target_semaphore(%run_scoped3A : memref<!tpu.dma_semaphore, #tpu.memory_space<semaphore_mem>>)
      %dma_wait3A = tpu.memref_slice %arg4[%mul3A_2] : memref<320000xi32, #tpu.memory_space<hbm>> -> memref<10000xi32, #tpu.memory_space<hbm>>
      %dma_wait3A_15 = tpu.memref_slice %arg4[%mul3A_2] : memref<320000xi32, #tpu.memory_space<hbm>> -> memref<10000xi32, #tpu.memory_space<hbm>>
      tpu.wait_dma2 semaphore(%run_scoped3A : memref<!tpu.dma_semaphore, #tpu.memory_space<semaphore_mem>>) src(%dma_wait3A_15 : memref<10000xi32, #tpu.memory_space<hbm>>) dst(%arg10 : memref<10000xi32, #tpu.memory_space<vmem>>)
      tpu.yield
    }) : () -> ()
    "tpu.region"() ({
      %run_scoped3A = tpu.sem_alloc : memref<!tpu.dma_semaphore, #tpu.memory_space<semaphore_mem>>
      %dma_start3A = tpu.memref_slice %arg5[%mul3A_2] : memref<320000xi32, #tpu.memory_space<hbm>> -> memref<10000xi32, #tpu.memory_space<hbm>>
      %dma_start3A_14 = tpu.memref_slice %arg5[%mul3A_2] : memref<320000xi32, #tpu.memory_space<hbm>> -> memref<10000xi32, #tpu.memory_space<hbm>>
      tpu.enqueue_dma source(%dma_start3A_14 : memref<10000xi32, #tpu.memory_space<hbm>>) target(%arg11 : memref<10000xi32, #tpu.memory_space<vmem>>) target_semaphore(%run_scoped3A : memref<!tpu.dma_semaphore, #tpu.memory_space<semaphore_mem>>)
      %dma_wait3A = tpu.memref_slice %arg5[%mul3A_2] : memref<320000xi32, #tpu.memory_space<hbm>> -> memref<10000xi32, #tpu.memory_space<hbm>>
      %dma_wait3A_15 = tpu.memref_slice %arg5[%mul3A_2] : memref<320000xi32, #tpu.memory_space<hbm>> -> memref<10000xi32, #tpu.memory_space<hbm>>
      tpu.wait_dma2 semaphore(%run_scoped3A : memref<!tpu.dma_semaphore, #tpu.memory_space<semaphore_mem>>) src(%dma_wait3A_15 : memref<10000xi32, #tpu.memory_space<hbm>>) dst(%arg11 : memref<10000xi32, #tpu.memory_space<vmem>>)
      tpu.yield
    }) : () -> ()
    %add3A_3 = arith.constant 640000 : i32
    %add3A_4 = arith.addi %add3A_3, %mul3A_2 : i32
    "tpu.region"() ({
      %run_scoped3A = tpu.sem_alloc : memref<!tpu.dma_semaphore, #tpu.memory_space<semaphore_mem>>
      %dma_start3A = tpu.memref_slice %arg6[%add3A_4] : memref<960000xf32, #tpu.memory_space<hbm>> -> memref<10000xf32, #tpu.memory_space<hbm>>
      %dma_start3A_14 = tpu.memref_slice %arg6[%add3A_4] : memref<960000xf32, #tpu.memory_space<hbm>> -> memref<10000xf32, #tpu.memory_space<hbm>>
      tpu.enqueue_dma source(%dma_start3A_14 : memref<10000xf32, #tpu.memory_space<hbm>>) target(%arg12 : memref<10000xf32, #tpu.memory_space<vmem>>) target_semaphore(%run_scoped3A : memref<!tpu.dma_semaphore, #tpu.memory_space<semaphore_mem>>)
      %dma_wait3A = tpu.memref_slice %arg6[%add3A_4] : memref<960000xf32, #tpu.memory_space<hbm>> -> memref<10000xf32, #tpu.memory_space<hbm>>
      %dma_wait3A_15 = tpu.memref_slice %arg6[%add3A_4] : memref<960000xf32, #tpu.memory_space<hbm>> -> memref<10000xf32, #tpu.memory_space<hbm>>
      tpu.wait_dma2 semaphore(%run_scoped3A : memref<!tpu.dma_semaphore, #tpu.memory_space<semaphore_mem>>) src(%dma_wait3A_15 : memref<10000xf32, #tpu.memory_space<hbm>>) dst(%arg12 : memref<10000xf32, #tpu.memory_space<vmem>>)
      tpu.yield
    }) : () -> ()
    %broadcast_in_dim3A = arith.constant 0.000000e+00 : f32
    %broadcast_in_dim3A_5 = vector.broadcast %broadcast_in_dim3A : f32 to vector<16xf32>
    %parallel_loop3A = arith.constant 0 : i32
    %parallel_loop3A_6 = arith.constant 625 : i32
    %parallel_loop3A_7 = arith.constant 1 : i32
    scf.for %parallel_loop3A_14 = %parallel_loop3A to %parallel_loop3A_6 step %parallel_loop3A_7  : i32 {
      %parallel_loop3A_15 = arith.constant 16 : i32
      %parallel_loop3A_16 = arith.muli %parallel_loop3A_14, %parallel_loop3A_15 : i32
      %parallel_loop3A_17 = arith.index_cast %parallel_loop3A_16 : i32 to index
      %parallel_loop3A_18 = tpu.vector_load %arg13[%parallel_loop3A_17] {strides = array<i32>} : memref<10000xf32, #tpu.memory_space<vmem>>, vector<16xf32>,
      tpu.vector_store %arg13[%parallel_loop3A_17], %broadcast_in_dim3A_5 {strides = array<i32>} : memref<10000xf32, #tpu.memory_space<vmem>>, vector<16xf32>,
      %parallel_loop3A_19 = arith.index_cast %parallel_loop3A_16 : i32 to index
      %parallel_loop3A_20 = tpu.vector_load %arg14[%parallel_loop3A_19] {strides = array<i32>} : memref<10000xf32, #tpu.memory_space<vmem>>, vector<16xf32>,
      tpu.vector_store %arg14[%parallel_loop3A_19], %broadcast_in_dim3A_5 {strides = array<i32>} : memref<10000xf32, #tpu.memory_space<vmem>>, vector<16xf32>,
      %parallel_loop3A_21 = arith.index_cast %parallel_loop3A_16 : i32 to index
      %parallel_loop3A_22 = tpu.vector_load %arg15[%parallel_loop3A_21] {strides = array<i32>} : memref<10000xf32, #tpu.memory_space<vmem>>, vector<16xf32>,
      tpu.vector_store %arg15[%parallel_loop3A_21], %broadcast_in_dim3A_5 {strides = array<i32>} : memref<10000xf32, #tpu.memory_space<vmem>>, vector<16xf32>,
      %parallel_loop3A_23 = arith.index_cast %parallel_loop3A_16 : i32 to index
      %parallel_loop3A_24 = tpu.vector_load %arg16[%parallel_loop3A_23] {strides = array<i32>} : memref<10000xf32, #tpu.memory_space<vmem>>, vector<16xf32>,
      tpu.vector_store %arg16[%parallel_loop3A_23], %broadcast_in_dim3A_5 {strides = array<i32>} : memref<10000xf32, #tpu.memory_space<vmem>>, vector<16xf32>,
      %parallel_loop3A_25 = arith.index_cast %parallel_loop3A_16 : i32 to index
      %parallel_loop3A_26 = tpu.vector_load %arg17[%parallel_loop3A_25] {strides = array<i32>} : memref<10000xf32, #tpu.memory_space<vmem>>, vector<16xf32>,
      tpu.vector_store %arg17[%parallel_loop3A_25], %broadcast_in_dim3A_5 {strides = array<i32>} : memref<10000xf32, #tpu.memory_space<vmem>>, vector<16xf32>,
    } {sc.loop_unroll_factor = 4 : i64, sc.parallel_access}
    %parallel_loop3A_8 = arith.constant 0 : i32
    %parallel_loop3A_9 = arith.constant 125 : i32
    %parallel_loop3A_10 = arith.constant 1 : i32
    scf.for %parallel_loop3A_14 = %parallel_loop3A_8 to %parallel_loop3A_9 step %parallel_loop3A_10  : i32 {
      %parallel_loop3A_15 = arith.constant 5 : i32
      %parallel_loop3A_16 = arith.muli %parallel_loop3A_14, %parallel_loop3A_15 : i32
      %parallel_loop3A_17 = arith.constant 0 : i32
      %parallel_loop3A_18 = arith.addi %parallel_loop3A_16, %parallel_loop3A_17 : i32
      %parallel_loop3A_19 = arith.constant 16 : i32
      %parallel_loop3A_20 = arith.muli %parallel_loop3A_18, %parallel_loop3A_19 : i32
      %parallel_loop3A_21 = arith.index_cast %parallel_loop3A_20 : i32 to index
      %parallel_loop3A_22 = tpu.vector_load %arg11[%parallel_loop3A_21] {strides = array<i32>} : memref<10000xi32, #tpu.memory_space<vmem>>, vector<16xi32>,
      %parallel_loop3A_23 = arith.index_cast %parallel_loop3A_20 : i32 to index
      %parallel_loop3A_24 = tpu.vector_load %arg10[%parallel_loop3A_23] {strides = array<i32>} : memref<10000xi32, #tpu.memory_space<vmem>>, vector<16xi32>,
      %parallel_loop3A_25 = arith.index_cast %parallel_loop3A_20 : i32 to index
      %parallel_loop3A_26 = tpu.vector_load %arg12[%parallel_loop3A_25] {strides = array<i32>} : memref<10000xf32, #tpu.memory_space<vmem>>, vector<16xf32>,
      %parallel_loop3A_27 = tpu.vector_load_idx %arg8[%parallel_loop3A_22] : memref<10000xf32, #tpu.memory_space<vmem>>[vector<16xi32>], vector<16xf32>,
      %parallel_loop3A_28 = tpu.vector_load_idx %arg9[%parallel_loop3A_24] : memref<10000xf32, #tpu.memory_space<vmem>>[vector<16xi32>], vector<16xf32>,
      %parallel_loop3A_29 = arith.addf %parallel_loop3A_27, %parallel_loop3A_28 : vector<16xf32>
      %parallel_loop3A_30 = arith.addf %parallel_loop3A_29, %parallel_loop3A_26 : vector<16xf32>
      %parallel_loop3A_31 = arith.constant 0.000000e+00 : f32
      %parallel_loop3A_32 = vector.broadcast %parallel_loop3A_31 : f32 to vector<16xf32>
      %parallel_loop3A_33 = arith.maximumf %parallel_loop3A_30, %parallel_loop3A_32 : vector<16xf32>
      tpu.vector_store_idx %arg13[%parallel_loop3A_22], %parallel_loop3A_33 {add = true} : memref<10000xf32, #tpu.memory_space<vmem>>[vector<16xi32>], vector<16xf32>,
      %parallel_loop3A_34 = arith.constant 5 : i32
      %parallel_loop3A_35 = arith.muli %parallel_loop3A_14, %parallel_loop3A_34 : i32
      %parallel_loop3A_36 = arith.constant 1 : i32
      %parallel_loop3A_37 = arith.addi %parallel_loop3A_35, %parallel_loop3A_36 : i32
      %parallel_loop3A_38 = arith.constant 16 : i32
      %parallel_loop3A_39 = arith.muli %parallel_loop3A_37, %parallel_loop3A_38 : i32
      %parallel_loop3A_40 = arith.index_cast %parallel_loop3A_39 : i32 to index
      %parallel_loop3A_41 = tpu.vector_load %arg11[%parallel_loop3A_40] {strides = array<i32>} : memref<10000xi32, #tpu.memory_space<vmem>>, vector<16xi32>,
      %parallel_loop3A_42 = arith.index_cast %parallel_loop3A_39 : i32 to index
      %parallel_loop3A_43 = tpu.vector_load %arg10[%parallel_loop3A_42] {strides = array<i32>} : memref<10000xi32, #tpu.memory_space<vmem>>, vector<16xi32>,
      %parallel_loop3A_44 = arith.index_cast %parallel_loop3A_39 : i32 to index
      %parallel_loop3A_45 = tpu.vector_load %arg12[%parallel_loop3A_44] {strides = array<i32>} : memref<10000xf32, #tpu.memory_space<vmem>>, vector<16xf32>,
      %parallel_loop3A_46 = tpu.vector_load_idx %arg8[%parallel_loop3A_41] : memref<10000xf32, #tpu.memory_space<vmem>>[vector<16xi32>], vector<16xf32>,
      %parallel_loop3A_47 = tpu.vector_load_idx %arg9[%parallel_loop3A_43] : memref<10000xf32, #tpu.memory_space<vmem>>[vector<16xi32>], vector<16xf32>,
      %parallel_loop3A_48 = arith.addf %parallel_loop3A_46, %parallel_loop3A_47 : vector<16xf32>
      %parallel_loop3A_49 = arith.addf %parallel_loop3A_48, %parallel_loop3A_45 : vector<16xf32>
      %parallel_loop3A_50 = arith.constant 0.000000e+00 : f32
      %parallel_loop3A_51 = vector.broadcast %parallel_loop3A_50 : f32 to vector<16xf32>
      %parallel_loop3A_52 = arith.maximumf %parallel_loop3A_49, %parallel_loop3A_51 : vector<16xf32>
      tpu.vector_store_idx %arg14[%parallel_loop3A_41], %parallel_loop3A_52 {add = true} : memref<10000xf32, #tpu.memory_space<vmem>>[vector<16xi32>], vector<16xf32>,
      %parallel_loop3A_53 = arith.constant 5 : i32
      %parallel_loop3A_54 = arith.muli %parallel_loop3A_14, %parallel_loop3A_53 : i32
      %parallel_loop3A_55 = arith.constant 2 : i32
      %parallel_loop3A_56 = arith.addi %parallel_loop3A_54, %parallel_loop3A_55 : i32
      %parallel_loop3A_57 = arith.constant 16 : i32
      %parallel_loop3A_58 = arith.muli %parallel_loop3A_56, %parallel_loop3A_57 : i32
      %parallel_loop3A_59 = arith.index_cast %parallel_loop3A_58 : i32 to index
      %parallel_loop3A_60 = tpu.vector_load %arg11[%parallel_loop3A_59] {strides = array<i32>} : memref<10000xi32, #tpu.memory_space<vmem>>, vector<16xi32>,
      %parallel_loop3A_61 = arith.index_cast %parallel_loop3A_58 : i32 to index
      %parallel_loop3A_62 = tpu.vector_load %arg10[%parallel_loop3A_61] {strides = array<i32>} : memref<10000xi32, #tpu.memory_space<vmem>>, vector<16xi32>,
      %parallel_loop3A_63 = arith.index_cast %parallel_loop3A_58 : i32 to index
      %parallel_loop3A_64 = tpu.vector_load %arg12[%parallel_loop3A_63] {strides = array<i32>} : memref<10000xf32, #tpu.memory_space<vmem>>, vector<16xf32>,
      %parallel_loop3A_65 = tpu.vector_load_idx %arg8[%parallel_loop3A_60] : memref<10000xf32, #tpu.memory_space<vmem>>[vector<16xi32>], vector<16xf32>,
      %parallel_loop3A_66 = tpu.vector_load_idx %arg9[%parallel_loop3A_62] : memref<10000xf32, #tpu.memory_space<vmem>>[vector<16xi32>], vector<16xf32>,
      %parallel_loop3A_67 = arith.addf %parallel_loop3A_65, %parallel_loop3A_66 : vector<16xf32>
      %parallel_loop3A_68 = arith.addf %parallel_loop3A_67, %parallel_loop3A_64 : vector<16xf32>
      %parallel_loop3A_69 = arith.constant 0.000000e+00 : f32
      %parallel_loop3A_70 = vector.broadcast %parallel_loop3A_69 : f32 to vector<16xf32>
      %parallel_loop3A_71 = arith.maximumf %parallel_loop3A_68, %parallel_loop3A_70 : vector<16xf32>
      tpu.vector_store_idx %arg15[%parallel_loop3A_60], %parallel_loop3A_71 {add = true} : memref<10000xf32, #tpu.memory_space<vmem>>[vector<16xi32>], vector<16xf32>,
      %parallel_loop3A_72 = arith.constant 5 : i32
      %parallel_loop3A_73 = arith.muli %parallel_loop3A_14, %parallel_loop3A_72 : i32
      %parallel_loop3A_74 = arith.constant 3 : i32
      %parallel_loop3A_75 = arith.addi %parallel_loop3A_73, %parallel_loop3A_74 : i32
      %parallel_loop3A_76 = arith.constant 16 : i32
      %parallel_loop3A_77 = arith.muli %parallel_loop3A_75, %parallel_loop3A_76 : i32
      %parallel_loop3A_78 = arith.index_cast %parallel_loop3A_77 : i32 to index
      %parallel_loop3A_79 = tpu.vector_load %arg11[%parallel_loop3A_78] {strides = array<i32>} : memref<10000xi32, #tpu.memory_space<vmem>>, vector<16xi32>,
      %parallel_loop3A_80 = arith.index_cast %parallel_loop3A_77 : i32 to index
      %parallel_loop3A_81 = tpu.vector_load %arg10[%parallel_loop3A_80] {strides = array<i32>} : memref<10000xi32, #tpu.memory_space<vmem>>, vector<16xi32>,
      %parallel_loop3A_82 = arith.index_cast %parallel_loop3A_77 : i32 to index
      %parallel_loop3A_83 = tpu.vector_load %arg12[%parallel_loop3A_82] {strides = array<i32>} : memref<10000xf32, #tpu.memory_space<vmem>>, vector<16xf32>,
      %parallel_loop3A_84 = tpu.vector_load_idx %arg8[%parallel_loop3A_79] : memref<10000xf32, #tpu.memory_space<vmem>>[vector<16xi32>], vector<16xf32>,
      %parallel_loop3A_85 = tpu.vector_load_idx %arg9[%parallel_loop3A_81] : memref<10000xf32, #tpu.memory_space<vmem>>[vector<16xi32>], vector<16xf32>,
      %parallel_loop3A_86 = arith.addf %parallel_loop3A_84, %parallel_loop3A_85 : vector<16xf32>
      %parallel_loop3A_87 = arith.addf %parallel_loop3A_86, %parallel_loop3A_83 : vector<16xf32>
      %parallel_loop3A_88 = arith.constant 0.000000e+00 : f32
      %parallel_loop3A_89 = vector.broadcast %parallel_loop3A_88 : f32 to vector<16xf32>
      %parallel_loop3A_90 = arith.maximumf %parallel_loop3A_87, %parallel_loop3A_89 : vector<16xf32>
      tpu.vector_store_idx %arg16[%parallel_loop3A_79], %parallel_loop3A_90 {add = true} : memref<10000xf32, #tpu.memory_space<vmem>>[vector<16xi32>], vector<16xf32>,
      %parallel_loop3A_91 = arith.constant 5 : i32
      %parallel_loop3A_92 = arith.muli %parallel_loop3A_14, %parallel_loop3A_91 : i32
      %parallel_loop3A_93 = arith.constant 4 : i32
      %parallel_loop3A_94 = arith.addi %parallel_loop3A_92, %parallel_loop3A_93 : i32
      %parallel_loop3A_95 = arith.constant 16 : i32
      %parallel_loop3A_96 = arith.muli %parallel_loop3A_94, %parallel_loop3A_95 : i32
      %parallel_loop3A_97 = arith.index_cast %parallel_loop3A_96 : i32 to index
      %parallel_loop3A_98 = tpu.vector_load %arg11[%parallel_loop3A_97] {strides = array<i32>} : memref<10000xi32, #tpu.memory_space<vmem>>, vector<16xi32>,
      %parallel_loop3A_99 = arith.index_cast %parallel_loop3A_96 : i32 to index
      %parallel_loop3A_100 = tpu.vector_load %arg10[%parallel_loop3A_99] {strides = array<i32>} : memref<10000xi32, #tpu.memory_space<vmem>>, vector<16xi32>,
      %parallel_loop3A_101 = arith.index_cast %parallel_loop3A_96 : i32 to index
      %parallel_loop3A_102 = tpu.vector_load %arg12[%parallel_loop3A_101] {strides = array<i32>} : memref<10000xf32, #tpu.memory_space<vmem>>, vector<16xf32>,
      %parallel_loop3A_103 = tpu.vector_load_idx %arg8[%parallel_loop3A_98] : memref<10000xf32, #tpu.memory_space<vmem>>[vector<16xi32>], vector<16xf32>,
      %parallel_loop3A_104 = tpu.vector_load_idx %arg9[%parallel_loop3A_100] : memref<10000xf32, #tpu.memory_space<vmem>>[vector<16xi32>], vector<16xf32>,
      %parallel_loop3A_105 = arith.addf %parallel_loop3A_103, %parallel_loop3A_104 : vector<16xf32>
      %parallel_loop3A_106 = arith.addf %parallel_loop3A_105, %parallel_loop3A_102 : vector<16xf32>
      %parallel_loop3A_107 = arith.constant 0.000000e+00 : f32
      %parallel_loop3A_108 = vector.broadcast %parallel_loop3A_107 : f32 to vector<16xf32>
      %parallel_loop3A_109 = arith.maximumf %parallel_loop3A_106, %parallel_loop3A_108 : vector<16xf32>
      tpu.vector_store_idx %arg17[%parallel_loop3A_98], %parallel_loop3A_109 {add = true} : memref<10000xf32, #tpu.memory_space<vmem>>[vector<16xi32>], vector<16xf32>,
    } {sc.loop_unroll_factor = 4 : i64, sc.parallel_access}
    %parallel_loop3A_11 = arith.constant 0 : i32
    %parallel_loop3A_12 = arith.constant 625 : i32
    %parallel_loop3A_13 = arith.constant 1 : i32
    scf.for %parallel_loop3A_14 = %parallel_loop3A_11 to %parallel_loop3A_12 step %parallel_loop3A_13  : i32 {
      %parallel_loop3A_15 = arith.constant 16 : i32
      %parallel_loop3A_16 = arith.muli %parallel_loop3A_14, %parallel_loop3A_15 : i32
      %parallel_loop3A_17 = arith.index_cast %parallel_loop3A_16 : i32 to index
      %parallel_loop3A_18 = tpu.vector_load %arg13[%parallel_loop3A_17] {strides = array<i32>} : memref<10000xf32, #tpu.memory_space<vmem>>, vector<16xf32>,
      %parallel_loop3A_19 = arith.index_cast %parallel_loop3A_16 : i32 to index
      %parallel_loop3A_20 = tpu.vector_load %arg14[%parallel_loop3A_19] {strides = array<i32>} : memref<10000xf32, #tpu.memory_space<vmem>>, vector<16xf32>,
      %parallel_loop3A_21 = arith.addf %parallel_loop3A_18, %parallel_loop3A_20 : vector<16xf32>
      %parallel_loop3A_22 = arith.index_cast %parallel_loop3A_16 : i32 to index
      %parallel_loop3A_23 = tpu.vector_load %arg15[%parallel_loop3A_22] {strides = array<i32>} : memref<10000xf32, #tpu.memory_space<vmem>>, vector<16xf32>,
      %parallel_loop3A_24 = arith.addf %parallel_loop3A_21, %parallel_loop3A_23 : vector<16xf32>
      %parallel_loop3A_25 = arith.index_cast %parallel_loop3A_16 : i32 to index
      %parallel_loop3A_26 = tpu.vector_load %arg16[%parallel_loop3A_25] {strides = array<i32>} : memref<10000xf32, #tpu.memory_space<vmem>>, vector<16xf32>,
      %parallel_loop3A_27 = arith.addf %parallel_loop3A_24, %parallel_loop3A_26 : vector<16xf32>
      %parallel_loop3A_28 = arith.index_cast %parallel_loop3A_16 : i32 to index
      %parallel_loop3A_29 = tpu.vector_load %arg17[%parallel_loop3A_28] {strides = array<i32>} : memref<10000xf32, #tpu.memory_space<vmem>>, vector<16xf32>,
      %parallel_loop3A_30 = arith.addf %parallel_loop3A_27, %parallel_loop3A_29 : vector<16xf32>
      %parallel_loop3A_31 = arith.index_cast %parallel_loop3A_16 : i32 to index
      %parallel_loop3A_32 = tpu.vector_load %arg13[%parallel_loop3A_31] {strides = array<i32>} : memref<10000xf32, #tpu.memory_space<vmem>>, vector<16xf32>,
      tpu.vector_store %arg13[%parallel_loop3A_31], %parallel_loop3A_30 {strides = array<i32>} : memref<10000xf32, #tpu.memory_space<vmem>>, vector<16xf32>,
    } {sc.loop_unroll_factor = 4 : i64, sc.parallel_access}
    "tpu.region"() ({
      %run_scoped3A = tpu.sem_alloc : memref<!tpu.dma_semaphore, #tpu.memory_space<semaphore_mem>>
      %dma_start3A = arith.constant 0 : i32
      %dma_start3A_14 = tpu.memref_slice %arg7[%add3A, %dma_start3A] : memref<32x10000xf32, #tpu.memory_space<hbm>> -> memref<1x10000xf32, #tpu.memory_space<hbm>>
      %dma_start3A_15 = tpu.memref_squeeze %dma_start3A_14 : memref<1x10000xf32, #tpu.memory_space<hbm>> -> memref<10000xf32, #tpu.memory_space<hbm>>
      %dma_start3A_16 = arith.constant 0 : i32
      %dma_start3A_17 = tpu.memref_slice %arg7[%add3A, %dma_start3A_16] : memref<32x10000xf32, #tpu.memory_space<hbm>> -> memref<1x10000xf32, #tpu.memory_space<hbm>>
      %dma_start3A_18 = tpu.memref_squeeze %dma_start3A_17 : memref<1x10000xf32, #tpu.memory_space<hbm>> -> memref<10000xf32, #tpu.memory_space<hbm>>
      tpu.enqueue_dma source(%arg13 : memref<10000xf32, #tpu.memory_space<vmem>>) target(%dma_start3A_18 : memref<10000xf32, #tpu.memory_space<hbm>>) target_semaphore(%run_scoped3A : memref<!tpu.dma_semaphore, #tpu.memory_space<semaphore_mem>>)
      %dma_wait3A = arith.constant 0 : i32
      %dma_wait3A_19 = tpu.memref_slice %arg7[%add3A, %dma_wait3A] : memref<32x10000xf32, #tpu.memory_space<hbm>> -> memref<1x10000xf32, #tpu.memory_space<hbm>>
      %dma_wait3A_20 = tpu.memref_squeeze %dma_wait3A_19 : memref<1x10000xf32, #tpu.memory_space<hbm>> -> memref<10000xf32, #tpu.memory_space<hbm>>
      %dma_wait3A_21 = arith.constant 0 : i32
      %dma_wait3A_22 = tpu.memref_slice %arg7[%add3A, %dma_wait3A_21] : memref<32x10000xf32, #tpu.memory_space<hbm>> -> memref<1x10000xf32, #tpu.memory_space<hbm>>
      %dma_wait3A_23 = tpu.memref_squeeze %dma_wait3A_22 : memref<1x10000xf32, #tpu.memory_space<hbm>> -> memref<10000xf32, #tpu.memory_space<hbm>>
      tpu.wait_dma2 semaphore(%run_scoped3A : memref<!tpu.dma_semaphore, #tpu.memory_space<semaphore_mem>>) src(%arg13 : memref<10000xf32, #tpu.memory_space<vmem>>) dst(%dma_wait3A_23 : memref<10000xf32, #tpu.memory_space<hbm>>)
      tpu.yield
    }) : () -> ()
    return
  }
}

module attributes {stable_mosaic.version = 14 : i64} {
  func.func @_pre_body(%arg0: memref<10000x11xf32, #tpu.memory_space<vmem>>, %arg1: memref<4x320000xf32, #tpu.memory_space<vmem>>, %arg2: memref<1x11xf32, #tpu.memory_space<vmem>>, %arg3: memref<1x11xf32, #tpu.memory_space<vmem>>, %arg4: memref<3x4xf32, #tpu.memory_space<vmem>>, %arg5: memref<3x1xf32, #tpu.memory_space<vmem>>, %arg6: memref<10000xf32, #tpu.memory_space<vmem>>, %arg7: memref<10000xf32, #tpu.memory_space<vmem>>, %arg8: memref<960000xf32, #tpu.memory_space<vmem>>) attributes {dimension_semantics = [], scalar_prefetch = 0 : i64, scratch_operands = 0 : i64, tpu.core_type = #tpu.core_type<tc>} {
    %get3A = arith.constant 0 : index
    %get3A_0 = arith.constant 0 : index
    %get3A_1 = vector.load %arg0[%get3A, %get3A_0] : memref<10000x11xf32, #tpu.memory_space<vmem>>, vector<10000x11xf32>
    %get3A_2 = arith.constant 0 : index
    %get3A_3 = arith.constant 0 : index
    %get3A_4 = vector.load %arg2[%get3A_2, %get3A_3] : memref<1x11xf32, #tpu.memory_space<vmem>>, vector<1x11xf32>
    %dot_general3A = arith.constant dense<0.000000e+00> : vector<1x10000xf32>
    %dot_general3A_5 = tpu.matmul %get3A_4, %get3A_1, %dot_general3A {dimension_numbers = #tpu.dot_dimension_numbers<[1], [1], [0], [0], [0, 0, 1, 0], [], []>, transpose_lhs_hint = false} : vector<1x11xf32>, vector<10000x11xf32>, vector<1x10000xf32> -> vector<1x10000xf32>
    %squeeze3A = vector.shape_cast %dot_general3A_5 : vector<1x10000xf32> to vector<10000xf32>
    %swap3A = arith.constant 0 : index
    %swap3A_6 = vector.load %arg6[%swap3A] : memref<10000xf32, #tpu.memory_space<vmem>>, vector<10000xf32>
    tpu.vector_store %arg6[%swap3A], %squeeze3A {strides = array<i32>} : memref<10000xf32, #tpu.memory_space<vmem>>, vector<10000xf32>,
    %get3A_7 = arith.constant 0 : index
    %get3A_8 = arith.constant 0 : index
    %get3A_9 = vector.load %arg3[%get3A_7, %get3A_8] : memref<1x11xf32, #tpu.memory_space<vmem>>, vector<1x11xf32>
    %dot_general3A_10 = arith.constant dense<0.000000e+00> : vector<1x10000xf32>
    %dot_general3A_11 = tpu.matmul %get3A_9, %get3A_1, %dot_general3A_10 {dimension_numbers = #tpu.dot_dimension_numbers<[1], [1], [0], [0], [0, 0, 1, 0], [], []>, transpose_lhs_hint = false} : vector<1x11xf32>, vector<10000x11xf32>, vector<1x10000xf32> -> vector<1x10000xf32>
    %squeeze3A_12 = vector.shape_cast %dot_general3A_11 : vector<1x10000xf32> to vector<10000xf32>
    %swap3A_13 = arith.constant 0 : index
    %swap3A_14 = vector.load %arg7[%swap3A_13] : memref<10000xf32, #tpu.memory_space<vmem>>, vector<10000xf32>
    tpu.vector_store %arg7[%swap3A_13], %squeeze3A_12 {strides = array<i32>} : memref<10000xf32, #tpu.memory_space<vmem>>, vector<10000xf32>,
    %get3A_15 = arith.constant 0 : index
    %get3A_16 = arith.constant 0 : index
    %get3A_17 = vector.load %arg4[%get3A_15, %get3A_16] : memref<3x4xf32, #tpu.memory_space<vmem>>, vector<3x4xf32>
    %get3A_18 = arith.constant 0 : index
    %get3A_19 = arith.constant 0 : index
    %get3A_20 = vector.load %arg1[%get3A_18, %get3A_19] : memref<4x320000xf32, #tpu.memory_space<vmem>>, vector<4x320000xf32>
    %dot_general3A_21 = arith.constant dense<0.000000e+00> : vector<3x320000xf32>
    %dot_general3A_22 = tpu.matmul %get3A_17, %get3A_20, %dot_general3A_21 {dimension_numbers = #tpu.dot_dimension_numbers<[1], [0], [0], [1], [0, 0, 1, 1], [], []>, transpose_lhs_hint = false} : vector<3x4xf32>, vector<4x320000xf32>, vector<3x320000xf32> -> vector<3x320000xf32>
    %get3A_23 = arith.constant 0 : index
    %get3A_24 = arith.constant 0 : index
    %get3A_25 = vector.load %arg5[%get3A_23, %get3A_24] : memref<3x1xf32, #tpu.memory_space<vmem>>, vector<3x1xf32>
    %add3A = vector.broadcast %get3A_25 : vector<3x1xf32> to vector<3x320000xf32>
    %add3A_26 = arith.addf %dot_general3A_22, %add3A : vector<3x320000xf32>
    %slice3A = vector.extract_strided_slice %add3A_26 {offsets = [0, 0], sizes = [1, 320000], strides = [1, 1]} : vector<3x320000xf32> to vector<1x320000xf32>
    %squeeze3A_27 = vector.shape_cast %slice3A : vector<1x320000xf32> to vector<320000xf32>
    %swap3A_28 = arith.constant 0 : index
    %swap3A_29 = vector.load %arg8[%swap3A_28] : memref<960000xf32, #tpu.memory_space<vmem>>, vector<320000xf32>
    tpu.vector_store %arg8[%swap3A_28], %squeeze3A_27 {strides = array<i32>} : memref<960000xf32, #tpu.memory_space<vmem>>, vector<320000xf32>,
    %slice3A_30 = vector.extract_strided_slice %add3A_26 {offsets = [1, 0], sizes = [1, 320000], strides = [1, 1]} : vector<3x320000xf32> to vector<1x320000xf32>
    %squeeze3A_31 = vector.shape_cast %slice3A_30 : vector<1x320000xf32> to vector<320000xf32>
    %swap3A_32 = arith.constant 320000 : index
    %swap3A_33 = vector.load %arg8[%swap3A_32] : memref<960000xf32, #tpu.memory_space<vmem>>, vector<320000xf32>
    tpu.vector_store %arg8[%swap3A_32], %squeeze3A_31 {strides = array<i32>} : memref<960000xf32, #tpu.memory_space<vmem>>, vector<320000xf32>,
    %slice3A_34 = vector.extract_strided_slice %add3A_26 {offsets = [2, 0], sizes = [1, 320000], strides = [1, 1]} : vector<3x320000xf32> to vector<1x320000xf32>
    %squeeze3A_35 = vector.shape_cast %slice3A_34 : vector<1x320000xf32> to vector<320000xf32>
    %swap3A_36 = arith.constant 640000 : index
    %swap3A_37 = vector.load %arg8[%swap3A_36] : memref<960000xf32, #tpu.memory_space<vmem>>, vector<320000xf32>
    tpu.vector_store %arg8[%swap3A_36], %squeeze3A_35 {strides = array<i32>} : memref<960000xf32, #tpu.memory_space<vmem>>, vector<320000xf32>,
    return
  }
}

module attributes {stable_mosaic.version = 14 : i64} {
  func.func @_premm_body(%arg0: memref<10000x11xf32, #tpu.memory_space<vmem>>, %arg1: memref<11x128xf32, #tpu.memory_space<vmem>>, %arg2: memref<1x128xf32, #tpu.memory_space<vmem>>, %arg3: memref<10000x128xf32, #tpu.memory_space<vmem>>) attributes {dimension_semantics = [], scalar_prefetch = 0 : i64, scratch_operands = 0 : i64, tpu.core_type = #tpu.core_type<tc>} {
    %get3A = arith.constant 0 : index
    %get3A_0 = arith.constant 0 : index
    %get3A_1 = vector.load %arg0[%get3A, %get3A_0] : memref<10000x11xf32, #tpu.memory_space<vmem>>, vector<10000x11xf32>
    %get3A_2 = arith.constant 0 : index
    %get3A_3 = arith.constant 0 : index
    %get3A_4 = vector.load %arg1[%get3A_2, %get3A_3] : memref<11x128xf32, #tpu.memory_space<vmem>>, vector<11x128xf32>
    %dot_general3A = arith.constant dense<0.000000e+00> : vector<10000x128xf32>
    %dot_general3A_5 = tpu.matmul %get3A_1, %get3A_4, %dot_general3A {dimension_numbers = #tpu.dot_dimension_numbers<[1], [0], [0], [1], [0, 0, 1, 1], [], []>, transpose_lhs_hint = false} : vector<10000x11xf32>, vector<11x128xf32>, vector<10000x128xf32> -> vector<10000x128xf32>
    %get3A_6 = arith.constant 0 : index
    %get3A_7 = arith.constant 0 : index
    %get3A_8 = vector.load %arg2[%get3A_6, %get3A_7] : memref<1x128xf32, #tpu.memory_space<vmem>>, vector<1x128xf32>
    %add3A = vector.broadcast %get3A_8 : vector<1x128xf32> to vector<10000x128xf32>
    %add3A_9 = arith.addf %dot_general3A_5, %add3A : vector<10000x128xf32>
    %swap3A = arith.constant 0 : index
    %swap3A_10 = arith.constant 0 : index
    %swap3A_11 = vector.load %arg3[%swap3A, %swap3A_10] : memref<10000x128xf32, #tpu.memory_space<vmem>>, vector<10000x128xf32>
    tpu.vector_store %arg3[%swap3A, %swap3A_10], %add3A_9 {strides = array<i32>} : memref<10000x128xf32, #tpu.memory_space<vmem>>, vector<10000x128xf32>,
    return
  }
}

module attributes {stable_mosaic.version = 14 : i64} {
  func.func @_layer_body(%arg0: memref<10000x128xf32, #tpu.memory_space<vmem>>, %arg1: memref<32x10000xf32, #tpu.memory_space<vmem>>, %arg2: memref<1x128xf32, #tpu.memory_space<vmem>>, %arg3: memref<1x128xf32, #tpu.memory_space<vmem>>, %arg4: memref<1x128xf32, #tpu.memory_space<vmem>>, %arg5: memref<10000x128xf32, #tpu.memory_space<vmem>>, %arg6: memref<10000xf32, #tpu.memory_space<vmem>>, %arg7: memref<10000xf32, #tpu.memory_space<vmem>>) attributes {dimension_semantics = [], scalar_prefetch = 0 : i64, scratch_operands = 0 : i64, tpu.core_type = #tpu.core_type<tc>} {
    %get3A = arith.constant 0 : index
    %get3A_0 = arith.constant 0 : index
    %get3A_1 = vector.load %arg1[%get3A, %get3A_0] : memref<32x10000xf32, #tpu.memory_space<vmem>>, vector<32x10000xf32>
    %broadcast_in_dim3A = arith.constant 1.000000e+00 : f32
    %broadcast_in_dim3A_2 = vector.broadcast %broadcast_in_dim3A : f32 to vector<32x1xf32>
    %dot_general3A = arith.constant dense<0.000000e+00> : vector<10000x1xf32>
    %dot_general3A_3 = tpu.matmul %get3A_1, %broadcast_in_dim3A_2, %dot_general3A {dimension_numbers = #tpu.dot_dimension_numbers<[0], [0], [1], [1], [0, 1, 1, 1], [], []>, precision = #tpu.contract_precision<fp32>, transpose_lhs_hint = false} : vector<32x10000xf32>, vector<32x1xf32>, vector<10000x1xf32> -> vector<10000x1xf32>
    %convert_element_type3A = arith.truncf %dot_general3A_3 : vector<10000x1xf32> to vector<10000x1xbf16>
    %convert_element_type3A_4 = arith.extf %convert_element_type3A : vector<10000x1xbf16> to vector<10000x1xf32>
    %get3A_5 = arith.constant 0 : index
    %get3A_6 = arith.constant 0 : index
    %get3A_7 = vector.load %arg2[%get3A_5, %get3A_6] : memref<1x128xf32, #tpu.memory_space<vmem>>, vector<1x128xf32>
    %convert_element_type3A_8 = arith.truncf %get3A_7 : vector<1x128xf32> to vector<1x128xbf16>
    %convert_element_type3A_9 = arith.extf %convert_element_type3A_8 : vector<1x128xbf16> to vector<1x128xf32>
    %mul3A = vector.broadcast %convert_element_type3A_4 : vector<10000x1xf32> to vector<10000x128xf32>
    %mul3A_10 = vector.broadcast %convert_element_type3A_9 : vector<1x128xf32> to vector<10000x128xf32>
    %mul3A_11 = arith.mulf %mul3A, %mul3A_10 : vector<10000x128xf32>
    %get3A_12 = arith.constant 0 : index
    %get3A_13 = arith.constant 0 : index
    %get3A_14 = vector.load %arg0[%get3A_12, %get3A_13] : memref<10000x128xf32, #tpu.memory_space<vmem>>, vector<10000x128xf32>
    %add3A = arith.addf %get3A_14, %mul3A_11 : vector<10000x128xf32>
    %max3A = arith.constant 0.000000e+00 : f32
    %max3A_15 = vector.broadcast %max3A : f32 to vector<10000x128xf32>
    %max3A_16 = arith.maximumf %add3A, %max3A_15 : vector<10000x128xf32>
    %swap3A = arith.constant 0 : index
    %swap3A_17 = arith.constant 0 : index
    %swap3A_18 = vector.load %arg5[%swap3A, %swap3A_17] : memref<10000x128xf32, #tpu.memory_space<vmem>>, vector<10000x128xf32>
    tpu.vector_store %arg5[%swap3A, %swap3A_17], %max3A_16 {strides = array<i32>} : memref<10000x128xf32, #tpu.memory_space<vmem>>, vector<10000x128xf32>,
    %get3A_19 = arith.constant 0 : index
    %get3A_20 = arith.constant 0 : index
    %get3A_21 = vector.load %arg3[%get3A_19, %get3A_20] : memref<1x128xf32, #tpu.memory_space<vmem>>, vector<1x128xf32>
    %dot_general3A_22 = arith.constant dense<0.000000e+00> : vector<1x10000xf32>
    %dot_general3A_23 = tpu.matmul %get3A_21, %max3A_16, %dot_general3A_22 {dimension_numbers = #tpu.dot_dimension_numbers<[1], [1], [0], [0], [0, 0, 1, 0], [], []>, transpose_lhs_hint = false} : vector<1x128xf32>, vector<10000x128xf32>, vector<1x10000xf32> -> vector<1x10000xf32>
    %squeeze3A = vector.shape_cast %dot_general3A_23 : vector<1x10000xf32> to vector<10000xf32>
    %swap3A_24 = arith.constant 0 : index
    %swap3A_25 = vector.load %arg6[%swap3A_24] : memref<10000xf32, #tpu.memory_space<vmem>>, vector<10000xf32>
    tpu.vector_store %arg6[%swap3A_24], %squeeze3A {strides = array<i32>} : memref<10000xf32, #tpu.memory_space<vmem>>, vector<10000xf32>,
    %get3A_26 = arith.constant 0 : index
    %get3A_27 = arith.constant 0 : index
    %get3A_28 = vector.load %arg4[%get3A_26, %get3A_27] : memref<1x128xf32, #tpu.memory_space<vmem>>, vector<1x128xf32>
    %dot_general3A_29 = arith.constant dense<0.000000e+00> : vector<1x10000xf32>
    %dot_general3A_30 = tpu.matmul %get3A_28, %max3A_16, %dot_general3A_29 {dimension_numbers = #tpu.dot_dimension_numbers<[1], [1], [0], [0], [0, 0, 1, 0], [], []>, transpose_lhs_hint = false} : vector<1x128xf32>, vector<10000x128xf32>, vector<1x10000xf32> -> vector<1x10000xf32>
    %squeeze3A_31 = vector.shape_cast %dot_general3A_30 : vector<1x10000xf32> to vector<10000xf32>
    %swap3A_32 = arith.constant 0 : index
    %swap3A_33 = vector.load %arg7[%swap3A_32] : memref<10000xf32, #tpu.memory_space<vmem>>, vector<10000xf32>
    tpu.vector_store %arg7[%swap3A_32], %squeeze3A_31 {strides = array<i32>} : memref<10000xf32, #tpu.memory_space<vmem>>, vector<10000xf32>,
    return
  }
}

module attributes {stable_mosaic.version = 14 : i64} {
  func.func @_premm_body(%arg0: memref<10000x128xf32, #tpu.memory_space<vmem>>, %arg1: memref<128x128xf32, #tpu.memory_space<vmem>>, %arg2: memref<1x128xf32, #tpu.memory_space<vmem>>, %arg3: memref<10000x128xf32, #tpu.memory_space<vmem>>) attributes {dimension_semantics = [], scalar_prefetch = 0 : i64, scratch_operands = 0 : i64, tpu.core_type = #tpu.core_type<tc>} {
    %get3A = arith.constant 0 : index
    %get3A_0 = arith.constant 0 : index
    %get3A_1 = vector.load %arg0[%get3A, %get3A_0] : memref<10000x128xf32, #tpu.memory_space<vmem>>, vector<10000x128xf32>
    %get3A_2 = arith.constant 0 : index
    %get3A_3 = arith.constant 0 : index
    %get3A_4 = vector.load %arg1[%get3A_2, %get3A_3] : memref<128x128xf32, #tpu.memory_space<vmem>>, vector<128x128xf32>
    %dot_general3A = arith.constant dense<0.000000e+00> : vector<10000x128xf32>
    %dot_general3A_5 = tpu.matmul %get3A_1, %get3A_4, %dot_general3A {dimension_numbers = #tpu.dot_dimension_numbers<[1], [0], [0], [1], [0, 0, 1, 1], [], []>, transpose_lhs_hint = false} : vector<10000x128xf32>, vector<128x128xf32>, vector<10000x128xf32> -> vector<10000x128xf32>
    %get3A_6 = arith.constant 0 : index
    %get3A_7 = arith.constant 0 : index
    %get3A_8 = vector.load %arg2[%get3A_6, %get3A_7] : memref<1x128xf32, #tpu.memory_space<vmem>>, vector<1x128xf32>
    %add3A = vector.broadcast %get3A_8 : vector<1x128xf32> to vector<10000x128xf32>
    %add3A_9 = arith.addf %dot_general3A_5, %add3A : vector<10000x128xf32>
    %swap3A = arith.constant 0 : index
    %swap3A_10 = arith.constant 0 : index
    %swap3A_11 = vector.load %arg3[%swap3A, %swap3A_10] : memref<10000x128xf32, #tpu.memory_space<vmem>>, vector<10000x128xf32>
    tpu.vector_store %arg3[%swap3A, %swap3A_10], %add3A_9 {strides = array<i32>} : memref<10000x128xf32, #tpu.memory_space<vmem>>, vector<10000x128xf32>,
    return
  }
}

module attributes {stable_mosaic.version = 14 : i64} {
  func.func @_final_body(%arg0: memref<10000x128xf32, #tpu.memory_space<vmem>>, %arg1: memref<32x10000xf32, #tpu.memory_space<vmem>>, %arg2: memref<1x128xf32, #tpu.memory_space<vmem>>, %arg3: memref<1x10000xi32, #tpu.memory_space<vmem>>, %arg4: memref<128x64xf32, #tpu.memory_space<vmem>>, %arg5: memref<1x64xf32, #tpu.memory_space<vmem>>, %arg6: memref<64x1xf32, #tpu.memory_space<vmem>>, %arg7: memref<1x1xf32, #tpu.memory_space<vmem>>, %arg8: memref<64x1xf32, #tpu.memory_space<vmem>>) attributes {dimension_semantics = [], scalar_prefetch = 0 : i64, scratch_operands = 0 : i64, tpu.core_type = #tpu.core_type<tc>} {
    %get3A = arith.constant 0 : index
    %get3A_0 = arith.constant 0 : index
    %get3A_1 = vector.load %arg1[%get3A, %get3A_0] : memref<32x10000xf32, #tpu.memory_space<vmem>>, vector<32x10000xf32>
    %broadcast_in_dim3A = arith.constant 1.000000e+00 : f32
    %broadcast_in_dim3A_2 = vector.broadcast %broadcast_in_dim3A : f32 to vector<32x1xf32>
    %dot_general3A = arith.constant dense<0.000000e+00> : vector<10000x1xf32>
    %dot_general3A_3 = tpu.matmul %get3A_1, %broadcast_in_dim3A_2, %dot_general3A {dimension_numbers = #tpu.dot_dimension_numbers<[0], [0], [1], [1], [0, 1, 1, 1], [], []>, precision = #tpu.contract_precision<fp32>, transpose_lhs_hint = false} : vector<32x10000xf32>, vector<32x1xf32>, vector<10000x1xf32> -> vector<10000x1xf32>
    %convert_element_type3A = arith.truncf %dot_general3A_3 : vector<10000x1xf32> to vector<10000x1xbf16>
    %convert_element_type3A_4 = arith.extf %convert_element_type3A : vector<10000x1xbf16> to vector<10000x1xf32>
    %get3A_5 = arith.constant 0 : index
    %get3A_6 = arith.constant 0 : index
    %get3A_7 = vector.load %arg2[%get3A_5, %get3A_6] : memref<1x128xf32, #tpu.memory_space<vmem>>, vector<1x128xf32>
    %convert_element_type3A_8 = arith.truncf %get3A_7 : vector<1x128xf32> to vector<1x128xbf16>
    %convert_element_type3A_9 = arith.extf %convert_element_type3A_8 : vector<1x128xbf16> to vector<1x128xf32>
    %mul3A = vector.broadcast %convert_element_type3A_4 : vector<10000x1xf32> to vector<10000x128xf32>
    %mul3A_10 = vector.broadcast %convert_element_type3A_9 : vector<1x128xf32> to vector<10000x128xf32>
    %mul3A_11 = arith.mulf %mul3A, %mul3A_10 : vector<10000x128xf32>
    %get3A_12 = arith.constant 0 : index
    %get3A_13 = arith.constant 0 : index
    %get3A_14 = vector.load %arg0[%get3A_12, %get3A_13] : memref<10000x128xf32, #tpu.memory_space<vmem>>, vector<10000x128xf32>
    %add3A = arith.addf %get3A_14, %mul3A_11 : vector<10000x128xf32>
    %max3A = arith.constant 0.000000e+00 : f32
    %max3A_15 = vector.broadcast %max3A : f32 to vector<10000x128xf32>
    %max3A_16 = arith.maximumf %add3A, %max3A_15 : vector<10000x128xf32>
    %iota3A = tpu.iota {dimensions = array<i32: 0>} : vector<64x10000xi32>
    %get3A_17 = arith.constant 0 : index
    %get3A_18 = arith.constant 0 : index
    %get3A_19 = vector.load %arg3[%get3A_17, %get3A_18] : memref<1x10000xi32, #tpu.memory_space<vmem>>, vector<1x10000xi32>
    %eq3A = vector.broadcast %get3A_19 : vector<1x10000xi32> to vector<64x10000xi32>
    %eq3A_20 = arith.cmpi eq, %iota3A, %eq3A : vector<64x10000xi32>
    %jit3A = arith.constant 1.000000e+00 : f32
    %jit3A_21 = arith.constant 0.000000e+00 : f32
    %broadcast_in_dim3A_22 = vector.broadcast %jit3A : f32 to vector<64x10000xf32>
    %broadcast_in_dim3A_23 = vector.broadcast %jit3A_21 : f32 to vector<64x10000xf32>
    %select_n3A = arith.select %eq3A_20, %broadcast_in_dim3A_22, %broadcast_in_dim3A_23 : vector<64x10000xi1>, vector<64x10000xf32>
    %dot_general3A_24 = arith.constant dense<0.000000e+00> : vector<64x128xf32>
    %dot_general3A_25 = tpu.matmul %select_n3A, %max3A_16, %dot_general3A_24 {dimension_numbers = #tpu.dot_dimension_numbers<[1], [0], [0], [1], [0, 0, 1, 1], [], []>, precision = #tpu.contract_precision<fp32>, transpose_lhs_hint = false} : vector<64x10000xf32>, vector<10000x128xf32>, vector<64x128xf32> -> vector<64x128xf32>
    %get3A_26 = arith.constant 0 : index
    %get3A_27 = arith.constant 0 : index
    %get3A_28 = vector.load %arg4[%get3A_26, %get3A_27] : memref<128x64xf32, #tpu.memory_space<vmem>>, vector<128x64xf32>
    %dot_general3A_29 = arith.constant dense<0.000000e+00> : vector<64x64xf32>
    %dot_general3A_30 = tpu.matmul %dot_general3A_25, %get3A_28, %dot_general3A_29 {dimension_numbers = #tpu.dot_dimension_numbers<[1], [0], [0], [1], [0, 0, 1, 1], [], []>, transpose_lhs_hint = false} : vector<64x128xf32>, vector<128x64xf32>, vector<64x64xf32> -> vector<64x64xf32>
    %get3A_31 = arith.constant 0 : index
    %get3A_32 = arith.constant 0 : index
    %get3A_33 = vector.load %arg5[%get3A_31, %get3A_32] : memref<1x64xf32, #tpu.memory_space<vmem>>, vector<1x64xf32>
    %add3A_34 = vector.broadcast %get3A_33 : vector<1x64xf32> to vector<64x64xf32>
    %add3A_35 = arith.addf %dot_general3A_30, %add3A_34 : vector<64x64xf32>
    %max3A_36 = arith.constant 0.000000e+00 : f32
    %max3A_37 = vector.broadcast %max3A_36 : f32 to vector<64x64xf32>
    %max3A_38 = arith.maximumf %add3A_35, %max3A_37 : vector<64x64xf32>
    %get3A_39 = arith.constant 0 : index
    %get3A_40 = arith.constant 0 : index
    %get3A_41 = vector.load %arg6[%get3A_39, %get3A_40] : memref<64x1xf32, #tpu.memory_space<vmem>>, vector<64x1xf32>
    %dot_general3A_42 = arith.constant dense<0.000000e+00> : vector<64x1xf32>
    %dot_general3A_43 = tpu.matmul %max3A_38, %get3A_41, %dot_general3A_42 {dimension_numbers = #tpu.dot_dimension_numbers<[1], [0], [0], [1], [0, 0, 1, 1], [], []>, transpose_lhs_hint = false} : vector<64x64xf32>, vector<64x1xf32>, vector<64x1xf32> -> vector<64x1xf32>
    %get3A_44 = arith.constant 0 : index
    %get3A_45 = arith.constant 0 : index
    %get3A_46 = vector.load %arg7[%get3A_44, %get3A_45] : memref<1x1xf32, #tpu.memory_space<vmem>>, vector<1x1xf32>
    %add3A_47 = vector.broadcast %get3A_46 : vector<1x1xf32> to vector<64x1xf32>
    %add3A_48 = arith.addf %dot_general3A_43, %add3A_47 : vector<64x1xf32>
    %swap3A = arith.constant 0 : index
    %swap3A_49 = arith.constant 0 : index
    %swap3A_50 = vector.load %arg8[%swap3A, %swap3A_49] : memref<64x1xf32, #tpu.memory_space<vmem>>, vector<64x1xf32>
    tpu.vector_store %arg8[%swap3A, %swap3A_49], %add3A_48 {strides = array<i32>} : memref<64x1xf32, #tpu.memory_space<vmem>>, vector<64x1xf32>,
    return
  }
}

</mosaic_0001>

<sc_bundles>
// kernel: kernel.12.cloned.1.call-start
scs
__scs_entry_jumppad:
0x0: {  	(pc) =	sbr.rel $0x88, $3  }
0x1: {  	(tag) =	ssettag $0x0;
	lr =	simm.s32 $0x1  }
0x2: {  	[smem:$0x3F8D] =	sst lr;
	_ =	strace $0xD0000000  }
0x3: {  	_ = 	snop  }
0x4: {  	_ = 	snop  }
0x5: {  	_ = 	snop  }
0x6: {  	_ = 	snop  }
0x7: {  	_ = 	snop  }
__scs_overlays_trampoline_lowered:
0x8: {  	[smem:$0x3F9C] =	sst s0  }
0x9: {  	[smem:$0x3F9D] =	sst s1  }
0xa: {  	[smem:$0x3F9E] =	sst s2  }
0xb: {  	[smem:$0x3F9F] =	sst s3  }
0xc: {  	[smem:$0x3FA0] =	sst s4  }
0xd: {  	[smem:$0x3FA1] =	sst s5  }
0xe: {  	[smem:$0x3FA2] =	sst s6  }
0xf: {  	[smem:$0x3FA3] =	sst s7  }
0x10: {  	[smem:$0x3FA4] =	sst s8  }
0x11: {  	[smem:$0x3FA5] =	sst s9;
	s0 =	simm.s32 @!p0 $0x0  }
0x12: {  	s1 =	sld [smem:$0x3F8B];
	s0 =	simm.s32 @p0 $0x1  }
0x13: {  	[smem:$0x3FA6] =	sst s0;
	s0 =	simm.s32 @!p1 $0x0  }
0x14: {  	s2 =	sld [smem:$0x3F8A];
	s0 =	simm.s32 @p1 $0x1  }
0x15: {  	[smem:$0x3FA7] =	sst s0;
	s0 =	simm.s32 @!p2 $0x0  }
0x16: {  	s3 =	sld [smem:$0x3FDB];
	s0 =	simm.s32 @p2 $0x1  }
0x17: {  	s4 =	simm.s32 $0x1BF5;
	[smem:$0x3FA9] =	sst s0  }
0x18: {  	s0 =	sld [smem:$0x3F8C];
	_ =	swait.ge [sflag:s4], $0x0  }
0x19: {  	s7 =	sld [smem:$0x3F8D]  }
0x1a: {  	s8 =	sadd.s32 $0xFFFFE003, lr  }
0x1b: {  	s9 =	sadd.s32 $0xFFFFFEF7, lr;
	s5 =	simm.s32 $0xFFFFFFFF;
	p2 =	slt.u32 s8, $0xFFFFF086  }
0x1c: {  	p1 =	slt.u32 s9, $0xF7A;
	s5 =	simm.s32 @!p2 $0x0  }
0x1d: {  	s5 =	simm.s32 @p1 $0x1;
	p0 =	seq.s32 s7, s2  }
0x1e: {  	s7 =	smul.u32 @!p0 $0xF7A, s2;
	p2 =	seq.s32 @!p0 s5, $0x0  }
0x1f: {  	s9 =	smul.u32 $0xF7A, s1;
	s8 =	simm.s32 @!p0 $0x1BF5;
	p2 =	por !p2, p0  }
0x20: {  	[sflag:s8] =	ssyncset.s32 @!p0 $0xFFFFF086;
	s6 =	sadd.s32 @!p0 s3, s7;
	s7 =	simm.s32 @!p0 $0x108  }
0x21: {  	s3 =	sadd.s32 s3, s9;
	s6 =	sadd.s32 @!p0 $0x88, s6;
	s7 =	simm.s32 @p2 $0x1082  }
0x22: {  	[simem:s7], [sflag:s8] =	dma.local @!p0 [hbm:s6], $0xF7A  }
0x23: {  	s9 =	sor.u32 $0xD0000000, s2;
	s6 =	simm.s32 $0x108;
	_ =	swait.ge @!p0 [sflag:s8], $0x0  }
0x24: {  	s3 =	sadd.s32 $0x88, s3;
	s6 =	simm.s32 @!p1 $0x1082;
	[sflag:s4] =	ssyncset.s32 $0xFFFFF086  }
0x25: {  	[simem:s6], [sflag:s4] =	dma.local [hbm:s3], $0xF7A  }
0x26: {  	[smem:$0x3F8D] =	sst s1;
	(tag) =	ssettag s2;
	_ =	strace s9  }
0x27: {  	s1 =	sld [smem:$0x3F9D]  }
0x28: {  	s2 =	sld [smem:$0x3F9E]  }
0x29: {  	s4 =	sld [smem:$0x3FA0]  }
0x2a: {  	p0 =	seq.s32 s5, $0x0;
	s5 =	sld [smem:$0x3FA1]  }
0x2b: {  	s6 =	sld [smem:$0x3FA2]  }
0x2c: {  	s7 =	sld [smem:$0x3FA3]  }
0x2d: {  	s3 =	simm.s32 $0x108;
	s8 =	sld [smem:$0x3FA4]  }
0x2e: {  	s3 =	simm.s32 @!p0 $0x1082;
	s9 =	sld [smem:$0x3FA5]  }
0x2f: {  	lr =	sadd.s32 s0, s3;
	s0 =	sld [smem:$0x3F9C]  }
0x30: {  	s3 =	sld [smem:$0x3F9F]  }
0x31: {  	[smem:$0x3FA8] =	sst s10  }
0x32: {  	s10 =	sld [smem:$0x3FA6];
	_ =	sdelay $0x3  }
0x33: {  	p0 =	seq.s32 s10, $0x1;
	s10 =	sld [smem:$0x3FA8];
	_ =	sdelay $0x3  }
0x34: {  	[smem:$0x3FA8] =	sst s10  }
0x35: {  	s10 =	sld [smem:$0x3FA7];
	_ =	sdelay $0x3  }
0x36: {  	p1 =	seq.s32 s10, $0x1;
	s10 =	sld [smem:$0x3FA8];
	_ =	sdelay $0x3  }
0x37: {  	[smem:$0x3FA8] =	sst s10  }
0x38: {  	s10 =	sld [smem:$0x3FA9]  }
0x39: {  	_ = 	snop;
	(pc) =	sbr.ind lr, $3  }
0x3a: {  	_ = 	snop  }
0x3b: {  	_ = 	snop  }
0x3c: {  	p2 =	seq.s32 s10, $0x1;
	s10 =	sld [smem:$0x3FA8]  }
0x3d: {  	_ =	shalt  }
0x3e: {  	_ =	shalt  }
0x3f: {  	_ =	shalt  }
0x40: {  	_ =	shalt  }
0x41: {  	_ =	shalt  }
0x42: {  	_ =	shalt  }
0x43: {  	_ =	shalt  }
0x44: {  	_ =	shalt  }
0x45: {  	_ =	shalt  }
0x46: {  	_ =	shalt  }
0x47: {  	_ =	shalt  }
0x48: {  	_ =	shalt  }
0x49: {  	_ =	shalt  }
0x4a: {  	_ =	shalt  }
0x4b: {  	_ =	shalt  }
0x4c: {  	_ =	shalt  }
0x4d: {  	_ =	shalt  }
0x4e: {  	_ =	shalt  }
0x4f: {  	_ =	shalt  }
0x50: {  	_ =	shalt  }
0x51: {  	_ =	shalt  }
0x52: {  	_ =	shalt  }
0x53: {  	_ =	shalt  }
0x54: {  	_ =	shalt  }
0x55: {  	_ =	shalt  }
0x56: {  	_ =	shalt  }
0x57: {  	_ =	shalt  }
0x58: {  	_ =	shalt  }
0x59: {  	_ =	shalt  }
0x5a: {  	_ =	shalt  }
0x5b: {  	_ =	shalt  }
0x5c: {  	_ =	shalt  }
0x5d: {  	_ =	shalt  }
0x5e: {  	_ =	shalt  }
0x5f: {  	_ =	shalt  }
0x60: {  	_ =	shalt  }
0x61: {  	_ =	shalt  }
0x62: {  	_ =	shalt  }
0x63: {  	_ =	shalt  }
0x64: {  	_ =	shalt  }
0x65: {  	_ =	shalt  }
0x66: {  	_ =	shalt  }
0x67: {  	_ =	shalt  }
0x68: {  	_ =	shalt  }
0x69: {  	_ =	shalt  }
0x6a: {  	_ =	shalt  }
0x6b: {  	_ =	shalt  }
0x6c: {  	_ =	shalt  }
0x6d: {  	_ =	shalt  }
0x6e: {  	_ =	shalt  }
0x6f: {  	_ =	shalt  }
0x70: {  	_ =	shalt  }
0x71: {  	_ =	shalt  }
0x72: {  	_ =	shalt  }
0x73: {  	_ =	shalt  }
0x74: {  	_ =	shalt  }
0x75: {  	_ =	shalt  }
0x76: {  	_ =	shalt  }
0x77: {  	_ =	shalt  }
0x78: {  	_ =	shalt  }
0x79: {  	_ =	shalt  }
0x7a: {  	_ =	shalt  }
0x7b: {  	_ =	shalt  }
0x7c: {  	_ =	shalt  }
0x7d: {  	_ =	shalt  }
0x7e: {  	_ =	shalt  }
0x7f: {  	_ =	shalt  }
0x80: {  	_ =	shalt  }
0x81: {  	_ =	shalt  }
0x82: {  	_ =	shalt  }
0x83: {  	_ =	shalt  }
0x84: {  	_ =	shalt  }
0x85: {  	_ =	shalt  }
0x86: {  	_ =	shalt  }
0x87: {  	_ =	shalt  }
.Lfunc_end0:
.L_simem_size_0:
called_computation_lowered:
.L_overlay_start_0:
0x88: {  	s2 =	sld [smem:$0x3FD9]  }
0x89: {  	s3 =	sld [smem:$0x3FFE];
	_ =	sdelay $0x1  }
0x8a: {  	s1 =	srdreg.scid  }
0x8b: {  	s0 =	sand.u32 $0x1, s1  }
0x8c: {  	s16 =	sshll.u32 s0, $0xA;
	s2 =	sadd.s32 s3, s2  }
0x8d: {  	s2 =	sadd.s32 s2, s16  }
0x8e: {  	[smem:$0x3FB4] =	sst s2  }
0x8f: {  	_ = 	snop  }
0x90: {  	(tm) =	ssettm $0x1  }
0x91: {  	s17 =	sld [smem:$0x3FFB];
	_ =	sdelay $0x3  }
0x92: {  	_ =	strace s17  }
0x93: {  	s2 =	sld [smem:$0x3FFC];
	_ =	sdelay $0x3  }
0x94: {  	_ =	strace s2  }
0x95: {  	s2 =	sld [smem:$0x3FFD];
	_ =	sdelay $0x3  }
0x96: {  	_ =	strace s2  }
0x97: {  	_ =	strace $0x8FFFFFFF  }
0x98: {  	s18 =	sld [smem:$0x3FDB];
	_ =	sdelay $0x1  }
0x99: {  	s19 =	simm.s32 $_scs_section_size  }
0x9a: {  	s4 =	simm.s32 $_size__tile_overlayer_lowered;
	s5 =	simm.s32 $_tile_overlayer_lowered  }
0x9b: {  	s22 =	simm.s32 $0x1BFF;
	s21 =	sshll.u32 s5, $0x1;
	s2 =	sadd.s32 s19, s18  }
0x9c: {  	s6 =	simm.s32 $0x0;
	s20 =	sshll.u32 s4, $0x1;
	s4 =	sadd.s32 s21, s2  }
0x9d: {  	[timem:s6], [sflag:s22] =	dma.local [hbm:s4], s20  }
0x9e: {  	_ =	swait.ge [sflag:s22], s20  }
0x9f: {  	s3 =	ssub.s32 $0x0, s20;
	[sflag:s22] =	ssyncset.done $0x0  }
0xa0: {  	[sflag:s22] =	ssyncadd.s32 s3;
	_ =	sdelay $0x1  }
0xa1: {  	s23 =	simm.s32 $0x1B8B  }
0xa2: {  	_ =	swait.ge [sflag:s23], $0x1  }
0xa3: {  	[sflag:s23] =	ssyncset.done $0x0  }
0xa4: {  	s25 =	simm.s32 $0x1B8E;
	s24 =	sld [smem:$0x3FFE];
	[sflag:s23] =	ssyncadd.s32 $0xFFFFFFFF  }
0xa5: {  	s26 =	simm.s32 $execute0_lowered;
	[smem:$0x3FD2] =	sst s25  }
0xa6: {  	s4 =	sshll.u32 s26, $0x1;
	_ =	strace $0x80000046;
	[dreg:$0x1] =	wrdreg $0xFFFFFFFF  }
0xa7: {  	s28 =	simm.s32 $_size_execute0_lowered;
	s2 =	sadd.s32 s2, s4;
	[dreg:$0x0] =	wrdreg $0x0  }
0xa8: {  	s4 =	sshll.u32 s28, $0x1;
	[dreg:$0x2] =	wrdreg s2  }
0xa9: {  	[dreg:$0x3] =	wrdreg s4  }
0xaa: {  	[dreg:$0x4] =	wrdreg $0xC0  }
0xab: {  	_ =	task [dreg:s6], $0x5FFFF  }
0xac: {  	[dreg:$0x1] =	wrdreg $0xFFFFFFFF  }
0xad: {  	[dreg:$0x0] =	wrdreg $0x60  }
0xae: {  	[dreg:$0x2] =	wrdreg s24  }
0xaf: {  	[dreg:$0x3] =	wrdreg $0x9  }
0xb0: {  	_ =	task.clear_ibuf [dreg:s6], $0x4FFFF;
	_ =	strace $0x90000046  }
0xb1: {  	s29 =	simm.s32 $0x9;
	_ =	strace $0x80000048  }
0xb2: {  	_ =	swait.ge [sflag:s29], $0x1  }
0xb3: {  	[sflag:s29] =	ssyncadd.s32 $0xFFFFFFFF  }
0xb4: {  	_ =	strace $0x90000048  }
0xb5: {  	_ =	sfence  }
0xb6: {  	s30 =	sld [smem:$0x0];
	_ =	sdelay $0x2  }
0xb7: {  	s31 =	sshll.u32 s1, $0xD;
	s1 =	sshrl.u32 s1, $0x2  }
0xb8: {  	s3 =	sand.u32 $0x4000, s31;
	s1 =	sadd.s32 s1, s30  }
0xb9: {  	s0 =	sor.u32 s3, s0;
	s1 =	sshll.u32 s1, $0x11  }
0xba: {  	s0 =	sor.u32 s1, s0  }
0xbb: {  	s0 =	sadd.s32 $0x8F2B, s0  }
0xbc: {  	[sflag:s0] =	ssyncadd.remote.s32 $0x1  }
0xbd: {  	_ =	sfence.sel $0xFFFF  }
0xbe: {  	[dreg:$0x0] =	wrdreg $0xFFFFFFFF;
	(pc) =	sbr.abs _section_cstart, $3  }
0xbf: {  	[dreg:$0x1] =	wrdreg $0xFFFFFFFF  }
0xc0: {  	_ =	task.clear_ibuf [dreg:s6], $0x2FFFF;
	_ =	strace $0x9FFFFFFF  }
0xc1: {  	(tm) =	ssettm $0x7FFFFFFF  }
tec
execute0_lowered:
.L_overlay_start_1:
0x0: {  	(tag) =	ssettag $0x1  }
0x1: {  	s5 =	rddreg [dreg:$0x0]  }
0x2: {  	s2 =	srdreg.scid;
	s1 =	stileid.u32  }
0x3: {  	s0 =	rddreg [dreg:$0x1];
	s12 =	simm.s32 $0x4F00;
	s13 =	simm.s32 $0x7680  }
0x4: {  	s14 =	simm.s32 $0x9E00;
	s15 =	simm.s32 $0xC580;
	s16 =	simm.s32 $0xED00  }
0x5: {  	s17 =	simm.s32 $0x11480;
	s18 =	simm.s32 $0x13C00;
	s19 =	simm.s32 $0x16380  }
0x6: {  	s20 =	simm.s32 $0x80;
	s21 =	simm.s32 $0x400;
	s22 =	simm.s32 $0x0  }
0x7: {  	s4 =	sand.u32 $0x1, s2;
	s3 =	sshll.u32 s1, $0x1;
	s2 =	simm.s32 $0x0  }
0x8: {  	s30 =	sshrl.u32 s1, $0x2;
	s6 =	sor.u32 s4, s3;
	[smem:$0x7FF] =	sst s2  }
0x9: {  	s7 =	smul.u32 $0x13C00, s30;
	s3 =	sadd.s32 $0x35A00, s5;
	s31 =	ssub.s32 $0x2, s4  }
0xa: {  	s4 =	sadd.s32 $0x36000, s5;
	s8 =	sshll.u32 s6, $0x7;
	s6 =	smul.u32 $0x4E2, s6  }
0xb: {  	_ =	strace $0x80000047;
	s9 =	sshrl.u32 s31, $0x1;
	s8 =	sand.u32 $0x380, s8  }
0xc: {  	s9 =	ssub.s32 s31, s9;
	s7 =	sor.u32 s7, s8;
	s10 =	sadd.s32 s6, s5  }
0xd: {  	s9 =	smax.u32 s9, $0x1;
	s7 =	sshrl.u32 s7, $0x3;
	s6 =	sadd.s32 $0x4800, s10  }
0xe: {  	s11 =	sadd.s32 s7, s5;
	s5 =	sadd.s32 $0xE600, s10;
	s7 =	sadd.s32 $0x18400, s10  }
0xf: {  	v0 =	vimm.f32 $0.0e+00;
	s10 =	simm.s32 $0x1;
	s8 =	sadd.s32 $0x36600, s11;
	s11 =	simm.s32 $0x2780  }
.LBB2_1:
0x10: {  	[tilespmem:s2], [sflag:$0x1] =	stream.linear.gather [hbm4b:s3+s2], $0x2780, $0x38;
	[tilespmem:$0x18B00] =	vst v63  }
0x11: {  	_ =	swait.ge [sflag:s10], $0x2780  }
0x12: {  	[sflag:s10] =	ssyncset.done $0x0  }
0x13: {  	[sflag:s10] =	ssyncadd.s32 $0xFFFFD880  }
0x14: {  	[tilespmem:s11], [sflag:$0x1] =	stream.linear.gather [hbm4b:s4+s2], $0x2780, $0x38;
	[tilespmem:$0x18B00] =	vst v63  }
0x15: {  	_ =	swait.ge [sflag:s10], $0x2780  }
0x16: {  	[sflag:s10] =	ssyncset.done $0x0  }
0x17: {  	[sflag:s10] =	ssyncadd.s32 $0xFFFFD880  }
0x18: {  	[tilespmem:s12], [sflag:$0x1] =	stream.linear.gather [hbm4b:s5+s2], $0x2710, $0x38;
	[tilespmem:$0x18B00] =	vst v63  }
0x19: {  	_ =	swait.ge [sflag:s10], $0x2710  }
0x1a: {  	[sflag:s10] =	ssyncset.done $0x0  }
0x1b: {  	[sflag:s10] =	ssyncadd.s32 $0xFFFFD8F0  }
0x1c: {  	[tilespmem:s13], [sflag:$0x1] =	stream.linear.gather [hbm4b:s6+s2], $0x2710, $0x38;
	[tilespmem:$0x18B00] =	vst v63  }
0x1d: {  	_ =	swait.ge [sflag:s10], $0x2710  }
0x1e: {  	[sflag:s10] =	ssyncset.done $0x0  }
0x1f: {  	[sflag:s10] =	ssyncadd.s32 $0xFFFFD8F0  }
0x20: {  	[tilespmem:s14], [sflag:$0x1] =	stream.linear.gather [hbm4b:s7+s2], $0x2710, $0x38;
	[tilespmem:$0x18B00] =	vst v63  }
0x21: {  	_ =	swait.ge [sflag:s10], $0x2710  }
0x22: {  	[sflag:s10] =	ssyncset.done $0x0  }
0x23: {  	s28 =	simm.s32 $0xC5A0;
	[sflag:s10] =	ssyncadd.s32 $0xFFFFD8F0  }
0x24: {  	[tilespmem:s28+$0xFFFFFFF0] =	vst v0  }
0x25: {  	[tilespmem:s28+$0x0] =	vst v0  }
0x26: {  	[tilespmem:s28+$0x10] =	vst v0  }
0x27: {  	s23 =	simm.s32 $0xED20;
	[tilespmem:s28+$0xFFFFFFE0] =	vst v0  }
0x28: {  	[tilespmem:s23+$0xFFFFFFF0] =	vst v0  }
0x29: {  	[tilespmem:s23+$0x0] =	vst v0  }
0x2a: {  	[tilespmem:s23+$0x10] =	vst v0  }
0x2b: {  	s24 =	simm.s32 $0x114A0;
	[tilespmem:s23+$0xFFFFFFE0] =	vst v0  }
0x2c: {  	[tilespmem:s24+$0xFFFFFFF0] =	vst v0  }
0x2d: {  	[tilespmem:s24+$0x0] =	vst v0  }
0x2e: {  	[tilespmem:s24+$0x10] =	vst v0  }
0x2f: {  	s25 =	simm.s32 $0x13C20;
	[tilespmem:s24+$0xFFFFFFE0] =	vst v0  }
0x30: {  	[tilespmem:s25+$0xFFFFFFF0] =	vst v0  }
0x31: {  	[tilespmem:s25+$0x0] =	vst v0  }
0x32: {  	[tilespmem:s25+$0x10] =	vst v0  }
0x33: {  	s26 =	simm.s32 $0x163A0;
	[tilespmem:s25+$0xFFFFFFE0] =	vst v0  }
0x34: {  	[tilespmem:s26+$0xFFFFFFF0] =	vst v0  }
0x35: {  	[tilespmem:s26+$0x0] =	vst v0  }
0x36: {  	[tilespmem:s26+$0x10] =	vst v0  }
0x37: {  	s29 =	simm.s32 $0xC5E0;
	s28 =	simm.s32 $0x0;
	[tilespmem:s26+$0xFFFFFFE0] =	vst v0  }
.LBB2_2:
0x38: {  	[tilespmem:s29+$0xFFFFFFF0] =	vst v0;
	s23 =	sadd.s32 $0x40, s23  }
0x39: {  	s24 =	sadd.s32 $0x40, s24;
	[tilespmem:s23+$0xFFFFFFF0] =	vst v0  }
0x3a: {  	s25 =	sadd.s32 $0x40, s25;
	[tilespmem:s24+$0xFFFFFFF0] =	vst v0  }
0x3b: {  	s26 =	sadd.s32 $0x40, s26;
	[tilespmem:s25+$0xFFFFFFF0] =	vst v0  }
0x3c: {  	[tilespmem:s26+$0xFFFFFFF0] =	vst v0  }
0x3d: {  	[tilespmem:s29+$0x0] =	vst v0  }
0x3e: {  	[tilespmem:s23+$0x0] =	vst v0  }
0x3f: {  	[tilespmem:s24+$0x0] =	vst v0  }
0x40: {  	[tilespmem:s25+$0x0] =	vst v0  }
0x41: {  	[tilespmem:s26+$0x0] =	vst v0  }
0x42: {  	[tilespmem:s29+$0x10] =	vst v0  }
0x43: {  	[tilespmem:s23+$0x10] =	vst v0  }
0x44: {  	[tilespmem:s24+$0x10] =	vst v0  }
0x45: {  	s28 =	sadd.s32 $0x4, s28;
	[tilespmem:s25+$0x10] =	vst v0  }
0x46: {  	p0 =	slt.u32 s28, $0x26C;
	[tilespmem:s26+$0x10] =	vst v0  }
.Ltmp0:
0x47: {  	[tilespmem:s29+$0xFFFFFFE0] =	vst v0;
	(pc) =	sbr.rel @p0 .LBB2_2-.Ltmp0, $4  }
0x48: {  	[tilespmem:s23+$0xFFFFFFE0] =	vst v0  }
0x49: {  	[tilespmem:s24+$0xFFFFFFE0] =	vst v0  }
0x4a: {  	[tilespmem:s25+$0xFFFFFFE0] =	vst v0  }
0x4b: {  	s29 =	sadd.s32 $0x40, s29;
	[tilespmem:s26+$0xFFFFFFE0] =	vst v0  }
0x4c: {  	[tilespmem:$0xEC80] =	vst v0  }
0x4d: {  	[tilespmem:$0x11400] =	vst v0  }
0x4e: {  	[tilespmem:$0x13B80] =	vst v0  }
0x4f: {  	[tilespmem:$0x16300] =	vst v0  }
0x50: {  	[tilespmem:$0x18A80] =	vst v0;
	s25 =	simm.s32 $0x7720  }
0x51: {  	s23 =	simm.s32 $0x4FA0;
	v1 =	vld [tilespmem:s25+$0x50]  }
0x52: {  	v2 =	vld [tilespmem:s23+$0x50]  }
0x53: {  	v3 =	vld [tilespmem:s23+$0xFFFFFF60]  }
0x54: {  	v4 =	vld [tilespmem:s25+$0xFFFFFFB0]  }
0x55: {  	v5 =	vld [tilespmem:s23+$0xFFFFFFB0]  }
0x56: {  	v6 =	vld [tilespmem:s25+$0x0]  }
0x57: {  	v7 =	vld [tilespmem:s23+$0x0]  }
0x58: {  	s24 =	simm.s32 $0x9EA0;
	v8 =	vld [tilespmem:s25+$0xFFFFFF60]  }
0x59: {  	v11 =	vld [tilespmem:s24+$0x50]  }
0x5a: {  	v9 =	vld.idx.msk [tilespmem:v1+s2+$0x0], $0xffff  }
0x5b: {  	v2 =	vld.idx.msk [tilespmem:v2+s11+$0x0], $0xffff  }
0x5c: {  	v3 =	vld.idx.msk [tilespmem:v3+s11+$0x0], $0xffff  }
0x5d: {  	v10 =	vld.idx.msk [tilespmem:v4+s2+$0x0], $0xffff  }
0x5e: {  	v5 =	vld.idx.msk [tilespmem:v5+s11+$0x0], $0xffff  }
0x5f: {  	v12 =	vld.idx.msk [tilespmem:v6+s2+$0x0], $0xffff  }
0x60: {  	v13 =	vld.idx.msk [tilespmem:v8+s2+$0x0], $0xffff;
	v2 =	vadd.f32 v2, v9  }
0x61: {  	v7 =	vld.idx.msk [tilespmem:v7+s11+$0x0], $0xffff  }
0x62: {  	v9 =	vld [tilespmem:s24+$0xFFFFFF60];
	v2 =	vadd.f32 v2, v11  }
0x63: {  	v11 =	vld [tilespmem:s24+$0xFFFFFFB0]  }
0x64: {  	v14 =	vld [tilespmem:s24+$0x0];
	v2 =	vmax.f32 v2, $0.0e+00  }
0x65: {  	[tilespmem:v1+s15+$0x0] =	vst.idx.add.f32.msk $0xffff, v2;
	v1 =	vadd.f32 v3, v13  }
0x66: {  	v3 =	vadd.f32 v5, v10;
	v2 =	vld [tilespmem:s25+$0x60]  }
0x67: {  	v7 =	vadd.f32 v7, v12;
	v5 =	vld [tilespmem:s23+$0x60];
	v1 =	vadd.f32 v1, v9  }
0x68: {  	v3 =	vadd.f32 v3, v11  }
0x69: {  	v7 =	vadd.f32 v7, v14;
	v1 =	vmax.f32 v1, $0.0e+00  }
0x6a: {  	v3 =	vmax.f32 v3, $0.0e+00;
	[tilespmem:v8+s15+$0x0] =	vst.idx.add.f32.msk $0xffff, v1  }
0x6b: {  	v1 =	vmax.f32 v7, $0.0e+00;
	[tilespmem:v4+s15+$0x0] =	vst.idx.add.f32.msk $0xffff, v3  }
0x6c: {  	[tilespmem:v6+s15+$0x0] =	vst.idx.add.f32.msk $0xffff, v1  }
0x6d: {  	v4 =	vld [tilespmem:s25+$0xFFFFFF70]  }
0x6e: {  	v1 =	vld.idx.msk [tilespmem:v2+s2+$0x0], $0xffff  }
0x6f: {  	v3 =	vld.idx.msk [tilespmem:v5+s11+$0x0], $0xffff  }
0x70: {  	v5 =	vld [tilespmem:s23+$0xFFFFFF70]  }
0x71: {  	v7 =	vld [tilespmem:s25+$0xFFFFFFC0]  }
0x72: {  	v6 =	vld [tilespmem:s24+$0x60]  }
0x73: {  	v8 =	vld [tilespmem:s23+$0xFFFFFFC0]  }
0x74: {  	v10 =	vld [tilespmem:s24+$0xFFFFFF70]  }
0x75: {  	v9 =	vld [tilespmem:s25+$0x10];
	v1 =	vadd.f32 v3, v1  }
0x76: {  	v3 =	vld [tilespmem:s23+$0x10]  }
0x77: {  	v1 =	vadd.f32 v1, v6;
	v6 =	vld.idx.msk [tilespmem:v4+s2+$0x0], $0xffff  }
0x78: {  	v5 =	vld.idx.msk [tilespmem:v5+s11+$0x0], $0xffff  }
0x79: {  	v11 =	vld.idx.msk [tilespmem:v7+s2+$0x0], $0xffff;
	v1 =	vmax.f32 v1, $0.0e+00  }
0x7a: {  	[tilespmem:v2+s16+$0x0] =	vst.idx.add.f32.msk $0xffff, v1  }
0x7b: {  	v1 =	vld [tilespmem:s25+$0x70]  }
0x7c: {  	v2 =	vld [tilespmem:s23+$0x70]  }
0x7d: {  	v8 =	vld.idx.msk [tilespmem:v8+s11+$0x0], $0xffff;
	v5 =	vadd.f32 v5, v6  }
0x7e: {  	v56 =	vld.idx.msk [tilespmem:v9+s2+$0x0], $0xffff  }
0x7f: {  	v3 =	vld.idx.msk [tilespmem:v3+s11+$0x0], $0xffff;
	v5 =	vadd.f32 v5, v10  }
0x80: {  	v6 =	vld [tilespmem:s24+$0xFFFFFFC0]  }
0x81: {  	v10 =	vld [tilespmem:s24+$0x10];
	v5 =	vmax.f32 v5, $0.0e+00  }
0x82: {  	[tilespmem:v4+s16+$0x0] =	vst.idx.add.f32.msk $0xffff, v5  }
0x83: {  	v57 =	vld.idx.msk [tilespmem:v1+s2+$0x0], $0xffff  }
0x84: {  	v8 =	vadd.f32 v8, v11;
	v2 =	vld.idx.msk [tilespmem:v2+s11+$0x0], $0xffff  }
0x85: {  	v5 =	vld [tilespmem:s24+$0x70]  }
0x86: {  	v4 =	vadd.f32 v8, v6;
	v3 =	vadd.f32 v3, v56;
	v6 =	vld [tilespmem:s25+$0xFFFFFF80]  }
0x87: {  	v8 =	vld [tilespmem:s23+$0xFFFFFF80]  }
0x88: {  	v59 =	vld [tilespmem:s24+$0xFFFFFF80];
	v4 =	vmax.f32 v4, $0.0e+00;
	v3 =	vadd.f32 v3, v10  }
0x89: {  	[tilespmem:v7+s16+$0x0] =	vst.idx.add.f32.msk $0xffff, v4;
	v2 =	vadd.f32 v2, v57  }
0x8a: {  	v4 =	vld [tilespmem:s25+$0xFFFFFFD0];
	v3 =	vmax.f32 v3, $0.0e+00  }
0x8b: {  	[tilespmem:v9+s16+$0x0] =	vst.idx.add.f32.msk $0xffff, v3;
	v2 =	vadd.f32 v2, v5  }
0x8c: {  	v3 =	vld [tilespmem:s23+$0xFFFFFFD0]  }
0x8d: {  	v7 =	vld [tilespmem:s23+$0x20];
	v2 =	vmax.f32 v2, $0.0e+00  }
0x8e: {  	[tilespmem:v1+s17+$0x0] =	vst.idx.add.f32.msk $0xffff, v2  }
0x8f: {  	v1 =	vld [tilespmem:s25+$0x80]  }
0x90: {  	v2 =	vld [tilespmem:s23+$0x80]  }
0x91: {  	v5 =	vld [tilespmem:s25+$0x20]  }
0x92: {  	v9 =	vld.idx.msk [tilespmem:v6+s2+$0x0], $0xffff  }
0x93: {  	v8 =	vld.idx.msk [tilespmem:v8+s11+$0x0], $0xffff  }
0x94: {  	v10 =	vld.idx.msk [tilespmem:v4+s2+$0x0], $0xffff  }
0x95: {  	v3 =	vld.idx.msk [tilespmem:v3+s11+$0x0], $0xffff  }
0x96: {  	v60 =	vld [tilespmem:s24+$0xFFFFFFD0]  }
0x97: {  	v58 =	vld.idx.msk [tilespmem:v1+s2+$0x0], $0xffff  }
0x98: {  	v8 =	vadd.f32 v8, v9;
	v2 =	vld.idx.msk [tilespmem:v2+s11+$0x0], $0xffff  }
0x99: {  	v15 =	vld [tilespmem:s24+$0x80]  }
0x9a: {  	v7 =	vld.idx.msk [tilespmem:v7+s11+$0x0], $0xffff;
	v8 =	vadd.f32 v8, v59;
	v3 =	vadd.f32 v3, v10  }
0x9b: {  	v11 =	vld.idx.msk [tilespmem:v5+s2+$0x0], $0xffff  }
0x9c: {  	v9 =	vld [tilespmem:s24+$0x20];
	v8 =	vmax.f32 v8, $0.0e+00;
	v3 =	vadd.f32 v3, v60  }
0x9d: {  	[tilespmem:v6+s17+$0x0] =	vst.idx.add.f32.msk $0xffff, v8;
	v2 =	vadd.f32 v2, v58  }
0x9e: {  	v63 =	vld [tilespmem:s24+$0xFFFFFF90];
	v3 =	vmax.f32 v3, $0.0e+00  }
0x9f: {  	[tilespmem:v4+s17+$0x0] =	vst.idx.add.f32.msk $0xffff, v3;
	v2 =	vadd.f32 v2, v15  }
0xa0: {  	v7 =	vadd.f32 v7, v11;
	v4 =	vld [tilespmem:s23+$0xFFFFFF90]  }
0xa1: {  	v6 =	vld [tilespmem:s23+$0xFFFFFFE0];
	v2 =	vmax.f32 v2, $0.0e+00  }
0xa2: {  	v3 =	vadd.f32 v7, v9;
	[tilespmem:v1+s18+$0x0] =	vst.idx.add.f32.msk $0xffff, v2  }
0xa3: {  	v1 =	vld [tilespmem:s25+$0x90]  }
0xa4: {  	v2 =	vmax.f32 v3, $0.0e+00;
	v3 =	vld [tilespmem:s23+$0x90]  }
0xa5: {  	[tilespmem:v5+s17+$0x0] =	vst.idx.add.f32.msk $0xffff, v2  }
0xa6: {  	v2 =	vld [tilespmem:s25+$0xFFFFFF90]  }
0xa7: {  	v5 =	vld [tilespmem:s25+$0xFFFFFFE0]  }
0xa8: {  	v11 =	vld [tilespmem:s24+$0x90]  }
0xa9: {  	v8 =	vld [tilespmem:s25+$0x30]  }
0xaa: {  	v9 =	vld [tilespmem:s23+$0x30]  }
0xab: {  	v4 =	vld.idx.msk [tilespmem:v4+s11+$0x0], $0xffff  }
0xac: {  	v7 =	vld.idx.msk [tilespmem:v1+s2+$0x0], $0xffff  }
0xad: {  	v3 =	vld.idx.msk [tilespmem:v3+s11+$0x0], $0xffff  }
0xae: {  	v10 =	vld.idx.msk [tilespmem:v2+s2+$0x0], $0xffff  }
0xaf: {  	v6 =	vld.idx.msk [tilespmem:v6+s11+$0x0], $0xffff  }
0xb0: {  	v61 =	vld.idx.msk [tilespmem:v5+s2+$0x0], $0xffff  }
0xb1: {  	v62 =	vld.idx.msk [tilespmem:v8+s2+$0x0], $0xffff  }
0xb2: {  	v9 =	vld.idx.msk [tilespmem:v9+s11+$0x0], $0xffff;
	v3 =	vadd.f32 v3, v7  }
0xb3: {  	v7 =	vld [tilespmem:s24+$0xFFFFFFE0];
	v4 =	vadd.f32 v4, v10  }
0xb4: {  	v3 =	vadd.f32 v3, v11  }
0xb5: {  	v10 =	vld [tilespmem:s24+$0x30];
	v4 =	vadd.f32 v4, v63  }
0xb6: {  	v6 =	vadd.f32 v6, v61;
	v3 =	vmax.f32 v3, $0.0e+00  }
0xb7: {  	[tilespmem:v1+s19+$0x0] =	vst.idx.add.f32.msk $0xffff, v3;
	v1 =	vmax.f32 v4, $0.0e+00  }
0xb8: {  	v3 =	vadd.f32 v6, v7;
	v4 =	vadd.f32 v9, v62;
	[tilespmem:v2+s18+$0x0] =	vst.idx.add.f32.msk $0xffff, v1  }
0xb9: {  	v1 =	vld [tilespmem:s25+$0xFFFFFFA0]  }
0xba: {  	v2 =	vmax.f32 v3, $0.0e+00;
	v3 =	vadd.f32 v4, v10;
	v7 =	vld [tilespmem:s23+$0xFFFFFFA0]  }
0xbb: {  	[tilespmem:v5+s18+$0x0] =	vst.idx.add.f32.msk $0xffff, v2  }
0xbc: {  	v5 =	vld [tilespmem:s24+$0xFFFFFFA0];
	v2 =	vmax.f32 v3, $0.0e+00  }
0xbd: {  	[tilespmem:v8+s18+$0x0] =	vst.idx.add.f32.msk $0xffff, v2  }
0xbe: {  	v2 =	vld [tilespmem:s25+$0xFFFFFFF0]  }
0xbf: {  	v8 =	vld [tilespmem:s23+$0xFFFFFFF0]  }
0xc0: {  	v3 =	vld [tilespmem:s25+$0x40]  }
0xc1: {  	v4 =	vld [tilespmem:s23+$0x40]  }
0xc2: {  	s26 =	simm.s32 $0x0;
	s28 =	simm.s32 $0x7860;
	s25 =	simm.s32 $0x9EA0;
	v6 =	vld.idx.msk [tilespmem:v1+s2+$0x0], $0xffff  }
.LBB2_4:
0xc3: {  	v9 =	vld [tilespmem:s28+$0x50];
	s23 =	sadd.s32 $0x140, s23  }
0xc4: {  	v10 =	vld [tilespmem:s23+$0x50]  }
0xc5: {  	v11 =	vld [tilespmem:s23+$0xFFFFFF60]  }
0xc6: {  	v12 =	vld [tilespmem:s28+$0xFFFFFFB0]  }
0xc7: {  	v13 =	vld [tilespmem:s23+$0xFFFFFFB0]  }
0xc8: {  	s26 =	sadd.s32 $0x4, s26;
	v14 =	vld [tilespmem:s28+$0x0]  }
0xc9: {  	p0 =	slt.u32 s26, $0x78;
	v15 =	vld [tilespmem:s23+$0x0]  }
0xca: {  	v16 =	vld [tilespmem:s28+$0xFFFFFF60]  }
0xcb: {  	v17 =	vld.idx.msk [tilespmem:v9+s2+$0x0], $0xffff  }
0xcc: {  	v10 =	vld.idx.msk [tilespmem:v10+s11+$0x0], $0xffff  }
0xcd: {  	v11 =	vld.idx.msk [tilespmem:v11+s11+$0x0], $0xffff  }
0xce: {  	s24 =	sadd.s32 $0x140, s24;
	v18 =	vld.idx.msk [tilespmem:v12+s2+$0x0], $0xffff  }
0xcf: {  	v19 =	vld [tilespmem:s24+$0x50]  }
0xd0: {  	v13 =	vld.idx.msk [tilespmem:v13+s11+$0x0], $0xffff  }
0xd1: {  	v20 =	vld.idx.msk [tilespmem:v14+s2+$0x0], $0xffff  }
0xd2: {  	v10 =	vadd.f32 v10, v17;
	v21 =	vld.idx.msk [tilespmem:v16+s2+$0x0], $0xffff  }
0xd3: {  	v15 =	vld.idx.msk [tilespmem:v15+s11+$0x0], $0xffff  }
0xd4: {  	v17 =	vld [tilespmem:s24+$0xFFFFFF60];
	v10 =	vadd.f32 v10, v19  }
0xd5: {  	v19 =	vld [tilespmem:s24+$0xFFFFFFB0]  }
0xd6: {  	v13 =	vadd.f32 v13, v18;
	v18 =	vld [tilespmem:s24+$0x0];
	v10 =	vmax.f32 v10, $0.0e+00  }
0xd7: {  	[tilespmem:v9+s15+$0x0] =	vst.idx.add.f32.msk $0xffff, v10  }
0xd8: {  	v9 =	vadd.f32 v11, v21;
	v10 =	vld [tilespmem:s28+$0x60]  }
0xd9: {  	v11 =	vadd.f32 v15, v20;
	v15 =	vld [tilespmem:s23+$0x60]  }
0xda: {  	v9 =	vadd.f32 v9, v17;
	v13 =	vadd.f32 v13, v19;
	v7 =	vld.idx.msk [tilespmem:v7+s11+$0x0], $0xffff  }
0xdb: {  	v11 =	vadd.f32 v11, v18;
	v17 =	vld.idx.msk [tilespmem:v2+s2+$0x0], $0xffff  }
0xdc: {  	v9 =	vmax.f32 v9, $0.0e+00;
	v13 =	vmax.f32 v13, $0.0e+00;
	v8 =	vld.idx.msk [tilespmem:v8+s11+$0x0], $0xffff  }
0xdd: {  	[tilespmem:v16+s15+$0x0] =	vst.idx.add.f32.msk $0xffff, v9;
	v9 =	vmax.f32 v11, $0.0e+00  }
0xde: {  	[tilespmem:v12+s15+$0x0] =	vst.idx.add.f32.msk $0xffff, v13  }
0xdf: {  	[tilespmem:v14+s15+$0x0] =	vst.idx.add.f32.msk $0xffff, v9  }
0xe0: {  	v6 =	vadd.f32 v7, v6;
	v9 =	vld.idx.msk [tilespmem:v10+s2+$0x0], $0xffff  }
0xe1: {  	v7 =	vld.idx.msk [tilespmem:v15+s11+$0x0], $0xffff  }
0xe2: {  	v5 =	vadd.f32 v6, v5;
	v6 =	vadd.f32 v8, v17;
	v11 =	vld [tilespmem:s28+$0xFFFFFF70]  }
0xe3: {  	v8 =	vld [tilespmem:s23+$0xFFFFFF70]  }
0xe4: {  	v5 =	vmax.f32 v5, $0.0e+00;
	v12 =	vld [tilespmem:s24+$0x60]  }
0xe5: {  	v13 =	vld [tilespmem:s28+$0xFFFFFFC0]  }
0xe6: {  	v14 =	vld [tilespmem:s23+$0xFFFFFFC0]  }
0xe7: {  	v7 =	vadd.f32 v7, v9;
	v15 =	vld [tilespmem:s28+$0x10]  }
0xe8: {  	v9 =	vld [tilespmem:s23+$0x10]  }
0xe9: {  	v16 =	vld [tilespmem:s24+$0xFFFFFF70];
	v7 =	vadd.f32 v7, v12  }
0xea: {  	v12 =	vld.idx.msk [tilespmem:v11+s2+$0x0], $0xffff  }
0xeb: {  	v8 =	vld.idx.msk [tilespmem:v8+s11+$0x0], $0xffff;
	v7 =	vmax.f32 v7, $0.0e+00  }
0xec: {  	[tilespmem:v10+s16+$0x0] =	vst.idx.add.f32.msk $0xffff, v7  }
0xed: {  	v7 =	vld [tilespmem:s28+$0x70]  }
0xee: {  	v10 =	vld [tilespmem:s23+$0x70]  }
0xef: {  	v17 =	vld.idx.msk [tilespmem:v13+s2+$0x0], $0xffff  }
0xf0: {  	v14 =	vld.idx.msk [tilespmem:v14+s11+$0x0], $0xffff  }
0xf1: {  	v8 =	vadd.f32 v8, v12;
	v12 =	vld.idx.msk [tilespmem:v15+s2+$0x0], $0xffff  }
0xf2: {  	v9 =	vld.idx.msk [tilespmem:v9+s11+$0x0], $0xffff  }
0xf3: {  	v8 =	vadd.f32 v8, v16;
	v16 =	vld [tilespmem:s24+$0xFFFFFFC0]  }
0xf4: {  	v18 =	vld [tilespmem:s24+$0x10]  }
0xf5: {  	v8 =	vmax.f32 v8, $0.0e+00;
	v19 =	vld.idx.msk [tilespmem:v7+s2+$0x0], $0xffff  }
0xf6: {  	v14 =	vadd.f32 v14, v17;
	v10 =	vld.idx.msk [tilespmem:v10+s11+$0x0], $0xffff  }
0xf7: {  	[tilespmem:v11+s16+$0x0] =	vst.idx.add.f32.msk $0xffff, v8  }
0xf8: {  	v9 =	vadd.f32 v9, v12;
	v8 =	vld [tilespmem:s28+$0xFFFFFF80];
	v11 =	vadd.f32 v14, v16  }
0xf9: {  	v12 =	vld [tilespmem:s24+$0x70]  }
0xfa: {  	v9 =	vadd.f32 v9, v18;
	v14 =	vld [tilespmem:s23+$0xFFFFFF80];
	v11 =	vmax.f32 v11, $0.0e+00  }
0xfb: {  	[tilespmem:v13+s16+$0x0] =	vst.idx.add.f32.msk $0xffff, v11  }
0xfc: {  	v9 =	vmax.f32 v9, $0.0e+00;
	v10 =	vadd.f32 v10, v19;
	v11 =	vld [tilespmem:s28+$0xFFFFFFD0]  }
0xfd: {  	[tilespmem:v15+s16+$0x0] =	vst.idx.add.f32.msk $0xffff, v9  }
0xfe: {  	v9 =	vld [tilespmem:s23+$0xFFFFFFD0];
	v10 =	vadd.f32 v10, v12  }
0xff: {  	v12 =	vld [tilespmem:s28+$0x20]  }
0x100: {  	v13 =	vld [tilespmem:s23+$0x20];
	v10 =	vmax.f32 v10, $0.0e+00  }
0x101: {  	[tilespmem:v7+s17+$0x0] =	vst.idx.add.f32.msk $0xffff, v10  }
0x102: {  	v7 =	vld [tilespmem:s28+$0x80]  }
0x103: {  	v10 =	vld [tilespmem:s23+$0x80]  }
0x104: {  	v15 =	vld.idx.msk [tilespmem:v8+s2+$0x0], $0xffff  }
0x105: {  	v14 =	vld.idx.msk [tilespmem:v14+s11+$0x0], $0xffff  }
0x106: {  	v16 =	vld.idx.msk [tilespmem:v11+s2+$0x0], $0xffff  }
0x107: {  	v9 =	vld.idx.msk [tilespmem:v9+s11+$0x0], $0xffff  }
0x108: {  	v17 =	vld.idx.msk [tilespmem:v12+s2+$0x0], $0xffff  }
0x109: {  	v13 =	vld.idx.msk [tilespmem:v13+s11+$0x0], $0xffff  }
0x10a: {  	v18 =	vld.idx.msk [tilespmem:v7+s2+$0x0], $0xffff  }
0x10b: {  	v14 =	vadd.f32 v14, v15;
	v10 =	vld.idx.msk [tilespmem:v10+s11+$0x0], $0xffff  }
0x10c: {  	v15 =	vld [tilespmem:s24+$0xFFFFFF80]  }
0x10d: {  	v9 =	vadd.f32 v9, v16;
	v19 =	vld [tilespmem:s24+$0xFFFFFFD0]  }
0x10e: {  	v16 =	vld [tilespmem:s24+$0x80]  }
0x10f: {  	v13 =	vadd.f32 v13, v17;
	v20 =	vld [tilespmem:s24+$0x20]  }
0x110: {  	v17 =	vld.idx.msk [tilespmem:v3+s2+$0x0], $0xffff  }
0x111: {  	v10 =	vadd.f32 v10, v18;
	v14 =	vadd.f32 v14, v15;
	v4 =	vld.idx.msk [tilespmem:v4+s11+$0x0], $0xffff  }
0x112: {  	v9 =	vadd.f32 v9, v19;
	v15 =	vld [tilespmem:s25+$0xFFFFFFF0]  }
0x113: {  	v14 =	vmax.f32 v14, $0.0e+00;
	v10 =	vadd.f32 v10, v16;
	v16 =	vld [tilespmem:s25+$0x40];
	s25 =	smov.u32 s24  }
0x114: {  	[tilespmem:v8+s17+$0x0] =	vst.idx.add.f32.msk $0xffff, v14;
	v8 =	vmax.f32 v9, $0.0e+00;
	v9 =	vadd.f32 v13, v20  }
0x115: {  	[tilespmem:v11+s17+$0x0] =	vst.idx.add.f32.msk $0xffff, v8;
	v8 =	vmax.f32 v10, $0.0e+00  }
0x116: {  	v9 =	vmax.f32 v9, $0.0e+00;
	[tilespmem:v7+s18+$0x0] =	vst.idx.add.f32.msk $0xffff, v8  }
0x117: {  	v4 =	vadd.f32 v4, v17;
	v7 =	vld [tilespmem:s28+$0x90];
	v6 =	vadd.f32 v6, v15  }
0x118: {  	v8 =	vld [tilespmem:s23+$0x90]  }
0x119: {  	v4 =	vadd.f32 v4, v16;
	[tilespmem:v12+s17+$0x0] =	vst.idx.add.f32.msk $0xffff, v9;
	v6 =	vmax.f32 v6, $0.0e+00  }
0x11a: {  	v9 =	vld [tilespmem:s28+$0xFFFFFF90]  }
0x11b: {  	v4 =	vmax.f32 v4, $0.0e+00;
	v10 =	vld [tilespmem:s23+$0xFFFFFF90]  }
0x11c: {  	v11 =	vld [tilespmem:s28+$0xFFFFFFE0]  }
0x11d: {  	v12 =	vld [tilespmem:s23+$0xFFFFFFE0]  }
0x11e: {  	v13 =	vld [tilespmem:s28+$0x30]  }
0x11f: {  	v14 =	vld.idx.msk [tilespmem:v7+s2+$0x0], $0xffff  }
0x120: {  	v8 =	vld.idx.msk [tilespmem:v8+s11+$0x0], $0xffff  }
0x121: {  	v15 =	vld [tilespmem:s23+$0x30]  }
0x122: {  	v16 =	vld.idx.msk [tilespmem:v9+s2+$0x0], $0xffff  }
0x123: {  	v17 =	vld [tilespmem:s24+$0x90]  }
0x124: {  	v10 =	vld.idx.msk [tilespmem:v10+s11+$0x0], $0xffff  }
0x125: {  	v18 =	vld.idx.msk [tilespmem:v11+s2+$0x0], $0xffff  }
0x126: {  	v8 =	vadd.f32 v8, v14;
	v12 =	vld.idx.msk [tilespmem:v12+s11+$0x0], $0xffff  }
0x127: {  	v14 =	vld.idx.msk [tilespmem:v13+s2+$0x0], $0xffff  }
0x128: {  	v19 =	vld [tilespmem:s24+$0xFFFFFF90];
	v8 =	vadd.f32 v8, v17  }
0x129: {  	v15 =	vld.idx.msk [tilespmem:v15+s11+$0x0], $0xffff  }
0x12a: {  	v10 =	vadd.f32 v10, v16;
	v16 =	vld [tilespmem:s24+$0xFFFFFFE0];
	v8 =	vmax.f32 v8, $0.0e+00  }
0x12b: {  	[tilespmem:v7+s19+$0x0] =	vst.idx.add.f32.msk $0xffff, v8  }
0x12c: {  	v7 =	vadd.f32 v12, v18;
	v8 =	vld [tilespmem:s24+$0x30]  }
0x12d: {  	v10 =	vadd.f32 v10, v19;
	[tilespmem:v1+s19+$0x0] =	vst.idx.add.f32.msk $0xffff, v5  }
0x12e: {  	[tilespmem:v2+s19+$0x0] =	vst.idx.add.f32.msk $0xffff, v6  }
0x12f: {  	v5 =	vadd.f32 v15, v14;
	v1 =	vmax.f32 v10, $0.0e+00;
	v2 =	vadd.f32 v7, v16;
	[tilespmem:v3+s19+$0x0] =	vst.idx.add.f32.msk $0xffff, v4  }
0x130: {  	[tilespmem:v9+s18+$0x0] =	vst.idx.add.f32.msk $0xffff, v1  }
0x131: {  	v1 =	vld [tilespmem:s28+$0xFFFFFFA0];
	v2 =	vmax.f32 v2, $0.0e+00;
	v3 =	vadd.f32 v5, v8  }
0x132: {  	[tilespmem:v11+s18+$0x0] =	vst.idx.add.f32.msk $0xffff, v2  }
0x133: {  	v7 =	vld [tilespmem:s23+$0xFFFFFFA0];
	v2 =	vmax.f32 v3, $0.0e+00  }
0x134: {  	[tilespmem:v13+s18+$0x0] =	vst.idx.add.f32.msk $0xffff, v2  }
0x135: {  	v2 =	vld [tilespmem:s28+$0xFFFFFFF0]  }
.Ltmp1:
0x136: {  	v8 =	vld [tilespmem:s23+$0xFFFFFFF0];
	(pc) =	sbr.rel @p0 .LBB2_4-.Ltmp1, $4  }
0x137: {  	v3 =	vld [tilespmem:s28+$0x40]  }
0x138: {  	v4 =	vld [tilespmem:s23+$0x40]  }
0x139: {  	v6 =	vld.idx.msk [tilespmem:v1+s2+$0x0], $0xffff  }
0x13a: {  	s28 =	sadd.s32 $0x140, s28;
	v5 =	vld [tilespmem:s24+$0xFFFFFFA0]  }
0x13b: {  	_ =	sdelay $0x3  }
0x13c: {  	v7 =	vld.idx.msk [tilespmem:v7+s11+$0x0], $0xffff  }
0x13d: {  	v9 =	vld.idx.msk [tilespmem:v2+s2+$0x0], $0xffff  }
0x13e: {  	v8 =	vld.idx.msk [tilespmem:v8+s11+$0x0], $0xffff  }
0x13f: {  	v10 =	vld.idx.msk [tilespmem:v3+s2+$0x0], $0xffff  }
0x140: {  	v4 =	vld.idx.msk [tilespmem:v4+s11+$0x0], $0xffff  }
0x141: {  	v11 =	vld [tilespmem:s25+$0xFFFFFFF0]  }
0x142: {  	v12 =	vld [tilespmem:s25+$0x40]  }
0x143: {  	v6 =	vadd.f32 v7, v6  }
0x144: {  	v7 =	vadd.f32 v8, v9  }
0x145: {  	v5 =	vadd.f32 v6, v5;
	v4 =	vadd.f32 v4, v10  }
0x146: {  	v6 =	vadd.f32 v7, v11  }
0x147: {  	v5 =	vmax.f32 v5, $0.0e+00;
	v4 =	vadd.f32 v4, v12  }
0x148: {  	v6 =	vmax.f32 v6, $0.0e+00;
	[tilespmem:v1+s19+$0x0] =	vst.idx.add.f32.msk $0xffff, v5  }
0x149: {  	[tilespmem:v2+s19+$0x0] =	vst.idx.add.f32.msk $0xffff, v6;
	v1 =	vmax.f32 v4, $0.0e+00  }
0x14a: {  	[tilespmem:v3+s19+$0x0] =	vst.idx.add.f32.msk $0xffff, v1  }
0x14b: {  	v1 =	vld [tilespmem:$0x9D40]  }
0x14c: {  	v2 =	vld [tilespmem:$0x75C0];
	_ =	sdelay $0x6  }
0x14d: {  	v3 =	vld.idx.msk [tilespmem:v1+s2+$0x0], $0xffff  }
0x14e: {  	v2 =	vld.idx.msk [tilespmem:v2+s11+$0x0], $0xffff;
	_ =	sdelay $0x1  }
0x14f: {  	v4 =	vld [tilespmem:$0xC4C0];
	_ =	sdelay $0x2  }
0x150: {  	v2 =	vadd.f32 v2, v3;
	_ =	sdelay $0x1  }
0x151: {  	v2 =	vadd.f32 v2, v4;
	_ =	sdelay $0x1  }
0x152: {  	v2 =	vmax.f32 v2, $0.0e+00  }
0x153: {  	[tilespmem:v1+s15+$0x0] =	vst.idx.add.f32.msk $0xffff, v2  }
0x154: {  	v1 =	vld [tilespmem:$0x9D50]  }
0x155: {  	v2 =	vld [tilespmem:$0x75D0];
	_ =	sdelay $0x6  }
0x156: {  	v3 =	vld.idx.msk [tilespmem:v1+s2+$0x0], $0xffff  }
0x157: {  	v2 =	vld.idx.msk [tilespmem:v2+s11+$0x0], $0xffff;
	_ =	sdelay $0x1  }
0x158: {  	v4 =	vld [tilespmem:$0xC4D0];
	_ =	sdelay $0x2  }
0x159: {  	v2 =	vadd.f32 v2, v3;
	_ =	sdelay $0x1  }
0x15a: {  	v2 =	vadd.f32 v2, v4;
	_ =	sdelay $0x1  }
0x15b: {  	v2 =	vmax.f32 v2, $0.0e+00  }
0x15c: {  	[tilespmem:v1+s16+$0x0] =	vst.idx.add.f32.msk $0xffff, v2  }
0x15d: {  	v1 =	vld [tilespmem:$0x9D60]  }
0x15e: {  	v2 =	vld [tilespmem:$0x75E0];
	_ =	sdelay $0x6  }
0x15f: {  	v3 =	vld.idx.msk [tilespmem:v1+s2+$0x0], $0xffff  }
0x160: {  	v2 =	vld.idx.msk [tilespmem:v2+s11+$0x0], $0xffff;
	_ =	sdelay $0x1  }
0x161: {  	v4 =	vld [tilespmem:$0xC4E0];
	_ =	sdelay $0x2  }
0x162: {  	v2 =	vadd.f32 v2, v3;
	_ =	sdelay $0x1  }
0x163: {  	v2 =	vadd.f32 v2, v4;
	_ =	sdelay $0x1  }
0x164: {  	v2 =	vmax.f32 v2, $0.0e+00  }
0x165: {  	[tilespmem:v1+s17+$0x0] =	vst.idx.add.f32.msk $0xffff, v2  }
0x166: {  	v1 =	vld [tilespmem:$0x9D70]  }
0x167: {  	v2 =	vld [tilespmem:$0x75F0];
	_ =	sdelay $0x6  }
0x168: {  	v3 =	vld.idx.msk [tilespmem:v1+s2+$0x0], $0xffff  }
0x169: {  	v2 =	vld.idx.msk [tilespmem:v2+s11+$0x0], $0xffff;
	_ =	sdelay $0x1  }
0x16a: {  	v4 =	vld [tilespmem:$0xC4F0];
	_ =	sdelay $0x2  }
0x16b: {  	v2 =	vadd.f32 v2, v3;
	_ =	sdelay $0x1  }
0x16c: {  	v2 =	vadd.f32 v2, v4;
	_ =	sdelay $0x1  }
0x16d: {  	v2 =	vmax.f32 v2, $0.0e+00  }
0x16e: {  	[tilespmem:v1+s18+$0x0] =	vst.idx.add.f32.msk $0xffff, v2  }
0x16f: {  	v1 =	vld [tilespmem:$0x9D80]  }
0x170: {  	v2 =	vld [tilespmem:$0x7600];
	_ =	sdelay $0x6  }
0x171: {  	v3 =	vld.idx.msk [tilespmem:v1+s2+$0x0], $0xffff  }
0x172: {  	v2 =	vld.idx.msk [tilespmem:v2+s11+$0x0], $0xffff;
	_ =	sdelay $0x1  }
0x173: {  	v4 =	vld [tilespmem:$0xC500];
	_ =	sdelay $0x2  }
0x174: {  	v2 =	vadd.f32 v2, v3;
	_ =	sdelay $0x1  }
0x175: {  	v2 =	vadd.f32 v2, v4;
	_ =	sdelay $0x1  }
0x176: {  	v2 =	vmax.f32 v2, $0.0e+00  }
0x177: {  	s23 =	simm.s32 $0xC5A0;
	[tilespmem:v1+s19+$0x0] =	vst.idx.add.f32.msk $0xffff, v2  }
0x178: {  	s24 =	simm.s32 $0xED20;
	v1 =	vld [tilespmem:s23+$0x10]  }
0x179: {  	v2 =	vld [tilespmem:s24+$0x10]  }
0x17a: {  	s25 =	simm.s32 $0x114A0;
	v3 =	vld [tilespmem:s24+$0xFFFFFFE0]  }
0x17b: {  	v4 =	vld [tilespmem:s25+$0x10]  }
0x17c: {  	s26 =	simm.s32 $0x13C20;
	v5 =	vld [tilespmem:s23+$0xFFFFFFF0]  }
0x17d: {  	v6 =	vld [tilespmem:s26+$0x10]  }
0x17e: {  	s28 =	simm.s32 $0x163A0;
	v7 =	vld [tilespmem:s24+$0xFFFFFFF0]  }
0x17f: {  	v8 =	vld [tilespmem:s28+$0x10]  }
0x180: {  	v9 =	vld [tilespmem:s23+$0x0]  }
0x181: {  	v10 =	vld [tilespmem:s24+$0x0]  }
0x182: {  	v1 =	vadd.f32 v2, v1;
	v2 =	vld [tilespmem:s23+$0xFFFFFFE0]  }
0x183: {  	v11 =	vld [tilespmem:s25+$0xFFFFFFE0]  }
0x184: {  	v63 =	vld [tilespmem:s25+$0x0];
	v1 =	vadd.f32 v4, v1  }
0x185: {  	v4 =	vld [tilespmem:s25+$0xFFFFFFF0]  }
0x186: {  	v1 =	vadd.f32 v6, v1;
	v6 =	vld [tilespmem:s26+$0xFFFFFFE0]  }
0x187: {  	v3 =	vadd.f32 v3, v2;
	v2 =	vld [tilespmem:s26+$0xFFFFFFF0]  }
0x188: {  	v5 =	vadd.f32 v7, v5;
	v8 =	vadd.f32 v8, v1;
	v1 =	vld [tilespmem:s26+$0x0]  }
0x189: {  	v9 =	vadd.f32 v10, v9;
	v10 =	vadd.f32 v11, v3;
	v3 =	vld [tilespmem:s28+$0xFFFFFFE0]  }
0x18a: {  	v7 =	vadd.f32 v4, v5;
	v4 =	vld [tilespmem:s28+$0xFFFFFFF0]  }
0x18b: {  	s29 =	simm.s32 $0x0;
	s30 =	simm.s32 $0xC5E0;
	v5 =	vld [tilespmem:s28+$0x0];
	[tilespmem:s23+$0x10] =	vst v8;
	v8 =	vadd.f32 v63, v9;
	v6 =	vadd.f32 v6, v10  }
.LBB2_6:
0x18c: {  	v9 =	vld [tilespmem:s30+$0x10];
	v2 =	vadd.f32 v2, v7;
	s24 =	sadd.s32 $0x40, s24  }
0x18d: {  	s29 =	sadd.s32 $0x4, s29;
	v7 =	vld [tilespmem:s24+$0x10];
	v1 =	vadd.f32 v1, v8  }
0x18e: {  	s25 =	sadd.s32 $0x40, s25;
	p0 =	slt.u32 s29, $0x26C;
	v8 =	vld [tilespmem:s24+$0xFFFFFFE0];
	v3 =	vadd.f32 v3, v6  }
0x18f: {  	v6 =	vld [tilespmem:s25+$0x10];
	v2 =	vadd.f32 v4, v2  }
0x190: {  	s26 =	sadd.s32 $0x40, s26;
	v4 =	vld [tilespmem:s30+$0xFFFFFFF0];
	[tilespmem:s23+$0xFFFFFFE0] =	vst v3;
	v1 =	vadd.f32 v5, v1  }
0x191: {  	v3 =	vld [tilespmem:s26+$0x10];
	[tilespmem:s23+$0xFFFFFFF0] =	vst v2  }
0x192: {  	s28 =	sadd.s32 $0x40, s28;
	v2 =	vld [tilespmem:s24+$0xFFFFFFF0];
	v5 =	vadd.f32 v7, v9;
	[tilespmem:s23+$0x0] =	vst v1;
	s23 =	smov.u32 s30  }
0x193: {  	v1 =	vld [tilespmem:s28+$0x10]  }
0x194: {  	v7 =	vld [tilespmem:s30+$0x0];
	v5 =	vadd.f32 v6, v5  }
0x195: {  	v6 =	vld [tilespmem:s24+$0x0]  }
0x196: {  	v9 =	vld [tilespmem:s30+$0xFFFFFFE0];
	v3 =	vadd.f32 v3, v5  }
0x197: {  	v5 =	vld [tilespmem:s25+$0xFFFFFFE0];
	v4 =	vadd.f32 v2, v4  }
0x198: {  	v10 =	vld [tilespmem:s25+$0xFFFFFFF0];
	v1 =	vadd.f32 v1, v3  }
0x199: {  	v11 =	vld [tilespmem:s25+$0x0]  }
0x19a: {  	v12 =	vld [tilespmem:s26+$0xFFFFFFE0];
	v6 =	vadd.f32 v6, v7;
	[tilespmem:s30+$0x10] =	vst v1  }
.Ltmp2:
0x19b: {  	v3 =	vadd.f32 v8, v9;
	v2 =	vld [tilespmem:s26+$0xFFFFFFF0];
	(pc) =	sbr.rel @p0 .LBB2_6-.Ltmp2, $4  }
0x19c: {  	v1 =	vld [tilespmem:s26+$0x0]  }
0x19d: {  	v5 =	vadd.f32 v5, v3;
	v3 =	vld [tilespmem:s28+$0xFFFFFFE0];
	v7 =	vadd.f32 v10, v4  }
0x19e: {  	v4 =	vld [tilespmem:s28+$0xFFFFFFF0];
	v8 =	vadd.f32 v11, v6  }
0x19f: {  	s30 =	sadd.s32 $0x40, s30;
	v6 =	vadd.f32 v12, v5;
	v5 =	vld [tilespmem:s28+$0x0]  }
0x1a0: {  	_ = 	snop  }
0x1a1: {  	v2 =	vadd.f32 v2, v7  }
0x1a2: {  	v1 =	vadd.f32 v1, v8;
	v3 =	vadd.f32 v3, v6  }
0x1a3: {  	v2 =	vadd.f32 v4, v2  }
0x1a4: {  	[tilespmem:s23+$0xFFFFFFE0] =	vst v3;
	v1 =	vadd.f32 v5, v1  }
0x1a5: {  	[tilespmem:s23+$0xFFFFFFF0] =	vst v2  }
0x1a6: {  	[tilespmem:s23+$0x0] =	vst v1  }
0x1a7: {  	v1 =	vld [tilespmem:$0xEC80]  }
0x1a8: {  	v2 =	vld [tilespmem:$0x11400];
	_ =	sdelay $0x1  }
0x1a9: {  	v3 =	vld [tilespmem:$0x13B80];
	_ =	sdelay $0x1  }
0x1aa: {  	v63 =	vld [tilespmem:$0x16300]  }
0x1ab: {  	v1 =	vadd.f32 v2, v1  }
0x1ac: {  	v2 =	vld [tilespmem:$0x18A80]  }
0x1ad: {  	v1 =	vadd.f32 v3, v1;
	_ =	sdelay $0x1  }
0x1ae: {  	v1 =	vadd.f32 v63, v1;
	_ =	sdelay $0x1  }
0x1af: {  	s22 =	sadd.s32 $0x1, s22;
	v1 =	vadd.f32 v2, v1  }
0x1b0: {  	p0 =	sne.s32 s22, s9  }
.Ltmp3:
0x1b1: {  	[tilespmem:$0xEC80] =	vst v1;
	(pc) =	sbr.rel @p0 .LBB2_1-.Ltmp3, $4  }
0x1b2: {  	[hbm4b:s8+s20] =	stream.strided.scatter [tilespmem:s15], [sflag:$0x1], $0x2780, s21, s20, $0x38;
	[tilespmem:$0x18B00] =	vst v63  }
0x1b3: {  	_ =	swait.ge [sflag:s10], $0x2780  }
0x1b4: {  	[sflag:s10] =	ssyncset.done $0x0  }
0x1b5: {  	[sflag:s10] =	ssyncadd.s32 $0xFFFFD880  }
0x1b6: {  	_ =	sfence.sel $0x180000  }
0x1b7: {  	[bflag:$0x0] =	sbarrier.arrive $0xFFFF  }
0x1b8: {  	p0 =	sne.s32 s1, $0x0;
	_ =	strace $0x90000047  }
0x1b9: {  	s0 =	sadd.s32 @!p0 $0x100000, s0;
	[bflag:$0x2] =	sbarrier.arrive $0xFFFF  }
0x1ba: {  	[sflag:s0] =	ssyncadd.tile.s32 @!p0 $0x1;
	_ =	shalt  }
.Lfunc_end2:
_tile_overlayer_lowered:
.L_overlay_start_2:
0x1bb: {  	(tag) =	ssettag $0x2  }
0x1bc: {  	s0 =	rddreg [dreg:$0x0];
	s2 =	stileid.u32  }
0x1bd: {  	s1 =	rddreg [dreg:$0x1];
	p0 =	sne.s32 s2, $0x0  }
0x1be: {  	s3 =	rddreg [dreg:$0x2];
	[bflag:$0x3] =	sbarrier.arrive $0xFFFF;
	s2 =	simm.s32 @!p0 $0x1C01  }
0x1bf: {  	[timem:s3], [sflag:s2] =	dma.local @!p0 [hbm:s0], s1  }
0x1c0: {  	s0 =	simm.s32 @!p0 $0x1  }
0x1c1: {  	_ =	swait.ge @!p0 [sflag:s0], s1  }
0x1c2: {  	s1 =	ssub.s32 @!p0 $0x0, s1;
	[sflag:s0] =	ssyncset.done @!p0 $0x0  }
0x1c3: {  	[sflag:s0] =	ssyncadd.s32 @!p0 s1  }
0x1c4: {  	[bflag:$0x3] =	sbarrier.arrive $0xFFFF  }
0x1c5: {  	_ =	shalt  }

// kernel: kernel.15.cloned.1.call-start
scs
__scs_entry_jumppad:
0x0: {  	(pc) =	sbr.rel $0x88, $3  }
0x1: {  	(tag) =	ssettag $0x0;
	lr =	simm.s32 $0x1  }
0x2: {  	[smem:$0x3F8D] =	sst lr;
	_ =	strace $0xD0000000  }
0x3: {  	_ = 	snop  }
0x4: {  	_ = 	snop  }
0x5: {  	_ = 	snop  }
0x6: {  	_ = 	snop  }
0x7: {  	_ = 	snop  }
__scs_overlays_trampoline_lowered:
0x8: {  	[smem:$0x3F9C] =	sst s0  }
0x9: {  	[smem:$0x3F9D] =	sst s1  }
0xa: {  	[smem:$0x3F9E] =	sst s2  }
0xb: {  	[smem:$0x3F9F] =	sst s3  }
0xc: {  	[smem:$0x3FA0] =	sst s4  }
0xd: {  	[smem:$0x3FA1] =	sst s5  }
0xe: {  	[smem:$0x3FA2] =	sst s6  }
0xf: {  	[smem:$0x3FA3] =	sst s7  }
0x10: {  	[smem:$0x3FA4] =	sst s8  }
0x11: {  	[smem:$0x3FA5] =	sst s9;
	s0 =	simm.s32 @!p0 $0x0  }
0x12: {  	s1 =	sld [smem:$0x3F8B];
	s0 =	simm.s32 @p0 $0x1  }
0x13: {  	[smem:$0x3FA6] =	sst s0;
	s0 =	simm.s32 @!p1 $0x0  }
0x14: {  	s2 =	sld [smem:$0x3F8A];
	s0 =	simm.s32 @p1 $0x1  }
0x15: {  	[smem:$0x3FA7] =	sst s0;
	s0 =	simm.s32 @!p2 $0x0  }
0x16: {  	s3 =	sld [smem:$0x3FDB];
	s0 =	simm.s32 @p2 $0x1  }
0x17: {  	s4 =	simm.s32 $0x1BF5;
	[smem:$0x3FA9] =	sst s0  }
0x18: {  	s0 =	sld [smem:$0x3F8C];
	_ =	swait.ge [sflag:s4], $0x0  }
0x19: {  	s7 =	sld [smem:$0x3F8D]  }
0x1a: {  	s8 =	sadd.s32 $0xFFFFE003, lr  }
0x1b: {  	s9 =	sadd.s32 $0xFFFFFEF7, lr;
	s5 =	simm.s32 $0xFFFFFFFF;
	p2 =	slt.u32 s8, $0xFFFFF086  }
0x1c: {  	p1 =	slt.u32 s9, $0xF7A;
	s5 =	simm.s32 @!p2 $0x0  }
0x1d: {  	s5 =	simm.s32 @p1 $0x1;
	p0 =	seq.s32 s7, s2  }
0x1e: {  	s7 =	smul.u32 @!p0 $0xF7A, s2;
	p2 =	seq.s32 @!p0 s5, $0x0  }
0x1f: {  	s9 =	smul.u32 $0xF7A, s1;
	s8 =	simm.s32 @!p0 $0x1BF5;
	p2 =	por !p2, p0  }
0x20: {  	[sflag:s8] =	ssyncset.s32 @!p0 $0xFFFFF086;
	s6 =	sadd.s32 @!p0 s3, s7;
	s7 =	simm.s32 @!p0 $0x108  }
0x21: {  	s3 =	sadd.s32 s3, s9;
	s6 =	sadd.s32 @!p0 $0x88, s6;
	s7 =	simm.s32 @p2 $0x1082  }
0x22: {  	[simem:s7], [sflag:s8] =	dma.local @!p0 [hbm:s6], $0xF7A  }
0x23: {  	s9 =	sor.u32 $0xD0000000, s2;
	s6 =	simm.s32 $0x108;
	_ =	swait.ge @!p0 [sflag:s8], $0x0  }
0x24: {  	s3 =	sadd.s32 $0x88, s3;
	s6 =	simm.s32 @!p1 $0x1082;
	[sflag:s4] =	ssyncset.s32 $0xFFFFF086  }
0x25: {  	[simem:s6], [sflag:s4] =	dma.local [hbm:s3], $0xF7A  }
0x26: {  	[smem:$0x3F8D] =	sst s1;
	(tag) =	ssettag s2;
	_ =	strace s9  }
0x27: {  	s1 =	sld [smem:$0x3F9D]  }
0x28: {  	s2 =	sld [smem:$0x3F9E]  }
0x29: {  	s4 =	sld [smem:$0x3FA0]  }
0x2a: {  	p0 =	seq.s32 s5, $0x0;
	s5 =	sld [smem:$0x3FA1]  }
0x2b: {  	s6 =	sld [smem:$0x3FA2]  }
0x2c: {  	s7 =	sld [smem:$0x3FA3]  }
0x2d: {  	s3 =	simm.s32 $0x108;
	s8 =	sld [smem:$0x3FA4]  }
0x2e: {  	s3 =	simm.s32 @!p0 $0x1082;
	s9 =	sld [smem:$0x3FA5]  }
0x2f: {  	lr =	sadd.s32 s0, s3;
	s0 =	sld [smem:$0x3F9C]  }
0x30: {  	s3 =	sld [smem:$0x3F9F]  }
0x31: {  	[smem:$0x3FA8] =	sst s10  }
0x32: {  	s10 =	sld [smem:$0x3FA6];
	_ =	sdelay $0x3  }
0x33: {  	p0 =	seq.s32 s10, $0x1;
	s10 =	sld [smem:$0x3FA8];
	_ =	sdelay $0x3  }
0x34: {  	[smem:$0x3FA8] =	sst s10  }
0x35: {  	s10 =	sld [smem:$0x3FA7];
	_ =	sdelay $0x3  }
0x36: {  	p1 =	seq.s32 s10, $0x1;
	s10 =	sld [smem:$0x3FA8];
	_ =	sdelay $0x3  }
0x37: {  	[smem:$0x3FA8] =	sst s10  }
0x38: {  	s10 =	sld [smem:$0x3FA9]  }
0x39: {  	_ = 	snop;
	(pc) =	sbr.ind lr, $3  }
0x3a: {  	_ = 	snop  }
0x3b: {  	_ = 	snop  }
0x3c: {  	p2 =	seq.s32 s10, $0x1;
	s10 =	sld [smem:$0x3FA8]  }
0x3d: {  	_ =	shalt  }
0x3e: {  	_ =	shalt  }
0x3f: {  	_ =	shalt  }
0x40: {  	_ =	shalt  }
0x41: {  	_ =	shalt  }
0x42: {  	_ =	shalt  }
0x43: {  	_ =	shalt  }
0x44: {  	_ =	shalt  }
0x45: {  	_ =	shalt  }
0x46: {  	_ =	shalt  }
0x47: {  	_ =	shalt  }
0x48: {  	_ =	shalt  }
0x49: {  	_ =	shalt  }
0x4a: {  	_ =	shalt  }
0x4b: {  	_ =	shalt  }
0x4c: {  	_ =	shalt  }
0x4d: {  	_ =	shalt  }
0x4e: {  	_ =	shalt  }
0x4f: {  	_ =	shalt  }
0x50: {  	_ =	shalt  }
0x51: {  	_ =	shalt  }
0x52: {  	_ =	shalt  }
0x53: {  	_ =	shalt  }
0x54: {  	_ =	shalt  }
0x55: {  	_ =	shalt  }
0x56: {  	_ =	shalt  }
0x57: {  	_ =	shalt  }
0x58: {  	_ =	shalt  }
0x59: {  	_ =	shalt  }
0x5a: {  	_ =	shalt  }
0x5b: {  	_ =	shalt  }
0x5c: {  	_ =	shalt  }
0x5d: {  	_ =	shalt  }
0x5e: {  	_ =	shalt  }
0x5f: {  	_ =	shalt  }
0x60: {  	_ =	shalt  }
0x61: {  	_ =	shalt  }
0x62: {  	_ =	shalt  }
0x63: {  	_ =	shalt  }
0x64: {  	_ =	shalt  }
0x65: {  	_ =	shalt  }
0x66: {  	_ =	shalt  }
0x67: {  	_ =	shalt  }
0x68: {  	_ =	shalt  }
0x69: {  	_ =	shalt  }
0x6a: {  	_ =	shalt  }
0x6b: {  	_ =	shalt  }
0x6c: {  	_ =	shalt  }
0x6d: {  	_ =	shalt  }
0x6e: {  	_ =	shalt  }
0x6f: {  	_ =	shalt  }
0x70: {  	_ =	shalt  }
0x71: {  	_ =	shalt  }
0x72: {  	_ =	shalt  }
0x73: {  	_ =	shalt  }
0x74: {  	_ =	shalt  }
0x75: {  	_ =	shalt  }
0x76: {  	_ =	shalt  }
0x77: {  	_ =	shalt  }
0x78: {  	_ =	shalt  }
0x79: {  	_ =	shalt  }
0x7a: {  	_ =	shalt  }
0x7b: {  	_ =	shalt  }
0x7c: {  	_ =	shalt  }
0x7d: {  	_ =	shalt  }
0x7e: {  	_ =	shalt  }
0x7f: {  	_ =	shalt  }
0x80: {  	_ =	shalt  }
0x81: {  	_ =	shalt  }
0x82: {  	_ =	shalt  }
0x83: {  	_ =	shalt  }
0x84: {  	_ =	shalt  }
0x85: {  	_ =	shalt  }
0x86: {  	_ =	shalt  }
0x87: {  	_ =	shalt  }
.Lfunc_end0:
.L_simem_size_0:
called_computation.1_lowered:
.L_overlay_start_0:
0x88: {  	s2 =	sld [smem:$0x3FD9]  }
0x89: {  	s3 =	sld [smem:$0x3FFE];
	_ =	sdelay $0x1  }
0x8a: {  	s1 =	srdreg.scid  }
0x8b: {  	s0 =	sand.u32 $0x1, s1  }
0x8c: {  	s16 =	sshll.u32 s0, $0xA;
	s2 =	sadd.s32 s3, s2  }
0x8d: {  	s2 =	sadd.s32 s2, s16  }
0x8e: {  	[smem:$0x3FB4] =	sst s2  }
0x8f: {  	_ = 	snop  }
0x90: {  	(tm) =	ssettm $0x1  }
0x91: {  	s17 =	sld [smem:$0x3FFB];
	_ =	sdelay $0x3  }
0x92: {  	_ =	strace s17  }
0x93: {  	s2 =	sld [smem:$0x3FFC];
	_ =	sdelay $0x3  }
0x94: {  	_ =	strace s2  }
0x95: {  	s2 =	sld [smem:$0x3FFD];
	_ =	sdelay $0x3  }
0x96: {  	_ =	strace s2  }
0x97: {  	_ =	strace $0x8FFFFFFF  }
0x98: {  	s18 =	sld [smem:$0x3FDB];
	_ =	sdelay $0x1  }
0x99: {  	s19 =	simm.s32 $_scs_section_size  }
0x9a: {  	s4 =	simm.s32 $_size__tile_overlayer_lowered;
	s5 =	simm.s32 $_tile_overlayer_lowered  }
0x9b: {  	s22 =	simm.s32 $0x1BFF;
	s21 =	sshll.u32 s5, $0x1;
	s2 =	sadd.s32 s19, s18  }
0x9c: {  	s6 =	simm.s32 $0x0;
	s20 =	sshll.u32 s4, $0x1;
	s4 =	sadd.s32 s21, s2  }
0x9d: {  	[timem:s6], [sflag:s22] =	dma.local [hbm:s4], s20  }
0x9e: {  	_ =	swait.ge [sflag:s22], s20  }
0x9f: {  	s3 =	ssub.s32 $0x0, s20;
	[sflag:s22] =	ssyncset.done $0x0  }
0xa0: {  	[sflag:s22] =	ssyncadd.s32 s3;
	_ =	sdelay $0x1  }
0xa1: {  	s23 =	simm.s32 $0x1B8B  }
0xa2: {  	_ =	swait.ge [sflag:s23], $0x1  }
0xa3: {  	[sflag:s23] =	ssyncset.done $0x0  }
0xa4: {  	s25 =	simm.s32 $0x1B8E;
	s24 =	sld [smem:$0x3FFE];
	[sflag:s23] =	ssyncadd.s32 $0xFFFFFFFF  }
0xa5: {  	s26 =	simm.s32 $execute0_lowered;
	[smem:$0x3FD2] =	sst s25  }
0xa6: {  	s4 =	sshll.u32 s26, $0x1;
	_ =	strace $0x80000049;
	[dreg:$0x1] =	wrdreg $0xFFFFFFFF  }
0xa7: {  	s28 =	simm.s32 $_size_execute0_lowered;
	s2 =	sadd.s32 s2, s4;
	[dreg:$0x0] =	wrdreg $0x0  }
0xa8: {  	s4 =	sshll.u32 s28, $0x1;
	[dreg:$0x2] =	wrdreg s2  }
0xa9: {  	[dreg:$0x3] =	wrdreg s4  }
0xaa: {  	[dreg:$0x4] =	wrdreg $0xC0  }
0xab: {  	_ =	task [dreg:s6], $0x5FFFF  }
0xac: {  	[dreg:$0x1] =	wrdreg $0xFFFFFFFF  }
0xad: {  	[dreg:$0x0] =	wrdreg $0x60  }
0xae: {  	[dreg:$0x2] =	wrdreg s24  }
0xaf: {  	[dreg:$0x3] =	wrdreg $0x9  }
0xb0: {  	_ =	task.clear_ibuf [dreg:s6], $0x4FFFF;
	_ =	strace $0x90000049  }
0xb1: {  	s29 =	simm.s32 $0x9;
	_ =	strace $0x8000004B  }
0xb2: {  	_ =	swait.ge [sflag:s29], $0x1  }
0xb3: {  	[sflag:s29] =	ssyncadd.s32 $0xFFFFFFFF  }
0xb4: {  	_ =	strace $0x9000004B  }
0xb5: {  	_ =	sfence  }
0xb6: {  	s30 =	sld [smem:$0x0];
	_ =	sdelay $0x2  }
0xb7: {  	s31 =	sshll.u32 s1, $0xD;
	s1 =	sshrl.u32 s1, $0x2  }
0xb8: {  	s3 =	sand.u32 $0x4000, s31;
	s1 =	sadd.s32 s1, s30  }
0xb9: {  	s0 =	sor.u32 s3, s0;
	s1 =	sshll.u32 s1, $0x11  }
0xba: {  	s0 =	sor.u32 s1, s0  }
0xbb: {  	s0 =	sadd.s32 $0x8F2B, s0  }
0xbc: {  	[sflag:s0] =	ssyncadd.remote.s32 $0x1  }
0xbd: {  	_ =	sfence.sel $0xFFFF  }
0xbe: {  	[dreg:$0x0] =	wrdreg $0xFFFFFFFF;
	(pc) =	sbr.abs _section_cstart, $3  }
0xbf: {  	[dreg:$0x1] =	wrdreg $0xFFFFFFFF  }
0xc0: {  	_ =	task.clear_ibuf [dreg:s6], $0x2FFFF;
	_ =	strace $0x9FFFFFFF  }
0xc1: {  	(tm) =	ssettm $0x7FFFFFFF  }
tec
execute0_lowered:
.L_overlay_start_1:
0x0: {  	(tag) =	ssettag $0x1  }
0x1: {  	s5 =	rddreg [dreg:$0x0]  }
0x2: {  	s0 =	rddreg [dreg:$0x1]  }
0x3: {  	s3 =	srdreg.scid;
	s1 =	stileid.u32  }
0x4: {  	s2 =	simm.s32 $0x0;
	s12 =	simm.s32 $0x4F00;
	s13 =	simm.s32 $0x7680  }
0x5: {  	s14 =	simm.s32 $0x9E00;
	s15 =	simm.s32 $0xC580;
	s16 =	simm.s32 $0xED00  }
0x6: {  	s17 =	simm.s32 $0x11480;
	s18 =	simm.s32 $0x13C00;
	s19 =	simm.s32 $0x16380  }
0x7: {  	s20 =	simm.s32 $0x80;
	s21 =	simm.s32 $0x400;
	s22 =	simm.s32 $0x0  }
0x8: {  	s6 =	sand.u32 $0x1, s3;
	s28 =	sshll.u32 s1, $0x1;
	[smem:$0x7FF] =	sst s2  }
0x9: {  	s29 =	sshrl.u32 s1, $0x2;
	s3 =	sadd.s32 $0x35A00, s5;
	s4 =	sor.u32 s6, s28  }
0xa: {  	_ =	strace $0x8000004A;
	s7 =	smul.u32 $0x13C00, s29;
	s8 =	sshll.u32 s4, $0x7  }
0xb: {  	s6 =	ssub.s32 $0x2, s6;
	s9 =	smul.u32 $0x2710, s4;
	s8 =	sand.u32 $0x380, s8  }
0xc: {  	s4 =	sadd.s32 $0x36000, s5;
	s30 =	sshrl.u32 s6, $0x1;
	s7 =	sor.u32 s7, s8  }
0xd: {  	s11 =	ssub.s32 s6, s30;
	s9 =	sshrl.u32 s9, $0x3;
	s7 =	sshrl.u32 s7, $0x3  }
0xe: {  	s31 =	sadd.s32 s5, s9;
	s9 =	smax.u32 s11, $0x1;
	s11 =	simm.s32 $0x2780  }
0xf: {  	s10 =	sadd.s32 s7, s5;
	s5 =	sadd.s32 $0xE600, s31;
	s6 =	sadd.s32 $0x4800, s31  }
0x10: {  	v0 =	vimm.f32 $0.0e+00;
	s7 =	sadd.s32 $0x22040, s31;
	s8 =	sadd.s32 $0x36600, s10;
	s10 =	simm.s32 $0x1  }
.LBB2_1:
0x11: {  	[tilespmem:s2], [sflag:$0x1] =	stream.linear.gather [hbm4b:s3+s2], $0x2780, $0x38;
	[tilespmem:$0x18B00] =	vst v63  }
0x12: {  	_ =	swait.ge [sflag:s10], $0x2780  }
0x13: {  	[sflag:s10] =	ssyncset.done $0x0  }
0x14: {  	[sflag:s10] =	ssyncadd.s32 $0xFFFFD880  }
0x15: {  	[tilespmem:s11], [sflag:$0x1] =	stream.linear.gather [hbm4b:s4+s2], $0x2780, $0x38;
	[tilespmem:$0x18B00] =	vst v63  }
0x16: {  	_ =	swait.ge [sflag:s10], $0x2780  }
0x17: {  	[sflag:s10] =	ssyncset.done $0x0  }
0x18: {  	[sflag:s10] =	ssyncadd.s32 $0xFFFFD880  }
0x19: {  	[tilespmem:s12], [sflag:$0x1] =	stream.linear.gather [hbm4b:s5+s2], $0x2710, $0x38;
	[tilespmem:$0x18B00] =	vst v63  }
0x1a: {  	_ =	swait.ge [sflag:s10], $0x2710  }
0x1b: {  	[sflag:s10] =	ssyncset.done $0x0  }
0x1c: {  	[sflag:s10] =	ssyncadd.s32 $0xFFFFD8F0  }
0x1d: {  	[tilespmem:s13], [sflag:$0x1] =	stream.linear.gather [hbm4b:s6+s2], $0x2710, $0x38;
	[tilespmem:$0x18B00] =	vst v63  }
0x1e: {  	_ =	swait.ge [sflag:s10], $0x2710  }
0x1f: {  	[sflag:s10] =	ssyncset.done $0x0  }
0x20: {  	[sflag:s10] =	ssyncadd.s32 $0xFFFFD8F0  }
0x21: {  	[tilespmem:s14], [sflag:$0x1] =	stream.linear.gather [hbm4b:s7+s2], $0x2710, $0x38;
	[tilespmem:$0x18B00] =	vst v63  }
0x22: {  	_ =	swait.ge [sflag:s10], $0x2710  }
0x23: {  	[sflag:s10] =	ssyncset.done $0x0  }
0x24: {  	s28 =	simm.s32 $0xC5A0;
	[sflag:s10] =	ssyncadd.s32 $0xFFFFD8F0  }
0x25: {  	[tilespmem:s28+$0xFFFFFFF0] =	vst v0  }
0x26: {  	[tilespmem:s28+$0x0] =	vst v0  }
0x27: {  	[tilespmem:s28+$0x10] =	vst v0  }
0x28: {  	s23 =	simm.s32 $0xED20;
	[tilespmem:s28+$0xFFFFFFE0] =	vst v0  }
0x29: {  	[tilespmem:s23+$0xFFFFFFF0] =	vst v0  }
0x2a: {  	[tilespmem:s23+$0x0] =	vst v0  }
0x2b: {  	[tilespmem:s23+$0x10] =	vst v0  }
0x2c: {  	s24 =	simm.s32 $0x114A0;
	[tilespmem:s23+$0xFFFFFFE0] =	vst v0  }
0x2d: {  	[tilespmem:s24+$0xFFFFFFF0] =	vst v0  }
0x2e: {  	[tilespmem:s24+$0x0] =	vst v0  }
0x2f: {  	[tilespmem:s24+$0x10] =	vst v0  }
0x30: {  	s25 =	simm.s32 $0x13C20;
	[tilespmem:s24+$0xFFFFFFE0] =	vst v0  }
0x31: {  	[tilespmem:s25+$0xFFFFFFF0] =	vst v0  }
0x32: {  	[tilespmem:s25+$0x0] =	vst v0  }
0x33: {  	[tilespmem:s25+$0x10] =	vst v0  }
0x34: {  	s26 =	simm.s32 $0x163A0;
	[tilespmem:s25+$0xFFFFFFE0] =	vst v0  }
0x35: {  	[tilespmem:s26+$0xFFFFFFF0] =	vst v0  }
0x36: {  	[tilespmem:s26+$0x0] =	vst v0  }
0x37: {  	[tilespmem:s26+$0x10] =	vst v0  }
0x38: {  	s29 =	simm.s32 $0xC5E0;
	s28 =	simm.s32 $0x0;
	[tilespmem:s26+$0xFFFFFFE0] =	vst v0  }
.LBB2_2:
0x39: {  	[tilespmem:s29+$0xFFFFFFF0] =	vst v0;
	s23 =	sadd.s32 $0x40, s23  }
0x3a: {  	s24 =	sadd.s32 $0x40, s24;
	[tilespmem:s23+$0xFFFFFFF0] =	vst v0  }
0x3b: {  	s25 =	sadd.s32 $0x40, s25;
	[tilespmem:s24+$0xFFFFFFF0] =	vst v0  }
0x3c: {  	s26 =	sadd.s32 $0x40, s26;
	[tilespmem:s25+$0xFFFFFFF0] =	vst v0  }
0x3d: {  	[tilespmem:s26+$0xFFFFFFF0] =	vst v0  }
0x3e: {  	[tilespmem:s29+$0x0] =	vst v0  }
0x3f: {  	[tilespmem:s23+$0x0] =	vst v0  }
0x40: {  	[tilespmem:s24+$0x0] =	vst v0  }
0x41: {  	[tilespmem:s25+$0x0] =	vst v0  }
0x42: {  	[tilespmem:s26+$0x0] =	vst v0  }
0x43: {  	[tilespmem:s29+$0x10] =	vst v0  }
0x44: {  	[tilespmem:s23+$0x10] =	vst v0  }
0x45: {  	[tilespmem:s24+$0x10] =	vst v0  }
0x46: {  	s28 =	sadd.s32 $0x4, s28;
	[tilespmem:s25+$0x10] =	vst v0  }
0x47: {  	p0 =	slt.u32 s28, $0x26C;
	[tilespmem:s26+$0x10] =	vst v0  }
.Ltmp0:
0x48: {  	[tilespmem:s29+$0xFFFFFFE0] =	vst v0;
	(pc) =	sbr.rel @p0 .LBB2_2-.Ltmp0, $4  }
0x49: {  	[tilespmem:s23+$0xFFFFFFE0] =	vst v0  }
0x4a: {  	[tilespmem:s24+$0xFFFFFFE0] =	vst v0  }
0x4b: {  	[tilespmem:s25+$0xFFFFFFE0] =	vst v0  }
0x4c: {  	s29 =	sadd.s32 $0x40, s29;
	[tilespmem:s26+$0xFFFFFFE0] =	vst v0  }
0x4d: {  	[tilespmem:$0xEC80] =	vst v0  }
0x4e: {  	[tilespmem:$0x11400] =	vst v0  }
0x4f: {  	[tilespmem:$0x13B80] =	vst v0  }
0x50: {  	[tilespmem:$0x16300] =	vst v0  }
0x51: {  	[tilespmem:$0x18A80] =	vst v0;
	s25 =	simm.s32 $0x7720  }
0x52: {  	s23 =	simm.s32 $0x4FA0;
	v1 =	vld [tilespmem:s25+$0x50]  }
0x53: {  	v2 =	vld [tilespmem:s23+$0x50]  }
0x54: {  	v3 =	vld [tilespmem:s23+$0xFFFFFF60]  }
0x55: {  	v4 =	vld [tilespmem:s25+$0xFFFFFFB0]  }
0x56: {  	v5 =	vld [tilespmem:s23+$0xFFFFFFB0]  }
0x57: {  	v6 =	vld [tilespmem:s25+$0x0]  }
0x58: {  	v7 =	vld [tilespmem:s23+$0x0]  }
0x59: {  	s24 =	simm.s32 $0x9EA0;
	v8 =	vld [tilespmem:s25+$0xFFFFFF60]  }
0x5a: {  	v11 =	vld [tilespmem:s24+$0x50]  }
0x5b: {  	v9 =	vld.idx.msk [tilespmem:v1+s2+$0x0], $0xffff  }
0x5c: {  	v2 =	vld.idx.msk [tilespmem:v2+s11+$0x0], $0xffff  }
0x5d: {  	v3 =	vld.idx.msk [tilespmem:v3+s11+$0x0], $0xffff  }
0x5e: {  	v10 =	vld.idx.msk [tilespmem:v4+s2+$0x0], $0xffff  }
0x5f: {  	v5 =	vld.idx.msk [tilespmem:v5+s11+$0x0], $0xffff  }
0x60: {  	v12 =	vld.idx.msk [tilespmem:v6+s2+$0x0], $0xffff  }
0x61: {  	v13 =	vld.idx.msk [tilespmem:v8+s2+$0x0], $0xffff;
	v2 =	vadd.f32 v2, v9  }
0x62: {  	v7 =	vld.idx.msk [tilespmem:v7+s11+$0x0], $0xffff  }
0x63: {  	v9 =	vld [tilespmem:s24+$0xFFFFFF60];
	v2 =	vadd.f32 v2, v11  }
0x64: {  	v11 =	vld [tilespmem:s24+$0xFFFFFFB0]  }
0x65: {  	v14 =	vld [tilespmem:s24+$0x0];
	v2 =	vmax.f32 v2, $0.0e+00  }
0x66: {  	[tilespmem:v1+s15+$0x0] =	vst.idx.add.f32.msk $0xffff, v2;
	v1 =	vadd.f32 v3, v13  }
0x67: {  	v3 =	vadd.f32 v5, v10;
	v2 =	vld [tilespmem:s25+$0x60]  }
0x68: {  	v7 =	vadd.f32 v7, v12;
	v5 =	vld [tilespmem:s23+$0x60];
	v1 =	vadd.f32 v1, v9  }
0x69: {  	v3 =	vadd.f32 v3, v11  }
0x6a: {  	v7 =	vadd.f32 v7, v14;
	v1 =	vmax.f32 v1, $0.0e+00  }
0x6b: {  	v3 =	vmax.f32 v3, $0.0e+00;
	[tilespmem:v8+s15+$0x0] =	vst.idx.add.f32.msk $0xffff, v1  }
0x6c: {  	v1 =	vmax.f32 v7, $0.0e+00;
	[tilespmem:v4+s15+$0x0] =	vst.idx.add.f32.msk $0xffff, v3  }
0x6d: {  	[tilespmem:v6+s15+$0x0] =	vst.idx.add.f32.msk $0xffff, v1  }
0x6e: {  	v4 =	vld [tilespmem:s25+$0xFFFFFF70]  }
0x6f: {  	v1 =	vld.idx.msk [tilespmem:v2+s2+$0x0], $0xffff  }
0x70: {  	v3 =	vld.idx.msk [tilespmem:v5+s11+$0x0], $0xffff  }
0x71: {  	v5 =	vld [tilespmem:s23+$0xFFFFFF70]  }
0x72: {  	v7 =	vld [tilespmem:s25+$0xFFFFFFC0]  }
0x73: {  	v6 =	vld [tilespmem:s24+$0x60]  }
0x74: {  	v8 =	vld [tilespmem:s23+$0xFFFFFFC0]  }
0x75: {  	v10 =	vld [tilespmem:s24+$0xFFFFFF70]  }
0x76: {  	v9 =	vld [tilespmem:s25+$0x10];
	v1 =	vadd.f32 v3, v1  }
0x77: {  	v3 =	vld [tilespmem:s23+$0x10]  }
0x78: {  	v1 =	vadd.f32 v1, v6;
	v6 =	vld.idx.msk [tilespmem:v4+s2+$0x0], $0xffff  }
0x79: {  	v5 =	vld.idx.msk [tilespmem:v5+s11+$0x0], $0xffff  }
0x7a: {  	v11 =	vld.idx.msk [tilespmem:v7+s2+$0x0], $0xffff;
	v1 =	vmax.f32 v1, $0.0e+00  }
0x7b: {  	[tilespmem:v2+s16+$0x0] =	vst.idx.add.f32.msk $0xffff, v1  }
0x7c: {  	v1 =	vld [tilespmem:s25+$0x70]  }
0x7d: {  	v2 =	vld [tilespmem:s23+$0x70]  }
0x7e: {  	v8 =	vld.idx.msk [tilespmem:v8+s11+$0x0], $0xffff;
	v5 =	vadd.f32 v5, v6  }
0x7f: {  	v56 =	vld.idx.msk [tilespmem:v9+s2+$0x0], $0xffff  }
0x80: {  	v3 =	vld.idx.msk [tilespmem:v3+s11+$0x0], $0xffff;
	v5 =	vadd.f32 v5, v10  }
0x81: {  	v6 =	vld [tilespmem:s24+$0xFFFFFFC0]  }
0x82: {  	v10 =	vld [tilespmem:s24+$0x10];
	v5 =	vmax.f32 v5, $0.0e+00  }
0x83: {  	[tilespmem:v4+s16+$0x0] =	vst.idx.add.f32.msk $0xffff, v5  }
0x84: {  	v57 =	vld.idx.msk [tilespmem:v1+s2+$0x0], $0xffff  }
0x85: {  	v8 =	vadd.f32 v8, v11;
	v2 =	vld.idx.msk [tilespmem:v2+s11+$0x0], $0xffff  }
0x86: {  	v5 =	vld [tilespmem:s24+$0x70]  }
0x87: {  	v4 =	vadd.f32 v8, v6;
	v3 =	vadd.f32 v3, v56;
	v6 =	vld [tilespmem:s25+$0xFFFFFF80]  }
0x88: {  	v8 =	vld [tilespmem:s23+$0xFFFFFF80]  }
0x89: {  	v59 =	vld [tilespmem:s24+$0xFFFFFF80];
	v4 =	vmax.f32 v4, $0.0e+00;
	v3 =	vadd.f32 v3, v10  }
0x8a: {  	[tilespmem:v7+s16+$0x0] =	vst.idx.add.f32.msk $0xffff, v4;
	v2 =	vadd.f32 v2, v57  }
0x8b: {  	v4 =	vld [tilespmem:s25+$0xFFFFFFD0];
	v3 =	vmax.f32 v3, $0.0e+00  }
0x8c: {  	[tilespmem:v9+s16+$0x0] =	vst.idx.add.f32.msk $0xffff, v3;
	v2 =	vadd.f32 v2, v5  }
0x8d: {  	v3 =	vld [tilespmem:s23+$0xFFFFFFD0]  }
0x8e: {  	v7 =	vld [tilespmem:s23+$0x20];
	v2 =	vmax.f32 v2, $0.0e+00  }
0x8f: {  	[tilespmem:v1+s17+$0x0] =	vst.idx.add.f32.msk $0xffff, v2  }
0x90: {  	v1 =	vld [tilespmem:s25+$0x80]  }
0x91: {  	v2 =	vld [tilespmem:s23+$0x80]  }
0x92: {  	v5 =	vld [tilespmem:s25+$0x20]  }
0x93: {  	v9 =	vld.idx.msk [tilespmem:v6+s2+$0x0], $0xffff  }
0x94: {  	v8 =	vld.idx.msk [tilespmem:v8+s11+$0x0], $0xffff  }
0x95: {  	v10 =	vld.idx.msk [tilespmem:v4+s2+$0x0], $0xffff  }
0x96: {  	v3 =	vld.idx.msk [tilespmem:v3+s11+$0x0], $0xffff  }
0x97: {  	v60 =	vld [tilespmem:s24+$0xFFFFFFD0]  }
0x98: {  	v58 =	vld.idx.msk [tilespmem:v1+s2+$0x0], $0xffff  }
0x99: {  	v8 =	vadd.f32 v8, v9;
	v2 =	vld.idx.msk [tilespmem:v2+s11+$0x0], $0xffff  }
0x9a: {  	v15 =	vld [tilespmem:s24+$0x80]  }
0x9b: {  	v7 =	vld.idx.msk [tilespmem:v7+s11+$0x0], $0xffff;
	v8 =	vadd.f32 v8, v59;
	v3 =	vadd.f32 v3, v10  }
0x9c: {  	v11 =	vld.idx.msk [tilespmem:v5+s2+$0x0], $0xffff  }
0x9d: {  	v9 =	vld [tilespmem:s24+$0x20];
	v8 =	vmax.f32 v8, $0.0e+00;
	v3 =	vadd.f32 v3, v60  }
0x9e: {  	[tilespmem:v6+s17+$0x0] =	vst.idx.add.f32.msk $0xffff, v8;
	v2 =	vadd.f32 v2, v58  }
0x9f: {  	v63 =	vld [tilespmem:s24+$0xFFFFFF90];
	v3 =	vmax.f32 v3, $0.0e+00  }
0xa0: {  	[tilespmem:v4+s17+$0x0] =	vst.idx.add.f32.msk $0xffff, v3;
	v2 =	vadd.f32 v2, v15  }
0xa1: {  	v7 =	vadd.f32 v7, v11;
	v4 =	vld [tilespmem:s23+$0xFFFFFF90]  }
0xa2: {  	v6 =	vld [tilespmem:s23+$0xFFFFFFE0];
	v2 =	vmax.f32 v2, $0.0e+00  }
0xa3: {  	v3 =	vadd.f32 v7, v9;
	[tilespmem:v1+s18+$0x0] =	vst.idx.add.f32.msk $0xffff, v2  }
0xa4: {  	v1 =	vld [tilespmem:s25+$0x90]  }
0xa5: {  	v2 =	vmax.f32 v3, $0.0e+00;
	v3 =	vld [tilespmem:s23+$0x90]  }
0xa6: {  	[tilespmem:v5+s17+$0x0] =	vst.idx.add.f32.msk $0xffff, v2  }
0xa7: {  	v2 =	vld [tilespmem:s25+$0xFFFFFF90]  }
0xa8: {  	v5 =	vld [tilespmem:s25+$0xFFFFFFE0]  }
0xa9: {  	v11 =	vld [tilespmem:s24+$0x90]  }
0xaa: {  	v8 =	vld [tilespmem:s25+$0x30]  }
0xab: {  	v9 =	vld [tilespmem:s23+$0x30]  }
0xac: {  	v4 =	vld.idx.msk [tilespmem:v4+s11+$0x0], $0xffff  }
0xad: {  	v7 =	vld.idx.msk [tilespmem:v1+s2+$0x0], $0xffff  }
0xae: {  	v3 =	vld.idx.msk [tilespmem:v3+s11+$0x0], $0xffff  }
0xaf: {  	v10 =	vld.idx.msk [tilespmem:v2+s2+$0x0], $0xffff  }
0xb0: {  	v6 =	vld.idx.msk [tilespmem:v6+s11+$0x0], $0xffff  }
0xb1: {  	v61 =	vld.idx.msk [tilespmem:v5+s2+$0x0], $0xffff  }
0xb2: {  	v62 =	vld.idx.msk [tilespmem:v8+s2+$0x0], $0xffff  }
0xb3: {  	v9 =	vld.idx.msk [tilespmem:v9+s11+$0x0], $0xffff;
	v3 =	vadd.f32 v3, v7  }
0xb4: {  	v7 =	vld [tilespmem:s24+$0xFFFFFFE0];
	v4 =	vadd.f32 v4, v10  }
0xb5: {  	v3 =	vadd.f32 v3, v11  }
0xb6: {  	v10 =	vld [tilespmem:s24+$0x30];
	v4 =	vadd.f32 v4, v63  }
0xb7: {  	v6 =	vadd.f32 v6, v61;
	v3 =	vmax.f32 v3, $0.0e+00  }
0xb8: {  	[tilespmem:v1+s19+$0x0] =	vst.idx.add.f32.msk $0xffff, v3;
	v1 =	vmax.f32 v4, $0.0e+00  }
0xb9: {  	v3 =	vadd.f32 v6, v7;
	v4 =	vadd.f32 v9, v62;
	[tilespmem:v2+s18+$0x0] =	vst.idx.add.f32.msk $0xffff, v1  }
0xba: {  	v1 =	vld [tilespmem:s25+$0xFFFFFFA0]  }
0xbb: {  	v2 =	vmax.f32 v3, $0.0e+00;
	v3 =	vadd.f32 v4, v10;
	v7 =	vld [tilespmem:s23+$0xFFFFFFA0]  }
0xbc: {  	[tilespmem:v5+s18+$0x0] =	vst.idx.add.f32.msk $0xffff, v2  }
0xbd: {  	v5 =	vld [tilespmem:s24+$0xFFFFFFA0];
	v2 =	vmax.f32 v3, $0.0e+00  }
0xbe: {  	[tilespmem:v8+s18+$0x0] =	vst.idx.add.f32.msk $0xffff, v2  }
0xbf: {  	v2 =	vld [tilespmem:s25+$0xFFFFFFF0]  }
0xc0: {  	v8 =	vld [tilespmem:s23+$0xFFFFFFF0]  }
0xc1: {  	v3 =	vld [tilespmem:s25+$0x40]  }
0xc2: {  	v4 =	vld [tilespmem:s23+$0x40]  }
0xc3: {  	s26 =	simm.s32 $0x0;
	s28 =	simm.s32 $0x7860;
	s25 =	simm.s32 $0x9EA0;
	v6 =	vld.idx.msk [tilespmem:v1+s2+$0x0], $0xffff  }
.LBB2_4:
0xc4: {  	v9 =	vld [tilespmem:s28+$0x50];
	s23 =	sadd.s32 $0x140, s23  }
0xc5: {  	v10 =	vld [tilespmem:s23+$0x50]  }
0xc6: {  	v11 =	vld [tilespmem:s23+$0xFFFFFF60]  }
0xc7: {  	v12 =	vld [tilespmem:s28+$0xFFFFFFB0]  }
0xc8: {  	v13 =	vld [tilespmem:s23+$0xFFFFFFB0]  }
0xc9: {  	s26 =	sadd.s32 $0x4, s26;
	v14 =	vld [tilespmem:s28+$0x0]  }
0xca: {  	p0 =	slt.u32 s26, $0x78;
	v15 =	vld [tilespmem:s23+$0x0]  }
0xcb: {  	v16 =	vld [tilespmem:s28+$0xFFFFFF60]  }
0xcc: {  	v17 =	vld.idx.msk [tilespmem:v9+s2+$0x0], $0xffff  }
0xcd: {  	v10 =	vld.idx.msk [tilespmem:v10+s11+$0x0], $0xffff  }
0xce: {  	v11 =	vld.idx.msk [tilespmem:v11+s11+$0x0], $0xffff  }
0xcf: {  	s24 =	sadd.s32 $0x140, s24;
	v18 =	vld.idx.msk [tilespmem:v12+s2+$0x0], $0xffff  }
0xd0: {  	v19 =	vld [tilespmem:s24+$0x50]  }
0xd1: {  	v13 =	vld.idx.msk [tilespmem:v13+s11+$0x0], $0xffff  }
0xd2: {  	v20 =	vld.idx.msk [tilespmem:v14+s2+$0x0], $0xffff  }
0xd3: {  	v10 =	vadd.f32 v10, v17;
	v21 =	vld.idx.msk [tilespmem:v16+s2+$0x0], $0xffff  }
0xd4: {  	v15 =	vld.idx.msk [tilespmem:v15+s11+$0x0], $0xffff  }
0xd5: {  	v17 =	vld [tilespmem:s24+$0xFFFFFF60];
	v10 =	vadd.f32 v10, v19  }
0xd6: {  	v19 =	vld [tilespmem:s24+$0xFFFFFFB0]  }
0xd7: {  	v13 =	vadd.f32 v13, v18;
	v18 =	vld [tilespmem:s24+$0x0];
	v10 =	vmax.f32 v10, $0.0e+00  }
0xd8: {  	[tilespmem:v9+s15+$0x0] =	vst.idx.add.f32.msk $0xffff, v10  }
0xd9: {  	v9 =	vadd.f32 v11, v21;
	v10 =	vld [tilespmem:s28+$0x60]  }
0xda: {  	v11 =	vadd.f32 v15, v20;
	v15 =	vld [tilespmem:s23+$0x60]  }
0xdb: {  	v9 =	vadd.f32 v9, v17;
	v13 =	vadd.f32 v13, v19;
	v7 =	vld.idx.msk [tilespmem:v7+s11+$0x0], $0xffff  }
0xdc: {  	v11 =	vadd.f32 v11, v18;
	v17 =	vld.idx.msk [tilespmem:v2+s2+$0x0], $0xffff  }
0xdd: {  	v9 =	vmax.f32 v9, $0.0e+00;
	v13 =	vmax.f32 v13, $0.0e+00;
	v8 =	vld.idx.msk [tilespmem:v8+s11+$0x0], $0xffff  }
0xde: {  	[tilespmem:v16+s15+$0x0] =	vst.idx.add.f32.msk $0xffff, v9;
	v9 =	vmax.f32 v11, $0.0e+00  }
0xdf: {  	[tilespmem:v12+s15+$0x0] =	vst.idx.add.f32.msk $0xffff, v13  }
0xe0: {  	[tilespmem:v14+s15+$0x0] =	vst.idx.add.f32.msk $0xffff, v9  }
0xe1: {  	v6 =	vadd.f32 v7, v6;
	v9 =	vld.idx.msk [tilespmem:v10+s2+$0x0], $0xffff  }
0xe2: {  	v7 =	vld.idx.msk [tilespmem:v15+s11+$0x0], $0xffff  }
0xe3: {  	v5 =	vadd.f32 v6, v5;
	v6 =	vadd.f32 v8, v17;
	v11 =	vld [tilespmem:s28+$0xFFFFFF70]  }
0xe4: {  	v8 =	vld [tilespmem:s23+$0xFFFFFF70]  }
0xe5: {  	v5 =	vmax.f32 v5, $0.0e+00;
	v12 =	vld [tilespmem:s24+$0x60]  }
0xe6: {  	v13 =	vld [tilespmem:s28+$0xFFFFFFC0]  }
0xe7: {  	v14 =	vld [tilespmem:s23+$0xFFFFFFC0]  }
0xe8: {  	v7 =	vadd.f32 v7, v9;
	v15 =	vld [tilespmem:s28+$0x10]  }
0xe9: {  	v9 =	vld [tilespmem:s23+$0x10]  }
0xea: {  	v16 =	vld [tilespmem:s24+$0xFFFFFF70];
	v7 =	vadd.f32 v7, v12  }
0xeb: {  	v12 =	vld.idx.msk [tilespmem:v11+s2+$0x0], $0xffff  }
0xec: {  	v8 =	vld.idx.msk [tilespmem:v8+s11+$0x0], $0xffff;
	v7 =	vmax.f32 v7, $0.0e+00  }
0xed: {  	[tilespmem:v10+s16+$0x0] =	vst.idx.add.f32.msk $0xffff, v7  }
0xee: {  	v7 =	vld [tilespmem:s28+$0x70]  }
0xef: {  	v10 =	vld [tilespmem:s23+$0x70]  }
0xf0: {  	v17 =	vld.idx.msk [tilespmem:v13+s2+$0x0], $0xffff  }
0xf1: {  	v14 =	vld.idx.msk [tilespmem:v14+s11+$0x0], $0xffff  }
0xf2: {  	v8 =	vadd.f32 v8, v12;
	v12 =	vld.idx.msk [tilespmem:v15+s2+$0x0], $0xffff  }
0xf3: {  	v9 =	vld.idx.msk [tilespmem:v9+s11+$0x0], $0xffff  }
0xf4: {  	v8 =	vadd.f32 v8, v16;
	v16 =	vld [tilespmem:s24+$0xFFFFFFC0]  }
0xf5: {  	v18 =	vld [tilespmem:s24+$0x10]  }
0xf6: {  	v8 =	vmax.f32 v8, $0.0e+00;
	v19 =	vld.idx.msk [tilespmem:v7+s2+$0x0], $0xffff  }
0xf7: {  	v14 =	vadd.f32 v14, v17;
	v10 =	vld.idx.msk [tilespmem:v10+s11+$0x0], $0xffff  }
0xf8: {  	[tilespmem:v11+s16+$0x0] =	vst.idx.add.f32.msk $0xffff, v8  }
0xf9: {  	v9 =	vadd.f32 v9, v12;
	v8 =	vld [tilespmem:s28+$0xFFFFFF80];
	v11 =	vadd.f32 v14, v16  }
0xfa: {  	v12 =	vld [tilespmem:s24+$0x70]  }
0xfb: {  	v9 =	vadd.f32 v9, v18;
	v14 =	vld [tilespmem:s23+$0xFFFFFF80];
	v11 =	vmax.f32 v11, $0.0e+00  }
0xfc: {  	[tilespmem:v13+s16+$0x0] =	vst.idx.add.f32.msk $0xffff, v11  }
0xfd: {  	v9 =	vmax.f32 v9, $0.0e+00;
	v10 =	vadd.f32 v10, v19;
	v11 =	vld [tilespmem:s28+$0xFFFFFFD0]  }
0xfe: {  	[tilespmem:v15+s16+$0x0] =	vst.idx.add.f32.msk $0xffff, v9  }
0xff: {  	v9 =	vld [tilespmem:s23+$0xFFFFFFD0];
	v10 =	vadd.f32 v10, v12  }
0x100: {  	v12 =	vld [tilespmem:s28+$0x20]  }
0x101: {  	v13 =	vld [tilespmem:s23+$0x20];
	v10 =	vmax.f32 v10, $0.0e+00  }
0x102: {  	[tilespmem:v7+s17+$0x0] =	vst.idx.add.f32.msk $0xffff, v10  }
0x103: {  	v7 =	vld [tilespmem:s28+$0x80]  }
0x104: {  	v10 =	vld [tilespmem:s23+$0x80]  }
0x105: {  	v15 =	vld.idx.msk [tilespmem:v8+s2+$0x0], $0xffff  }
0x106: {  	v14 =	vld.idx.msk [tilespmem:v14+s11+$0x0], $0xffff  }
0x107: {  	v16 =	vld.idx.msk [tilespmem:v11+s2+$0x0], $0xffff  }
0x108: {  	v9 =	vld.idx.msk [tilespmem:v9+s11+$0x0], $0xffff  }
0x109: {  	v17 =	vld.idx.msk [tilespmem:v12+s2+$0x0], $0xffff  }
0x10a: {  	v13 =	vld.idx.msk [tilespmem:v13+s11+$0x0], $0xffff  }
0x10b: {  	v18 =	vld.idx.msk [tilespmem:v7+s2+$0x0], $0xffff  }
0x10c: {  	v14 =	vadd.f32 v14, v15;
	v10 =	vld.idx.msk [tilespmem:v10+s11+$0x0], $0xffff  }
0x10d: {  	v15 =	vld [tilespmem:s24+$0xFFFFFF80]  }
0x10e: {  	v9 =	vadd.f32 v9, v16;
	v19 =	vld [tilespmem:s24+$0xFFFFFFD0]  }
0x10f: {  	v16 =	vld [tilespmem:s24+$0x80]  }
0x110: {  	v13 =	vadd.f32 v13, v17;
	v20 =	vld [tilespmem:s24+$0x20]  }
0x111: {  	v17 =	vld.idx.msk [tilespmem:v3+s2+$0x0], $0xffff  }
0x112: {  	v10 =	vadd.f32 v10, v18;
	v14 =	vadd.f32 v14, v15;
	v4 =	vld.idx.msk [tilespmem:v4+s11+$0x0], $0xffff  }
0x113: {  	v9 =	vadd.f32 v9, v19;
	v15 =	vld [tilespmem:s25+$0xFFFFFFF0]  }
0x114: {  	v14 =	vmax.f32 v14, $0.0e+00;
	v10 =	vadd.f32 v10, v16;
	v16 =	vld [tilespmem:s25+$0x40];
	s25 =	smov.u32 s24  }
0x115: {  	[tilespmem:v8+s17+$0x0] =	vst.idx.add.f32.msk $0xffff, v14;
	v8 =	vmax.f32 v9, $0.0e+00;
	v9 =	vadd.f32 v13, v20  }
0x116: {  	[tilespmem:v11+s17+$0x0] =	vst.idx.add.f32.msk $0xffff, v8;
	v8 =	vmax.f32 v10, $0.0e+00  }
0x117: {  	v9 =	vmax.f32 v9, $0.0e+00;
	[tilespmem:v7+s18+$0x0] =	vst.idx.add.f32.msk $0xffff, v8  }
0x118: {  	v4 =	vadd.f32 v4, v17;
	v7 =	vld [tilespmem:s28+$0x90];
	v6 =	vadd.f32 v6, v15  }
0x119: {  	v8 =	vld [tilespmem:s23+$0x90]  }
0x11a: {  	v4 =	vadd.f32 v4, v16;
	[tilespmem:v12+s17+$0x0] =	vst.idx.add.f32.msk $0xffff, v9;
	v6 =	vmax.f32 v6, $0.0e+00  }
0x11b: {  	v9 =	vld [tilespmem:s28+$0xFFFFFF90]  }
0x11c: {  	v4 =	vmax.f32 v4, $0.0e+00;
	v10 =	vld [tilespmem:s23+$0xFFFFFF90]  }
0x11d: {  	v11 =	vld [tilespmem:s28+$0xFFFFFFE0]  }
0x11e: {  	v12 =	vld [tilespmem:s23+$0xFFFFFFE0]  }
0x11f: {  	v13 =	vld [tilespmem:s28+$0x30]  }
0x120: {  	v14 =	vld.idx.msk [tilespmem:v7+s2+$0x0], $0xffff  }
0x121: {  	v8 =	vld.idx.msk [tilespmem:v8+s11+$0x0], $0xffff  }
0x122: {  	v15 =	vld [tilespmem:s23+$0x30]  }
0x123: {  	v16 =	vld.idx.msk [tilespmem:v9+s2+$0x0], $0xffff  }
0x124: {  	v17 =	vld [tilespmem:s24+$0x90]  }
0x125: {  	v10 =	vld.idx.msk [tilespmem:v10+s11+$0x0], $0xffff  }
0x126: {  	v18 =	vld.idx.msk [tilespmem:v11+s2+$0x0], $0xffff  }
0x127: {  	v8 =	vadd.f32 v8, v14;
	v12 =	vld.idx.msk [tilespmem:v12+s11+$0x0], $0xffff  }
0x128: {  	v14 =	vld.idx.msk [tilespmem:v13+s2+$0x0], $0xffff  }
0x129: {  	v19 =	vld [tilespmem:s24+$0xFFFFFF90];
	v8 =	vadd.f32 v8, v17  }
0x12a: {  	v15 =	vld.idx.msk [tilespmem:v15+s11+$0x0], $0xffff  }
0x12b: {  	v10 =	vadd.f32 v10, v16;
	v16 =	vld [tilespmem:s24+$0xFFFFFFE0];
	v8 =	vmax.f32 v8, $0.0e+00  }
0x12c: {  	[tilespmem:v7+s19+$0x0] =	vst.idx.add.f32.msk $0xffff, v8  }
0x12d: {  	v7 =	vadd.f32 v12, v18;
	v8 =	vld [tilespmem:s24+$0x30]  }
0x12e: {  	v10 =	vadd.f32 v10, v19;
	[tilespmem:v1+s19+$0x0] =	vst.idx.add.f32.msk $0xffff, v5  }
0x12f: {  	[tilespmem:v2+s19+$0x0] =	vst.idx.add.f32.msk $0xffff, v6  }
0x130: {  	v5 =	vadd.f32 v15, v14;
	v1 =	vmax.f32 v10, $0.0e+00;
	v2 =	vadd.f32 v7, v16;
	[tilespmem:v3+s19+$0x0] =	vst.idx.add.f32.msk $0xffff, v4  }
0x131: {  	[tilespmem:v9+s18+$0x0] =	vst.idx.add.f32.msk $0xffff, v1  }
0x132: {  	v1 =	vld [tilespmem:s28+$0xFFFFFFA0];
	v2 =	vmax.f32 v2, $0.0e+00;
	v3 =	vadd.f32 v5, v8  }
0x133: {  	[tilespmem:v11+s18+$0x0] =	vst.idx.add.f32.msk $0xffff, v2  }
0x134: {  	v7 =	vld [tilespmem:s23+$0xFFFFFFA0];
	v2 =	vmax.f32 v3, $0.0e+00  }
0x135: {  	[tilespmem:v13+s18+$0x0] =	vst.idx.add.f32.msk $0xffff, v2  }
0x136: {  	v2 =	vld [tilespmem:s28+$0xFFFFFFF0]  }
.Ltmp1:
0x137: {  	v8 =	vld [tilespmem:s23+$0xFFFFFFF0];
	(pc) =	sbr.rel @p0 .LBB2_4-.Ltmp1, $4  }
0x138: {  	v3 =	vld [tilespmem:s28+$0x40]  }
0x139: {  	v4 =	vld [tilespmem:s23+$0x40]  }
0x13a: {  	v6 =	vld.idx.msk [tilespmem:v1+s2+$0x0], $0xffff  }
0x13b: {  	s28 =	sadd.s32 $0x140, s28;
	v5 =	vld [tilespmem:s24+$0xFFFFFFA0]  }
0x13c: {  	_ =	sdelay $0x3  }
0x13d: {  	v7 =	vld.idx.msk [tilespmem:v7+s11+$0x0], $0xffff  }
0x13e: {  	v9 =	vld.idx.msk [tilespmem:v2+s2+$0x0], $0xffff  }
0x13f: {  	v8 =	vld.idx.msk [tilespmem:v8+s11+$0x0], $0xffff  }
0x140: {  	v10 =	vld.idx.msk [tilespmem:v3+s2+$0x0], $0xffff  }
0x141: {  	v4 =	vld.idx.msk [tilespmem:v4+s11+$0x0], $0xffff  }
0x142: {  	v11 =	vld [tilespmem:s25+$0xFFFFFFF0]  }
0x143: {  	v12 =	vld [tilespmem:s25+$0x40]  }
0x144: {  	v6 =	vadd.f32 v7, v6  }
0x145: {  	v7 =	vadd.f32 v8, v9  }
0x146: {  	v5 =	vadd.f32 v6, v5;
	v4 =	vadd.f32 v4, v10  }
0x147: {  	v6 =	vadd.f32 v7, v11  }
0x148: {  	v5 =	vmax.f32 v5, $0.0e+00;
	v4 =	vadd.f32 v4, v12  }
0x149: {  	v6 =	vmax.f32 v6, $0.0e+00;
	[tilespmem:v1+s19+$0x0] =	vst.idx.add.f32.msk $0xffff, v5  }
0x14a: {  	[tilespmem:v2+s19+$0x0] =	vst.idx.add.f32.msk $0xffff, v6;
	v1 =	vmax.f32 v4, $0.0e+00  }
0x14b: {  	[tilespmem:v3+s19+$0x0] =	vst.idx.add.f32.msk $0xffff, v1  }
0x14c: {  	v1 =	vld [tilespmem:$0x9D40]  }
0x14d: {  	v2 =	vld [tilespmem:$0x75C0];
	_ =	sdelay $0x6  }
0x14e: {  	v3 =	vld.idx.msk [tilespmem:v1+s2+$0x0], $0xffff  }
0x14f: {  	v2 =	vld.idx.msk [tilespmem:v2+s11+$0x0], $0xffff;
	_ =	sdelay $0x1  }
0x150: {  	v4 =	vld [tilespmem:$0xC4C0];
	_ =	sdelay $0x2  }
0x151: {  	v2 =	vadd.f32 v2, v3;
	_ =	sdelay $0x1  }
0x152: {  	v2 =	vadd.f32 v2, v4;
	_ =	sdelay $0x1  }
0x153: {  	v2 =	vmax.f32 v2, $0.0e+00  }
0x154: {  	[tilespmem:v1+s15+$0x0] =	vst.idx.add.f32.msk $0xffff, v2  }
0x155: {  	v1 =	vld [tilespmem:$0x9D50]  }
0x156: {  	v2 =	vld [tilespmem:$0x75D0];
	_ =	sdelay $0x6  }
0x157: {  	v3 =	vld.idx.msk [tilespmem:v1+s2+$0x0], $0xffff  }
0x158: {  	v2 =	vld.idx.msk [tilespmem:v2+s11+$0x0], $0xffff;
	_ =	sdelay $0x1  }
0x159: {  	v4 =	vld [tilespmem:$0xC4D0];
	_ =	sdelay $0x2  }
0x15a: {  	v2 =	vadd.f32 v2, v3;
	_ =	sdelay $0x1  }
0x15b: {  	v2 =	vadd.f32 v2, v4;
	_ =	sdelay $0x1  }
0x15c: {  	v2 =	vmax.f32 v2, $0.0e+00  }
0x15d: {  	[tilespmem:v1+s16+$0x0] =	vst.idx.add.f32.msk $0xffff, v2  }
0x15e: {  	v1 =	vld [tilespmem:$0x9D60]  }
0x15f: {  	v2 =	vld [tilespmem:$0x75E0];
	_ =	sdelay $0x6  }
0x160: {  	v3 =	vld.idx.msk [tilespmem:v1+s2+$0x0], $0xffff  }
0x161: {  	v2 =	vld.idx.msk [tilespmem:v2+s11+$0x0], $0xffff;
	_ =	sdelay $0x1  }
0x162: {  	v4 =	vld [tilespmem:$0xC4E0];
	_ =	sdelay $0x2  }
0x163: {  	v2 =	vadd.f32 v2, v3;
	_ =	sdelay $0x1  }
0x164: {  	v2 =	vadd.f32 v2, v4;
	_ =	sdelay $0x1  }
0x165: {  	v2 =	vmax.f32 v2, $0.0e+00  }
0x166: {  	[tilespmem:v1+s17+$0x0] =	vst.idx.add.f32.msk $0xffff, v2  }
0x167: {  	v1 =	vld [tilespmem:$0x9D70]  }
0x168: {  	v2 =	vld [tilespmem:$0x75F0];
	_ =	sdelay $0x6  }
0x169: {  	v3 =	vld.idx.msk [tilespmem:v1+s2+$0x0], $0xffff  }
0x16a: {  	v2 =	vld.idx.msk [tilespmem:v2+s11+$0x0], $0xffff;
	_ =	sdelay $0x1  }
0x16b: {  	v4 =	vld [tilespmem:$0xC4F0];
	_ =	sdelay $0x2  }
0x16c: {  	v2 =	vadd.f32 v2, v3;
	_ =	sdelay $0x1  }
0x16d: {  	v2 =	vadd.f32 v2, v4;
	_ =	sdelay $0x1  }
0x16e: {  	v2 =	vmax.f32 v2, $0.0e+00  }
0x16f: {  	[tilespmem:v1+s18+$0x0] =	vst.idx.add.f32.msk $0xffff, v2  }
0x170: {  	v1 =	vld [tilespmem:$0x9D80]  }
0x171: {  	v2 =	vld [tilespmem:$0x7600];
	_ =	sdelay $0x6  }
0x172: {  	v3 =	vld.idx.msk [tilespmem:v1+s2+$0x0], $0xffff  }
0x173: {  	v2 =	vld.idx.msk [tilespmem:v2+s11+$0x0], $0xffff;
	_ =	sdelay $0x1  }
0x174: {  	v4 =	vld [tilespmem:$0xC500];
	_ =	sdelay $0x2  }
0x175: {  	v2 =	vadd.f32 v2, v3;
	_ =	sdelay $0x1  }
0x176: {  	v2 =	vadd.f32 v2, v4;
	_ =	sdelay $0x1  }
0x177: {  	v2 =	vmax.f32 v2, $0.0e+00  }
0x178: {  	s23 =	simm.s32 $0xC5A0;
	[tilespmem:v1+s19+$0x0] =	vst.idx.add.f32.msk $0xffff, v2  }
0x179: {  	s24 =	simm.s32 $0xED20;
	v1 =	vld [tilespmem:s23+$0x10]  }
0x17a: {  	v2 =	vld [tilespmem:s24+$0x10]  }
0x17b: {  	s25 =	simm.s32 $0x114A0;
	v3 =	vld [tilespmem:s24+$0xFFFFFFE0]  }
0x17c: {  	v4 =	vld [tilespmem:s25+$0x10]  }
0x17d: {  	s26 =	simm.s32 $0x13C20;
	v5 =	vld [tilespmem:s23+$0xFFFFFFF0]  }
0x17e: {  	v6 =	vld [tilespmem:s26+$0x10]  }
0x17f: {  	s28 =	simm.s32 $0x163A0;
	v7 =	vld [tilespmem:s24+$0xFFFFFFF0]  }
0x180: {  	v8 =	vld [tilespmem:s28+$0x10]  }
0x181: {  	v9 =	vld [tilespmem:s23+$0x0]  }
0x182: {  	v10 =	vld [tilespmem:s24+$0x0]  }
0x183: {  	v1 =	vadd.f32 v2, v1;
	v2 =	vld [tilespmem:s23+$0xFFFFFFE0]  }
0x184: {  	v11 =	vld [tilespmem:s25+$0xFFFFFFE0]  }
0x185: {  	v63 =	vld [tilespmem:s25+$0x0];
	v1 =	vadd.f32 v4, v1  }
0x186: {  	v4 =	vld [tilespmem:s25+$0xFFFFFFF0]  }
0x187: {  	v1 =	vadd.f32 v6, v1;
	v6 =	vld [tilespmem:s26+$0xFFFFFFE0]  }
0x188: {  	v3 =	vadd.f32 v3, v2;
	v2 =	vld [tilespmem:s26+$0xFFFFFFF0]  }
0x189: {  	v5 =	vadd.f32 v7, v5;
	v8 =	vadd.f32 v8, v1;
	v1 =	vld [tilespmem:s26+$0x0]  }
0x18a: {  	v9 =	vadd.f32 v10, v9;
	v10 =	vadd.f32 v11, v3;
	v3 =	vld [tilespmem:s28+$0xFFFFFFE0]  }
0x18b: {  	v7 =	vadd.f32 v4, v5;
	v4 =	vld [tilespmem:s28+$0xFFFFFFF0]  }
0x18c: {  	s29 =	simm.s32 $0x0;
	s30 =	simm.s32 $0xC5E0;
	v5 =	vld [tilespmem:s28+$0x0];
	[tilespmem:s23+$0x10] =	vst v8;
	v8 =	vadd.f32 v63, v9;
	v6 =	vadd.f32 v6, v10  }
.LBB2_6:
0x18d: {  	v9 =	vld [tilespmem:s30+$0x10];
	v2 =	vadd.f32 v2, v7;
	s24 =	sadd.s32 $0x40, s24  }
0x18e: {  	s29 =	sadd.s32 $0x4, s29;
	v7 =	vld [tilespmem:s24+$0x10];
	v1 =	vadd.f32 v1, v8  }
0x18f: {  	s25 =	sadd.s32 $0x40, s25;
	p0 =	slt.u32 s29, $0x26C;
	v8 =	vld [tilespmem:s24+$0xFFFFFFE0];
	v3 =	vadd.f32 v3, v6  }
0x190: {  	v6 =	vld [tilespmem:s25+$0x10];
	v2 =	vadd.f32 v4, v2  }
0x191: {  	s26 =	sadd.s32 $0x40, s26;
	v4 =	vld [tilespmem:s30+$0xFFFFFFF0];
	[tilespmem:s23+$0xFFFFFFE0] =	vst v3;
	v1 =	vadd.f32 v5, v1  }
0x192: {  	v3 =	vld [tilespmem:s26+$0x10];
	[tilespmem:s23+$0xFFFFFFF0] =	vst v2  }
0x193: {  	s28 =	sadd.s32 $0x40, s28;
	v2 =	vld [tilespmem:s24+$0xFFFFFFF0];
	v5 =	vadd.f32 v7, v9;
	[tilespmem:s23+$0x0] =	vst v1;
	s23 =	smov.u32 s30  }
0x194: {  	v1 =	vld [tilespmem:s28+$0x10]  }
0x195: {  	v7 =	vld [tilespmem:s30+$0x0];
	v5 =	vadd.f32 v6, v5  }
0x196: {  	v6 =	vld [tilespmem:s24+$0x0]  }
0x197: {  	v9 =	vld [tilespmem:s30+$0xFFFFFFE0];
	v3 =	vadd.f32 v3, v5  }
0x198: {  	v5 =	vld [tilespmem:s25+$0xFFFFFFE0];
	v4 =	vadd.f32 v2, v4  }
0x199: {  	v10 =	vld [tilespmem:s25+$0xFFFFFFF0];
	v1 =	vadd.f32 v1, v3  }
0x19a: {  	v11 =	vld [tilespmem:s25+$0x0]  }
0x19b: {  	v12 =	vld [tilespmem:s26+$0xFFFFFFE0];
	v6 =	vadd.f32 v6, v7;
	[tilespmem:s30+$0x10] =	vst v1  }
.Ltmp2:
0x19c: {  	v3 =	vadd.f32 v8, v9;
	v2 =	vld [tilespmem:s26+$0xFFFFFFF0];
	(pc) =	sbr.rel @p0 .LBB2_6-.Ltmp2, $4  }
0x19d: {  	v1 =	vld [tilespmem:s26+$0x0]  }
0x19e: {  	v5 =	vadd.f32 v5, v3;
	v3 =	vld [tilespmem:s28+$0xFFFFFFE0];
	v7 =	vadd.f32 v10, v4  }
0x19f: {  	v4 =	vld [tilespmem:s28+$0xFFFFFFF0];
	v8 =	vadd.f32 v11, v6  }
0x1a0: {  	s30 =	sadd.s32 $0x40, s30;
	v6 =	vadd.f32 v12, v5;
	v5 =	vld [tilespmem:s28+$0x0]  }
0x1a1: {  	_ = 	snop  }
0x1a2: {  	v2 =	vadd.f32 v2, v7  }
0x1a3: {  	v1 =	vadd.f32 v1, v8;
	v3 =	vadd.f32 v3, v6  }
0x1a4: {  	v2 =	vadd.f32 v4, v2  }
0x1a5: {  	[tilespmem:s23+$0xFFFFFFE0] =	vst v3;
	v1 =	vadd.f32 v5, v1  }
0x1a6: {  	[tilespmem:s23+$0xFFFFFFF0] =	vst v2  }
0x1a7: {  	[tilespmem:s23+$0x0] =	vst v1  }
0x1a8: {  	v1 =	vld [tilespmem:$0xEC80]  }
0x1a9: {  	v2 =	vld [tilespmem:$0x11400];
	_ =	sdelay $0x1  }
0x1aa: {  	v3 =	vld [tilespmem:$0x13B80];
	_ =	sdelay $0x1  }
0x1ab: {  	v63 =	vld [tilespmem:$0x16300]  }
0x1ac: {  	v1 =	vadd.f32 v2, v1  }
0x1ad: {  	v2 =	vld [tilespmem:$0x18A80]  }
0x1ae: {  	v1 =	vadd.f32 v3, v1;
	_ =	sdelay $0x1  }
0x1af: {  	v1 =	vadd.f32 v63, v1;
	_ =	sdelay $0x1  }
0x1b0: {  	s22 =	sadd.s32 $0x1, s22;
	v1 =	vadd.f32 v2, v1  }
0x1b1: {  	p0 =	sne.s32 s22, s9  }
.Ltmp3:
0x1b2: {  	[tilespmem:$0xEC80] =	vst v1;
	(pc) =	sbr.rel @p0 .LBB2_1-.Ltmp3, $4  }
0x1b3: {  	[hbm4b:s8+s20] =	stream.strided.scatter [tilespmem:s15], [sflag:$0x1], $0x2780, s21, s20, $0x38;
	[tilespmem:$0x18B00] =	vst v63  }
0x1b4: {  	_ =	swait.ge [sflag:s10], $0x2780  }
0x1b5: {  	[sflag:s10] =	ssyncset.done $0x0  }
0x1b6: {  	[sflag:s10] =	ssyncadd.s32 $0xFFFFD880  }
0x1b7: {  	_ =	sfence.sel $0x180000  }
0x1b8: {  	[bflag:$0x0] =	sbarrier.arrive $0xFFFF  }
0x1b9: {  	p0 =	sne.s32 s1, $0x0;
	_ =	strace $0x9000004A  }
0x1ba: {  	s0 =	sadd.s32 @!p0 $0x100000, s0;
	[bflag:$0x2] =	sbarrier.arrive $0xFFFF  }
0x1bb: {  	[sflag:s0] =	ssyncadd.tile.s32 @!p0 $0x1;
	_ =	shalt  }
.Lfunc_end2:
_tile_overlayer_lowered:
.L_overlay_start_2:
0x1bc: {  	(tag) =	ssettag $0x2  }
0x1bd: {  	s0 =	rddreg [dreg:$0x0];
	s2 =	stileid.u32  }
0x1be: {  	s1 =	rddreg [dreg:$0x1];
	p0 =	sne.s32 s2, $0x0  }
0x1bf: {  	s3 =	rddreg [dreg:$0x2];
	[bflag:$0x3] =	sbarrier.arrive $0xFFFF;
	s2 =	simm.s32 @!p0 $0x1C01  }
0x1c0: {  	[timem:s3], [sflag:s2] =	dma.local @!p0 [hbm:s0], s1  }
0x1c1: {  	s0 =	simm.s32 @!p0 $0x1  }
0x1c2: {  	_ =	swait.ge @!p0 [sflag:s0], s1  }
0x1c3: {  	s1 =	ssub.s32 @!p0 $0x0, s1;
	[sflag:s0] =	ssyncset.done @!p0 $0x0  }
0x1c4: {  	[sflag:s0] =	ssyncadd.s32 @!p0 s1  }
0x1c5: {  	[bflag:$0x3] =	sbarrier.arrive $0xFFFF  }
0x1c6: {  	_ =	shalt  }

// kernel: kernel.18.cloned.1.call-start
scs
__scs_entry_jumppad:
0x0: {  	(pc) =	sbr.rel $0x88, $3  }
0x1: {  	(tag) =	ssettag $0x0;
	lr =	simm.s32 $0x1  }
0x2: {  	[smem:$0x3F8D] =	sst lr;
	_ =	strace $0xD0000000  }
0x3: {  	_ = 	snop  }
0x4: {  	_ = 	snop  }
0x5: {  	_ = 	snop  }
0x6: {  	_ = 	snop  }
0x7: {  	_ = 	snop  }
__scs_overlays_trampoline_lowered:
0x8: {  	[smem:$0x3F9C] =	sst s0  }
0x9: {  	[smem:$0x3F9D] =	sst s1  }
0xa: {  	[smem:$0x3F9E] =	sst s2  }
0xb: {  	[smem:$0x3F9F] =	sst s3  }
0xc: {  	[smem:$0x3FA0] =	sst s4  }
0xd: {  	[smem:$0x3FA1] =	sst s5  }
0xe: {  	[smem:$0x3FA2] =	sst s6  }
0xf: {  	[smem:$0x3FA3] =	sst s7  }
0x10: {  	[smem:$0x3FA4] =	sst s8  }
0x11: {  	[smem:$0x3FA5] =	sst s9;
	s0 =	simm.s32 @!p0 $0x0  }
0x12: {  	s1 =	sld [smem:$0x3F8B];
	s0 =	simm.s32 @p0 $0x1  }
0x13: {  	[smem:$0x3FA6] =	sst s0;
	s0 =	simm.s32 @!p1 $0x0  }
0x14: {  	s2 =	sld [smem:$0x3F8A];
	s0 =	simm.s32 @p1 $0x1  }
0x15: {  	[smem:$0x3FA7] =	sst s0;
	s0 =	simm.s32 @!p2 $0x0  }
0x16: {  	s3 =	sld [smem:$0x3FDB];
	s0 =	simm.s32 @p2 $0x1  }
0x17: {  	s4 =	simm.s32 $0x1BF5;
	[smem:$0x3FA9] =	sst s0  }
0x18: {  	s0 =	sld [smem:$0x3F8C];
	_ =	swait.ge [sflag:s4], $0x0  }
0x19: {  	s7 =	sld [smem:$0x3F8D]  }
0x1a: {  	s8 =	sadd.s32 $0xFFFFE003, lr  }
0x1b: {  	s9 =	sadd.s32 $0xFFFFFEF7, lr;
	s5 =	simm.s32 $0xFFFFFFFF;
	p2 =	slt.u32 s8, $0xFFFFF086  }
0x1c: {  	p1 =	slt.u32 s9, $0xF7A;
	s5 =	simm.s32 @!p2 $0x0  }
0x1d: {  	s5 =	simm.s32 @p1 $0x1;
	p0 =	seq.s32 s7, s2  }
0x1e: {  	s7 =	smul.u32 @!p0 $0xF7A, s2;
	p2 =	seq.s32 @!p0 s5, $0x0  }
0x1f: {  	s9 =	smul.u32 $0xF7A, s1;
	s8 =	simm.s32 @!p0 $0x1BF5;
	p2 =	por !p2, p0  }
0x20: {  	[sflag:s8] =	ssyncset.s32 @!p0 $0xFFFFF086;
	s6 =	sadd.s32 @!p0 s3, s7;
	s7 =	simm.s32 @!p0 $0x108  }
0x21: {  	s3 =	sadd.s32 s3, s9;
	s6 =	sadd.s32 @!p0 $0x88, s6;
	s7 =	simm.s32 @p2 $0x1082  }
0x22: {  	[simem:s7], [sflag:s8] =	dma.local @!p0 [hbm:s6], $0xF7A  }
0x23: {  	s9 =	sor.u32 $0xD0000000, s2;
	s6 =	simm.s32 $0x108;
	_ =	swait.ge @!p0 [sflag:s8], $0x0  }
0x24: {  	s3 =	sadd.s32 $0x88, s3;
	s6 =	simm.s32 @!p1 $0x1082;
	[sflag:s4] =	ssyncset.s32 $0xFFFFF086  }
0x25: {  	[simem:s6], [sflag:s4] =	dma.local [hbm:s3], $0xF7A  }
0x26: {  	[smem:$0x3F8D] =	sst s1;
	(tag) =	ssettag s2;
	_ =	strace s9  }
0x27: {  	s1 =	sld [smem:$0x3F9D]  }
0x28: {  	s2 =	sld [smem:$0x3F9E]  }
0x29: {  	s4 =	sld [smem:$0x3FA0]  }
0x2a: {  	p0 =	seq.s32 s5, $0x0;
	s5 =	sld [smem:$0x3FA1]  }
0x2b: {  	s6 =	sld [smem:$0x3FA2]  }
0x2c: {  	s7 =	sld [smem:$0x3FA3]  }
0x2d: {  	s3 =	simm.s32 $0x108;
	s8 =	sld [smem:$0x3FA4]  }
0x2e: {  	s3 =	simm.s32 @!p0 $0x1082;
	s9 =	sld [smem:$0x3FA5]  }
0x2f: {  	lr =	sadd.s32 s0, s3;
	s0 =	sld [smem:$0x3F9C]  }
0x30: {  	s3 =	sld [smem:$0x3F9F]  }
0x31: {  	[smem:$0x3FA8] =	sst s10  }
0x32: {  	s10 =	sld [smem:$0x3FA6];
	_ =	sdelay $0x3  }
0x33: {  	p0 =	seq.s32 s10, $0x1;
	s10 =	sld [smem:$0x3FA8];
	_ =	sdelay $0x3  }
0x34: {  	[smem:$0x3FA8] =	sst s10  }
0x35: {  	s10 =	sld [smem:$0x3FA7];
	_ =	sdelay $0x3  }
0x36: {  	p1 =	seq.s32 s10, $0x1;
	s10 =	sld [smem:$0x3FA8];
	_ =	sdelay $0x3  }
0x37: {  	[smem:$0x3FA8] =	sst s10  }
0x38: {  	s10 =	sld [smem:$0x3FA9]  }
0x39: {  	_ = 	snop;
	(pc) =	sbr.ind lr, $3  }
0x3a: {  	_ = 	snop  }
0x3b: {  	_ = 	snop  }
0x3c: {  	p2 =	seq.s32 s10, $0x1;
	s10 =	sld [smem:$0x3FA8]  }
0x3d: {  	_ =	shalt  }
0x3e: {  	_ =	shalt  }
0x3f: {  	_ =	shalt  }
0x40: {  	_ =	shalt  }
0x41: {  	_ =	shalt  }
0x42: {  	_ =	shalt  }
0x43: {  	_ =	shalt  }
0x44: {  	_ =	shalt  }
0x45: {  	_ =	shalt  }
0x46: {  	_ =	shalt  }
0x47: {  	_ =	shalt  }
0x48: {  	_ =	shalt  }
0x49: {  	_ =	shalt  }
0x4a: {  	_ =	shalt  }
0x4b: {  	_ =	shalt  }
0x4c: {  	_ =	shalt  }
0x4d: {  	_ =	shalt  }
0x4e: {  	_ =	shalt  }
0x4f: {  	_ =	shalt  }
0x50: {  	_ =	shalt  }
0x51: {  	_ =	shalt  }
0x52: {  	_ =	shalt  }
0x53: {  	_ =	shalt  }
0x54: {  	_ =	shalt  }
0x55: {  	_ =	shalt  }
0x56: {  	_ =	shalt  }
0x57: {  	_ =	shalt  }
0x58: {  	_ =	shalt  }
0x59: {  	_ =	shalt  }
0x5a: {  	_ =	shalt  }
0x5b: {  	_ =	shalt  }
0x5c: {  	_ =	shalt  }
0x5d: {  	_ =	shalt  }
0x5e: {  	_ =	shalt  }
0x5f: {  	_ =	shalt  }
0x60: {  	_ =	shalt  }
0x61: {  	_ =	shalt  }
0x62: {  	_ =	shalt  }
0x63: {  	_ =	shalt  }
0x64: {  	_ =	shalt  }
0x65: {  	_ =	shalt  }
0x66: {  	_ =	shalt  }
0x67: {  	_ =	shalt  }
0x68: {  	_ =	shalt  }
0x69: {  	_ =	shalt  }
0x6a: {  	_ =	shalt  }
0x6b: {  	_ =	shalt  }
0x6c: {  	_ =	shalt  }
0x6d: {  	_ =	shalt  }
0x6e: {  	_ =	shalt  }
0x6f: {  	_ =	shalt  }
0x70: {  	_ =	shalt  }
0x71: {  	_ =	shalt  }
0x72: {  	_ =	shalt  }
0x73: {  	_ =	shalt  }
0x74: {  	_ =	shalt  }
0x75: {  	_ =	shalt  }
0x76: {  	_ =	shalt  }
0x77: {  	_ =	shalt  }
0x78: {  	_ =	shalt  }
0x79: {  	_ =	shalt  }
0x7a: {  	_ =	shalt  }
0x7b: {  	_ =	shalt  }
0x7c: {  	_ =	shalt  }
0x7d: {  	_ =	shalt  }
0x7e: {  	_ =	shalt  }
0x7f: {  	_ =	shalt  }
0x80: {  	_ =	shalt  }
0x81: {  	_ =	shalt  }
0x82: {  	_ =	shalt  }
0x83: {  	_ =	shalt  }
0x84: {  	_ =	shalt  }
0x85: {  	_ =	shalt  }
0x86: {  	_ =	shalt  }
0x87: {  	_ =	shalt  }
.Lfunc_end0:
.L_simem_size_0:
called_computation.2_lowered:
.L_overlay_start_0:
0x88: {  	s2 =	sld [smem:$0x3FD9]  }
0x89: {  	s3 =	sld [smem:$0x3FFE];
	_ =	sdelay $0x1  }
0x8a: {  	s1 =	srdreg.scid  }
0x8b: {  	s0 =	sand.u32 $0x1, s1  }
0x8c: {  	s16 =	sshll.u32 s0, $0xA;
	s2 =	sadd.s32 s3, s2  }
0x8d: {  	s2 =	sadd.s32 s2, s16  }
0x8e: {  	[smem:$0x3FB4] =	sst s2  }
0x8f: {  	_ = 	snop  }
0x90: {  	(tm) =	ssettm $0x1  }
0x91: {  	s17 =	sld [smem:$0x3FFB];
	_ =	sdelay $0x3  }
0x92: {  	_ =	strace s17  }
0x93: {  	s2 =	sld [smem:$0x3FFC];
	_ =	sdelay $0x3  }
0x94: {  	_ =	strace s2  }
0x95: {  	s2 =	sld [smem:$0x3FFD];
	_ =	sdelay $0x3  }
0x96: {  	_ =	strace s2  }
0x97: {  	_ =	strace $0x8FFFFFFF  }
0x98: {  	s18 =	sld [smem:$0x3FDB];
	_ =	sdelay $0x1  }
0x99: {  	s19 =	simm.s32 $_scs_section_size  }
0x9a: {  	s4 =	simm.s32 $_size__tile_overlayer_lowered;
	s5 =	simm.s32 $_tile_overlayer_lowered  }
0x9b: {  	s22 =	simm.s32 $0x1BFF;
	s21 =	sshll.u32 s5, $0x1;
	s2 =	sadd.s32 s19, s18  }
0x9c: {  	s6 =	simm.s32 $0x0;
	s20 =	sshll.u32 s4, $0x1;
	s4 =	sadd.s32 s21, s2  }
0x9d: {  	[timem:s6], [sflag:s22] =	dma.local [hbm:s4], s20  }
0x9e: {  	_ =	swait.ge [sflag:s22], s20  }
0x9f: {  	s3 =	ssub.s32 $0x0, s20;
	[sflag:s22] =	ssyncset.done $0x0  }
0xa0: {  	[sflag:s22] =	ssyncadd.s32 s3;
	_ =	sdelay $0x1  }
0xa1: {  	s23 =	simm.s32 $0x1B8B  }
0xa2: {  	_ =	swait.ge [sflag:s23], $0x1  }
0xa3: {  	[sflag:s23] =	ssyncset.done $0x0  }
0xa4: {  	s25 =	simm.s32 $0x1B8E;
	s24 =	sld [smem:$0x3FFE];
	[sflag:s23] =	ssyncadd.s32 $0xFFFFFFFF  }
0xa5: {  	s26 =	simm.s32 $execute0_lowered;
	[smem:$0x3FD2] =	sst s25  }
0xa6: {  	s4 =	sshll.u32 s26, $0x1;
	_ =	strace $0x8000004C;
	[dreg:$0x1] =	wrdreg $0xFFFFFFFF  }
0xa7: {  	s28 =	simm.s32 $_size_execute0_lowered;
	s2 =	sadd.s32 s2, s4;
	[dreg:$0x0] =	wrdreg $0x0  }
0xa8: {  	s4 =	sshll.u32 s28, $0x1;
	[dreg:$0x2] =	wrdreg s2  }
0xa9: {  	[dreg:$0x3] =	wrdreg s4  }
0xaa: {  	[dreg:$0x4] =	wrdreg $0xC0  }
0xab: {  	_ =	task [dreg:s6], $0x5FFFF  }
0xac: {  	[dreg:$0x1] =	wrdreg $0xFFFFFFFF  }
0xad: {  	[dreg:$0x0] =	wrdreg $0x60  }
0xae: {  	[dreg:$0x2] =	wrdreg s24  }
0xaf: {  	[dreg:$0x3] =	wrdreg $0x9  }
0xb0: {  	_ =	task.clear_ibuf [dreg:s6], $0x4FFFF;
	_ =	strace $0x9000004C  }
0xb1: {  	s29 =	simm.s32 $0x9;
	_ =	strace $0x8000004E  }
0xb2: {  	_ =	swait.ge [sflag:s29], $0x1  }
0xb3: {  	[sflag:s29] =	ssyncadd.s32 $0xFFFFFFFF  }
0xb4: {  	_ =	strace $0x9000004E  }
0xb5: {  	_ =	sfence  }
0xb6: {  	s30 =	sld [smem:$0x0];
	_ =	sdelay $0x2  }
0xb7: {  	s31 =	sshll.u32 s1, $0xD;
	s1 =	sshrl.u32 s1, $0x2  }
0xb8: {  	s3 =	sand.u32 $0x4000, s31;
	s1 =	sadd.s32 s1, s30  }
0xb9: {  	s0 =	sor.u32 s3, s0;
	s1 =	sshll.u32 s1, $0x11  }
0xba: {  	s0 =	sor.u32 s1, s0  }
0xbb: {  	s0 =	sadd.s32 $0x8F2B, s0  }
0xbc: {  	[sflag:s0] =	ssyncadd.remote.s32 $0x1  }
0xbd: {  	_ =	sfence.sel $0xFFFF  }
0xbe: {  	[dreg:$0x0] =	wrdreg $0xFFFFFFFF;
	(pc) =	sbr.abs _section_cstart, $3  }
0xbf: {  	[dreg:$0x1] =	wrdreg $0xFFFFFFFF  }
0xc0: {  	_ =	task.clear_ibuf [dreg:s6], $0x2FFFF;
	_ =	strace $0x9FFFFFFF  }
0xc1: {  	(tm) =	ssettm $0x7FFFFFFF  }
tec
execute0_lowered:
.L_overlay_start_1:
0x0: {  	(tag) =	ssettag $0x1  }
0x1: {  	s5 =	rddreg [dreg:$0x0]  }
0x2: {  	s0 =	rddreg [dreg:$0x1]  }
0x3: {  	s3 =	srdreg.scid;
	s1 =	stileid.u32  }
0x4: {  	s2 =	simm.s32 $0x0;
	s12 =	simm.s32 $0x4F00;
	s13 =	simm.s32 $0x7680  }
0x5: {  	s14 =	simm.s32 $0x9E00;
	s15 =	simm.s32 $0xC580;
	s16 =	simm.s32 $0xED00  }
0x6: {  	s17 =	simm.s32 $0x11480;
	s18 =	simm.s32 $0x13C00;
	s19 =	simm.s32 $0x16380  }
0x7: {  	s20 =	simm.s32 $0x80;
	s21 =	simm.s32 $0x400;
	s22 =	simm.s32 $0x0  }
0x8: {  	s6 =	sand.u32 $0x1, s3;
	s28 =	sshll.u32 s1, $0x1;
	[smem:$0x7FF] =	sst s2  }
0x9: {  	s29 =	sshrl.u32 s1, $0x2;
	s3 =	sadd.s32 $0x35A00, s5;
	s4 =	sor.u32 s6, s28  }
0xa: {  	_ =	strace $0x8000004D;
	s7 =	smul.u32 $0x13C00, s29;
	s8 =	sshll.u32 s4, $0x7  }
0xb: {  	s6 =	ssub.s32 $0x2, s6;
	s9 =	smul.u32 $0x2710, s4;
	s8 =	sand.u32 $0x380, s8  }
0xc: {  	s4 =	sadd.s32 $0x36000, s5;
	s30 =	sshrl.u32 s6, $0x1;
	s7 =	sor.u32 s7, s8  }
0xd: {  	s11 =	ssub.s32 s6, s30;
	s9 =	sshrl.u32 s9, $0x3;
	s7 =	sshrl.u32 s7, $0x3  }
0xe: {  	s31 =	sadd.s32 s5, s9;
	s9 =	smax.u32 s11, $0x1;
	s11 =	simm.s32 $0x2780  }
0xf: {  	s10 =	sadd.s32 s7, s5;
	s5 =	sadd.s32 $0xE600, s31;
	s6 =	sadd.s32 $0x4800, s31  }
0x10: {  	v0 =	vimm.f32 $0.0e+00;
	s7 =	sadd.s32 $0x2BC80, s31;
	s8 =	sadd.s32 $0x36600, s10;
	s10 =	simm.s32 $0x1  }
.LBB2_1:
0x11: {  	[tilespmem:s2], [sflag:$0x1] =	stream.linear.gather [hbm4b:s3+s2], $0x2780, $0x38;
	[tilespmem:$0x18B00] =	vst v63  }
0x12: {  	_ =	swait.ge [sflag:s10], $0x2780  }
0x13: {  	[sflag:s10] =	ssyncset.done $0x0  }
0x14: {  	[sflag:s10] =	ssyncadd.s32 $0xFFFFD880  }
0x15: {  	[tilespmem:s11], [sflag:$0x1] =	stream.linear.gather [hbm4b:s4+s2], $0x2780, $0x38;
	[tilespmem:$0x18B00] =	vst v63  }
0x16: {  	_ =	swait.ge [sflag:s10], $0x2780  }
0x17: {  	[sflag:s10] =	ssyncset.done $0x0  }
0x18: {  	[sflag:s10] =	ssyncadd.s32 $0xFFFFD880  }
0x19: {  	[tilespmem:s12], [sflag:$0x1] =	stream.linear.gather [hbm4b:s5+s2], $0x2710, $0x38;
	[tilespmem:$0x18B00] =	vst v63  }
0x1a: {  	_ =	swait.ge [sflag:s10], $0x2710  }
0x1b: {  	[sflag:s10] =	ssyncset.done $0x0  }
0x1c: {  	[sflag:s10] =	ssyncadd.s32 $0xFFFFD8F0  }
0x1d: {  	[tilespmem:s13], [sflag:$0x1] =	stream.linear.gather [hbm4b:s6+s2], $0x2710, $0x38;
	[tilespmem:$0x18B00] =	vst v63  }
0x1e: {  	_ =	swait.ge [sflag:s10], $0x2710  }
0x1f: {  	[sflag:s10] =	ssyncset.done $0x0  }
0x20: {  	[sflag:s10] =	ssyncadd.s32 $0xFFFFD8F0  }
0x21: {  	[tilespmem:s14], [sflag:$0x1] =	stream.linear.gather [hbm4b:s7+s2], $0x2710, $0x38;
	[tilespmem:$0x18B00] =	vst v63  }
0x22: {  	_ =	swait.ge [sflag:s10], $0x2710  }
0x23: {  	[sflag:s10] =	ssyncset.done $0x0  }
0x24: {  	s28 =	simm.s32 $0xC5A0;
	[sflag:s10] =	ssyncadd.s32 $0xFFFFD8F0  }
0x25: {  	[tilespmem:s28+$0xFFFFFFF0] =	vst v0  }
0x26: {  	[tilespmem:s28+$0x0] =	vst v0  }
0x27: {  	[tilespmem:s28+$0x10] =	vst v0  }
0x28: {  	s23 =	simm.s32 $0xED20;
	[tilespmem:s28+$0xFFFFFFE0] =	vst v0  }
0x29: {  	[tilespmem:s23+$0xFFFFFFF0] =	vst v0  }
0x2a: {  	[tilespmem:s23+$0x0] =	vst v0  }
0x2b: {  	[tilespmem:s23+$0x10] =	vst v0  }
0x2c: {  	s24 =	simm.s32 $0x114A0;
	[tilespmem:s23+$0xFFFFFFE0] =	vst v0  }
0x2d: {  	[tilespmem:s24+$0xFFFFFFF0] =	vst v0  }
0x2e: {  	[tilespmem:s24+$0x0] =	vst v0  }
0x2f: {  	[tilespmem:s24+$0x10] =	vst v0  }
0x30: {  	s25 =	simm.s32 $0x13C20;
	[tilespmem:s24+$0xFFFFFFE0] =	vst v0  }
0x31: {  	[tilespmem:s25+$0xFFFFFFF0] =	vst v0  }
0x32: {  	[tilespmem:s25+$0x0] =	vst v0  }
0x33: {  	[tilespmem:s25+$0x10] =	vst v0  }
0x34: {  	s26 =	simm.s32 $0x163A0;
	[tilespmem:s25+$0xFFFFFFE0] =	vst v0  }
0x35: {  	[tilespmem:s26+$0xFFFFFFF0] =	vst v0  }
0x36: {  	[tilespmem:s26+$0x0] =	vst v0  }
0x37: {  	[tilespmem:s26+$0x10] =	vst v0  }
0x38: {  	s29 =	simm.s32 $0xC5E0;
	s28 =	simm.s32 $0x0;
	[tilespmem:s26+$0xFFFFFFE0] =	vst v0  }
.LBB2_2:
0x39: {  	[tilespmem:s29+$0xFFFFFFF0] =	vst v0;
	s23 =	sadd.s32 $0x40, s23  }
0x3a: {  	s24 =	sadd.s32 $0x40, s24;
	[tilespmem:s23+$0xFFFFFFF0] =	vst v0  }
0x3b: {  	s25 =	sadd.s32 $0x40, s25;
	[tilespmem:s24+$0xFFFFFFF0] =	vst v0  }
0x3c: {  	s26 =	sadd.s32 $0x40, s26;
	[tilespmem:s25+$0xFFFFFFF0] =	vst v0  }
0x3d: {  	[tilespmem:s26+$0xFFFFFFF0] =	vst v0  }
0x3e: {  	[tilespmem:s29+$0x0] =	vst v0  }
0x3f: {  	[tilespmem:s23+$0x0] =	vst v0  }
0x40: {  	[tilespmem:s24+$0x0] =	vst v0  }
0x41: {  	[tilespmem:s25+$0x0] =	vst v0  }
0x42: {  	[tilespmem:s26+$0x0] =	vst v0  }
0x43: {  	[tilespmem:s29+$0x10] =	vst v0  }
0x44: {  	[tilespmem:s23+$0x10] =	vst v0  }
0x45: {  	[tilespmem:s24+$0x10] =	vst v0  }
0x46: {  	s28 =	sadd.s32 $0x4, s28;
	[tilespmem:s25+$0x10] =	vst v0  }
0x47: {  	p0 =	slt.u32 s28, $0x26C;
	[tilespmem:s26+$0x10] =	vst v0  }
.Ltmp0:
0x48: {  	[tilespmem:s29+$0xFFFFFFE0] =	vst v0;
	(pc) =	sbr.rel @p0 .LBB2_2-.Ltmp0, $4  }
0x49: {  	[tilespmem:s23+$0xFFFFFFE0] =	vst v0  }
0x4a: {  	[tilespmem:s24+$0xFFFFFFE0] =	vst v0  }
0x4b: {  	[tilespmem:s25+$0xFFFFFFE0] =	vst v0  }
0x4c: {  	s29 =	sadd.s32 $0x40, s29;
	[tilespmem:s26+$0xFFFFFFE0] =	vst v0  }
0x4d: {  	[tilespmem:$0xEC80] =	vst v0  }
0x4e: {  	[tilespmem:$0x11400] =	vst v0  }
0x4f: {  	[tilespmem:$0x13B80] =	vst v0  }
0x50: {  	[tilespmem:$0x16300] =	vst v0  }
0x51: {  	[tilespmem:$0x18A80] =	vst v0;
	s25 =	simm.s32 $0x7720  }
0x52: {  	s23 =	simm.s32 $0x4FA0;
	v1 =	vld [tilespmem:s25+$0x50]  }
0x53: {  	v2 =	vld [tilespmem:s23+$0x50]  }
0x54: {  	v3 =	vld [tilespmem:s23+$0xFFFFFF60]  }
0x55: {  	v4 =	vld [tilespmem:s25+$0xFFFFFFB0]  }
0x56: {  	v5 =	vld [tilespmem:s23+$0xFFFFFFB0]  }
0x57: {  	v6 =	vld [tilespmem:s25+$0x0]  }
0x58: {  	v7 =	vld [tilespmem:s23+$0x0]  }
0x59: {  	s24 =	simm.s32 $0x9EA0;
	v8 =	vld [tilespmem:s25+$0xFFFFFF60]  }
0x5a: {  	v11 =	vld [tilespmem:s24+$0x50]  }
0x5b: {  	v9 =	vld.idx.msk [tilespmem:v1+s2+$0x0], $0xffff  }
0x5c: {  	v2 =	vld.idx.msk [tilespmem:v2+s11+$0x0], $0xffff  }
0x5d: {  	v3 =	vld.idx.msk [tilespmem:v3+s11+$0x0], $0xffff  }
0x5e: {  	v10 =	vld.idx.msk [tilespmem:v4+s2+$0x0], $0xffff  }
0x5f: {  	v5 =	vld.idx.msk [tilespmem:v5+s11+$0x0], $0xffff  }
0x60: {  	v12 =	vld.idx.msk [tilespmem:v6+s2+$0x0], $0xffff  }
0x61: {  	v13 =	vld.idx.msk [tilespmem:v8+s2+$0x0], $0xffff;
	v2 =	vadd.f32 v2, v9  }
0x62: {  	v7 =	vld.idx.msk [tilespmem:v7+s11+$0x0], $0xffff  }
0x63: {  	v9 =	vld [tilespmem:s24+$0xFFFFFF60];
	v2 =	vadd.f32 v2, v11  }
0x64: {  	v11 =	vld [tilespmem:s24+$0xFFFFFFB0]  }
0x65: {  	v14 =	vld [tilespmem:s24+$0x0];
	v2 =	vmax.f32 v2, $0.0e+00  }
0x66: {  	[tilespmem:v1+s15+$0x0] =	vst.idx.add.f32.msk $0xffff, v2;
	v1 =	vadd.f32 v3, v13  }
0x67: {  	v3 =	vadd.f32 v5, v10;
	v2 =	vld [tilespmem:s25+$0x60]  }
0x68: {  	v7 =	vadd.f32 v7, v12;
	v5 =	vld [tilespmem:s23+$0x60];
	v1 =	vadd.f32 v1, v9  }
0x69: {  	v3 =	vadd.f32 v3, v11  }
0x6a: {  	v7 =	vadd.f32 v7, v14;
	v1 =	vmax.f32 v1, $0.0e+00  }
0x6b: {  	v3 =	vmax.f32 v3, $0.0e+00;
	[tilespmem:v8+s15+$0x0] =	vst.idx.add.f32.msk $0xffff, v1  }
0x6c: {  	v1 =	vmax.f32 v7, $0.0e+00;
	[tilespmem:v4+s15+$0x0] =	vst.idx.add.f32.msk $0xffff, v3  }
0x6d: {  	[tilespmem:v6+s15+$0x0] =	vst.idx.add.f32.msk $0xffff, v1  }
0x6e: {  	v4 =	vld [tilespmem:s25+$0xFFFFFF70]  }
0x6f: {  	v1 =	vld.idx.msk [tilespmem:v2+s2+$0x0], $0xffff  }
0x70: {  	v3 =	vld.idx.msk [tilespmem:v5+s11+$0x0], $0xffff  }
0x71: {  	v5 =	vld [tilespmem:s23+$0xFFFFFF70]  }
0x72: {  	v7 =	vld [tilespmem:s25+$0xFFFFFFC0]  }
0x73: {  	v6 =	vld [tilespmem:s24+$0x60]  }
0x74: {  	v8 =	vld [tilespmem:s23+$0xFFFFFFC0]  }
0x75: {  	v10 =	vld [tilespmem:s24+$0xFFFFFF70]  }
0x76: {  	v9 =	vld [tilespmem:s25+$0x10];
	v1 =	vadd.f32 v3, v1  }
0x77: {  	v3 =	vld [tilespmem:s23+$0x10]  }
0x78: {  	v1 =	vadd.f32 v1, v6;
	v6 =	vld.idx.msk [tilespmem:v4+s2+$0x0], $0xffff  }
0x79: {  	v5 =	vld.idx.msk [tilespmem:v5+s11+$0x0], $0xffff  }
0x7a: {  	v11 =	vld.idx.msk [tilespmem:v7+s2+$0x0], $0xffff;
	v1 =	vmax.f32 v1, $0.0e+00  }
0x7b: {  	[tilespmem:v2+s16+$0x0] =	vst.idx.add.f32.msk $0xffff, v1  }
0x7c: {  	v1 =	vld [tilespmem:s25+$0x70]  }
0x7d: {  	v2 =	vld [tilespmem:s23+$0x70]  }
0x7e: {  	v8 =	vld.idx.msk [tilespmem:v8+s11+$0x0], $0xffff;
	v5 =	vadd.f32 v5, v6  }
0x7f: {  	v56 =	vld.idx.msk [tilespmem:v9+s2+$0x0], $0xffff  }
0x80: {  	v3 =	vld.idx.msk [tilespmem:v3+s11+$0x0], $0xffff;
	v5 =	vadd.f32 v5, v10  }
0x81: {  	v6 =	vld [tilespmem:s24+$0xFFFFFFC0]  }
0x82: {  	v10 =	vld [tilespmem:s24+$0x10];
	v5 =	vmax.f32 v5, $0.0e+00  }
0x83: {  	[tilespmem:v4+s16+$0x0] =	vst.idx.add.f32.msk $0xffff, v5  }
0x84: {  	v57 =	vld.idx.msk [tilespmem:v1+s2+$0x0], $0xffff  }
0x85: {  	v8 =	vadd.f32 v8, v11;
	v2 =	vld.idx.msk [tilespmem:v2+s11+$0x0], $0xffff  }
0x86: {  	v5 =	vld [tilespmem:s24+$0x70]  }
0x87: {  	v4 =	vadd.f32 v8, v6;
	v3 =	vadd.f32 v3, v56;
	v6 =	vld [tilespmem:s25+$0xFFFFFF80]  }
0x88: {  	v8 =	vld [tilespmem:s23+$0xFFFFFF80]  }
0x89: {  	v59 =	vld [tilespmem:s24+$0xFFFFFF80];
	v4 =	vmax.f32 v4, $0.0e+00;
	v3 =	vadd.f32 v3, v10  }
0x8a: {  	[tilespmem:v7+s16+$0x0] =	vst.idx.add.f32.msk $0xffff, v4;
	v2 =	vadd.f32 v2, v57  }
0x8b: {  	v4 =	vld [tilespmem:s25+$0xFFFFFFD0];
	v3 =	vmax.f32 v3, $0.0e+00  }
0x8c: {  	[tilespmem:v9+s16+$0x0] =	vst.idx.add.f32.msk $0xffff, v3;
	v2 =	vadd.f32 v2, v5  }
0x8d: {  	v3 =	vld [tilespmem:s23+$0xFFFFFFD0]  }
0x8e: {  	v7 =	vld [tilespmem:s23+$0x20];
	v2 =	vmax.f32 v2, $0.0e+00  }
0x8f: {  	[tilespmem:v1+s17+$0x0] =	vst.idx.add.f32.msk $0xffff, v2  }
0x90: {  	v1 =	vld [tilespmem:s25+$0x80]  }
0x91: {  	v2 =	vld [tilespmem:s23+$0x80]  }
0x92: {  	v5 =	vld [tilespmem:s25+$0x20]  }
0x93: {  	v9 =	vld.idx.msk [tilespmem:v6+s2+$0x0], $0xffff  }
0x94: {  	v8 =	vld.idx.msk [tilespmem:v8+s11+$0x0], $0xffff  }
0x95: {  	v10 =	vld.idx.msk [tilespmem:v4+s2+$0x0], $0xffff  }
0x96: {  	v3 =	vld.idx.msk [tilespmem:v3+s11+$0x0], $0xffff  }
0x97: {  	v60 =	vld [tilespmem:s24+$0xFFFFFFD0]  }
0x98: {  	v58 =	vld.idx.msk [tilespmem:v1+s2+$0x0], $0xffff  }
0x99: {  	v8 =	vadd.f32 v8, v9;
	v2 =	vld.idx.msk [tilespmem:v2+s11+$0x0], $0xffff  }
0x9a: {  	v15 =	vld [tilespmem:s24+$0x80]  }
0x9b: {  	v7 =	vld.idx.msk [tilespmem:v7+s11+$0x0], $0xffff;
	v8 =	vadd.f32 v8, v59;
	v3 =	vadd.f32 v3, v10  }
0x9c: {  	v11 =	vld.idx.msk [tilespmem:v5+s2+$0x0], $0xffff  }
0x9d: {  	v9 =	vld [tilespmem:s24+$0x20];
	v8 =	vmax.f32 v8, $0.0e+00;
	v3 =	vadd.f32 v3, v60  }
0x9e: {  	[tilespmem:v6+s17+$0x0] =	vst.idx.add.f32.msk $0xffff, v8;
	v2 =	vadd.f32 v2, v58  }
0x9f: {  	v63 =	vld [tilespmem:s24+$0xFFFFFF90];
	v3 =	vmax.f32 v3, $0.0e+00  }
0xa0: {  	[tilespmem:v4+s17+$0x0] =	vst.idx.add.f32.msk $0xffff, v3;
	v2 =	vadd.f32 v2, v15  }
0xa1: {  	v7 =	vadd.f32 v7, v11;
	v4 =	vld [tilespmem:s23+$0xFFFFFF90]  }
0xa2: {  	v6 =	vld [tilespmem:s23+$0xFFFFFFE0];
	v2 =	vmax.f32 v2, $0.0e+00  }
0xa3: {  	v3 =	vadd.f32 v7, v9;
	[tilespmem:v1+s18+$0x0] =	vst.idx.add.f32.msk $0xffff, v2  }
0xa4: {  	v1 =	vld [tilespmem:s25+$0x90]  }
0xa5: {  	v2 =	vmax.f32 v3, $0.0e+00;
	v3 =	vld [tilespmem:s23+$0x90]  }
0xa6: {  	[tilespmem:v5+s17+$0x0] =	vst.idx.add.f32.msk $0xffff, v2  }
0xa7: {  	v2 =	vld [tilespmem:s25+$0xFFFFFF90]  }
0xa8: {  	v5 =	vld [tilespmem:s25+$0xFFFFFFE0]  }
0xa9: {  	v11 =	vld [tilespmem:s24+$0x90]  }
0xaa: {  	v8 =	vld [tilespmem:s25+$0x30]  }
0xab: {  	v9 =	vld [tilespmem:s23+$0x30]  }
0xac: {  	v4 =	vld.idx.msk [tilespmem:v4+s11+$0x0], $0xffff  }
0xad: {  	v7 =	vld.idx.msk [tilespmem:v1+s2+$0x0], $0xffff  }
0xae: {  	v3 =	vld.idx.msk [tilespmem:v3+s11+$0x0], $0xffff  }
0xaf: {  	v10 =	vld.idx.msk [tilespmem:v2+s2+$0x0], $0xffff  }
0xb0: {  	v6 =	vld.idx.msk [tilespmem:v6+s11+$0x0], $0xffff  }
0xb1: {  	v61 =	vld.idx.msk [tilespmem:v5+s2+$0x0], $0xffff  }
0xb2: {  	v62 =	vld.idx.msk [tilespmem:v8+s2+$0x0], $0xffff  }
0xb3: {  	v9 =	vld.idx.msk [tilespmem:v9+s11+$0x0], $0xffff;
	v3 =	vadd.f32 v3, v7  }
0xb4: {  	v7 =	vld [tilespmem:s24+$0xFFFFFFE0];
	v4 =	vadd.f32 v4, v10  }
0xb5: {  	v3 =	vadd.f32 v3, v11  }
0xb6: {  	v10 =	vld [tilespmem:s24+$0x30];
	v4 =	vadd.f32 v4, v63  }
0xb7: {  	v6 =	vadd.f32 v6, v61;
	v3 =	vmax.f32 v3, $0.0e+00  }
0xb8: {  	[tilespmem:v1+s19+$0x0] =	vst.idx.add.f32.msk $0xffff, v3;
	v1 =	vmax.f32 v4, $0.0e+00  }
0xb9: {  	v3 =	vadd.f32 v6, v7;
	v4 =	vadd.f32 v9, v62;
	[tilespmem:v2+s18+$0x0] =	vst.idx.add.f32.msk $0xffff, v1  }
0xba: {  	v1 =	vld [tilespmem:s25+$0xFFFFFFA0]  }
0xbb: {  	v2 =	vmax.f32 v3, $0.0e+00;
	v3 =	vadd.f32 v4, v10;
	v7 =	vld [tilespmem:s23+$0xFFFFFFA0]  }
0xbc: {  	[tilespmem:v5+s18+$0x0] =	vst.idx.add.f32.msk $0xffff, v2  }
0xbd: {  	v5 =	vld [tilespmem:s24+$0xFFFFFFA0];
	v2 =	vmax.f32 v3, $0.0e+00  }
0xbe: {  	[tilespmem:v8+s18+$0x0] =	vst.idx.add.f32.msk $0xffff, v2  }
0xbf: {  	v2 =	vld [tilespmem:s25+$0xFFFFFFF0]  }
0xc0: {  	v8 =	vld [tilespmem:s23+$0xFFFFFFF0]  }
0xc1: {  	v3 =	vld [tilespmem:s25+$0x40]  }
0xc2: {  	v4 =	vld [tilespmem:s23+$0x40]  }
0xc3: {  	s26 =	simm.s32 $0x0;
	s28 =	simm.s32 $0x7860;
	s25 =	simm.s32 $0x9EA0;
	v6 =	vld.idx.msk [tilespmem:v1+s2+$0x0], $0xffff  }
.LBB2_4:
0xc4: {  	v9 =	vld [tilespmem:s28+$0x50];
	s23 =	sadd.s32 $0x140, s23  }
0xc5: {  	v10 =	vld [tilespmem:s23+$0x50]  }
0xc6: {  	v11 =	vld [tilespmem:s23+$0xFFFFFF60]  }
0xc7: {  	v12 =	vld [tilespmem:s28+$0xFFFFFFB0]  }
0xc8: {  	v13 =	vld [tilespmem:s23+$0xFFFFFFB0]  }
0xc9: {  	s26 =	sadd.s32 $0x4, s26;
	v14 =	vld [tilespmem:s28+$0x0]  }
0xca: {  	p0 =	slt.u32 s26, $0x78;
	v15 =	vld [tilespmem:s23+$0x0]  }
0xcb: {  	v16 =	vld [tilespmem:s28+$0xFFFFFF60]  }
0xcc: {  	v17 =	vld.idx.msk [tilespmem:v9+s2+$0x0], $0xffff  }
0xcd: {  	v10 =	vld.idx.msk [tilespmem:v10+s11+$0x0], $0xffff  }
0xce: {  	v11 =	vld.idx.msk [tilespmem:v11+s11+$0x0], $0xffff  }
0xcf: {  	s24 =	sadd.s32 $0x140, s24;
	v18 =	vld.idx.msk [tilespmem:v12+s2+$0x0], $0xffff  }
0xd0: {  	v19 =	vld [tilespmem:s24+$0x50]  }
0xd1: {  	v13 =	vld.idx.msk [tilespmem:v13+s11+$0x0], $0xffff  }
0xd2: {  	v20 =	vld.idx.msk [tilespmem:v14+s2+$0x0], $0xffff  }
0xd3: {  	v10 =	vadd.f32 v10, v17;
	v21 =	vld.idx.msk [tilespmem:v16+s2+$0x0], $0xffff  }
0xd4: {  	v15 =	vld.idx.msk [tilespmem:v15+s11+$0x0], $0xffff  }
0xd5: {  	v17 =	vld [tilespmem:s24+$0xFFFFFF60];
	v10 =	vadd.f32 v10, v19  }
0xd6: {  	v19 =	vld [tilespmem:s24+$0xFFFFFFB0]  }
0xd7: {  	v13 =	vadd.f32 v13, v18;
	v18 =	vld [tilespmem:s24+$0x0];
	v10 =	vmax.f32 v10, $0.0e+00  }
0xd8: {  	[tilespmem:v9+s15+$0x0] =	vst.idx.add.f32.msk $0xffff, v10  }
0xd9: {  	v9 =	vadd.f32 v11, v21;
	v10 =	vld [tilespmem:s28+$0x60]  }
0xda: {  	v11 =	vadd.f32 v15, v20;
	v15 =	vld [tilespmem:s23+$0x60]  }
0xdb: {  	v9 =	vadd.f32 v9, v17;
	v13 =	vadd.f32 v13, v19;
	v7 =	vld.idx.msk [tilespmem:v7+s11+$0x0], $0xffff  }
0xdc: {  	v11 =	vadd.f32 v11, v18;
	v17 =	vld.idx.msk [tilespmem:v2+s2+$0x0], $0xffff  }
0xdd: {  	v9 =	vmax.f32 v9, $0.0e+00;
	v13 =	vmax.f32 v13, $0.0e+00;
	v8 =	vld.idx.msk [tilespmem:v8+s11+$0x0], $0xffff  }
0xde: {  	[tilespmem:v16+s15+$0x0] =	vst.idx.add.f32.msk $0xffff, v9;
	v9 =	vmax.f32 v11, $0.0e+00  }
0xdf: {  	[tilespmem:v12+s15+$0x0] =	vst.idx.add.f32.msk $0xffff, v13  }
0xe0: {  	[tilespmem:v14+s15+$0x0] =	vst.idx.add.f32.msk $0xffff, v9  }
0xe1: {  	v6 =	vadd.f32 v7, v6;
	v9 =	vld.idx.msk [tilespmem:v10+s2+$0x0], $0xffff  }
0xe2: {  	v7 =	vld.idx.msk [tilespmem:v15+s11+$0x0], $0xffff  }
0xe3: {  	v5 =	vadd.f32 v6, v5;
	v6 =	vadd.f32 v8, v17;
	v11 =	vld [tilespmem:s28+$0xFFFFFF70]  }
0xe4: {  	v8 =	vld [tilespmem:s23+$0xFFFFFF70]  }
0xe5: {  	v5 =	vmax.f32 v5, $0.0e+00;
	v12 =	vld [tilespmem:s24+$0x60]  }
0xe6: {  	v13 =	vld [tilespmem:s28+$0xFFFFFFC0]  }
0xe7: {  	v14 =	vld [tilespmem:s23+$0xFFFFFFC0]  }
0xe8: {  	v7 =	vadd.f32 v7, v9;
	v15 =	vld [tilespmem:s28+$0x10]  }
0xe9: {  	v9 =	vld [tilespmem:s23+$0x10]  }
0xea: {  	v16 =	vld [tilespmem:s24+$0xFFFFFF70];
	v7 =	vadd.f32 v7, v12  }
0xeb: {  	v12 =	vld.idx.msk [tilespmem:v11+s2+$0x0], $0xffff  }
0xec: {  	v8 =	vld.idx.msk [tilespmem:v8+s11+$0x0], $0xffff;
	v7 =	vmax.f32 v7, $0.0e+00  }
0xed: {  	[tilespmem:v10+s16+$0x0] =	vst.idx.add.f32.msk $0xffff, v7  }
0xee: {  	v7 =	vld [tilespmem:s28+$0x70]  }
0xef: {  	v10 =	vld [tilespmem:s23+$0x70]  }
0xf0: {  	v17 =	vld.idx.msk [tilespmem:v13+s2+$0x0], $0xffff  }
0xf1: {  	v14 =	vld.idx.msk [tilespmem:v14+s11+$0x0], $0xffff  }
0xf2: {  	v8 =	vadd.f32 v8, v12;
	v12 =	vld.idx.msk [tilespmem:v15+s2+$0x0], $0xffff  }
0xf3: {  	v9 =	vld.idx.msk [tilespmem:v9+s11+$0x0], $0xffff  }
0xf4: {  	v8 =	vadd.f32 v8, v16;
	v16 =	vld [tilespmem:s24+$0xFFFFFFC0]  }
0xf5: {  	v18 =	vld [tilespmem:s24+$0x10]  }
0xf6: {  	v8 =	vmax.f32 v8, $0.0e+00;
	v19 =	vld.idx.msk [tilespmem:v7+s2+$0x0], $0xffff  }
0xf7: {  	v14 =	vadd.f32 v14, v17;
	v10 =	vld.idx.msk [tilespmem:v10+s11+$0x0], $0xffff  }
0xf8: {  	[tilespmem:v11+s16+$0x0] =	vst.idx.add.f32.msk $0xffff, v8  }
0xf9: {  	v9 =	vadd.f32 v9, v12;
	v8 =	vld [tilespmem:s28+$0xFFFFFF80];
	v11 =	vadd.f32 v14, v16  }
0xfa: {  	v12 =	vld [tilespmem:s24+$0x70]  }
0xfb: {  	v9 =	vadd.f32 v9, v18;
	v14 =	vld [tilespmem:s23+$0xFFFFFF80];
	v11 =	vmax.f32 v11, $0.0e+00  }
0xfc: {  	[tilespmem:v13+s16+$0x0] =	vst.idx.add.f32.msk $0xffff, v11  }
0xfd: {  	v9 =	vmax.f32 v9, $0.0e+00;
	v10 =	vadd.f32 v10, v19;
	v11 =	vld [tilespmem:s28+$0xFFFFFFD0]  }
0xfe: {  	[tilespmem:v15+s16+$0x0] =	vst.idx.add.f32.msk $0xffff, v9  }
0xff: {  	v9 =	vld [tilespmem:s23+$0xFFFFFFD0];
	v10 =	vadd.f32 v10, v12  }
0x100: {  	v12 =	vld [tilespmem:s28+$0x20]  }
0x101: {  	v13 =	vld [tilespmem:s23+$0x20];
	v10 =	vmax.f32 v10, $0.0e+00  }
0x102: {  	[tilespmem:v7+s17+$0x0] =	vst.idx.add.f32.msk $0xffff, v10  }
0x103: {  	v7 =	vld [tilespmem:s28+$0x80]  }
0x104: {  	v10 =	vld [tilespmem:s23+$0x80]  }
0x105: {  	v15 =	vld.idx.msk [tilespmem:v8+s2+$0x0], $0xffff  }
0x106: {  	v14 =	vld.idx.msk [tilespmem:v14+s11+$0x0], $0xffff  }
0x107: {  	v16 =	vld.idx.msk [tilespmem:v11+s2+$0x0], $0xffff  }
0x108: {  	v9 =	vld.idx.msk [tilespmem:v9+s11+$0x0], $0xffff  }
0x109: {  	v17 =	vld.idx.msk [tilespmem:v12+s2+$0x0], $0xffff  }
0x10a: {  	v13 =	vld.idx.msk [tilespmem:v13+s11+$0x0], $0xffff  }
0x10b: {  	v18 =	vld.idx.msk [tilespmem:v7+s2+$0x0], $0xffff  }
0x10c: {  	v14 =	vadd.f32 v14, v15;
	v10 =	vld.idx.msk [tilespmem:v10+s11+$0x0], $0xffff  }
0x10d: {  	v15 =	vld [tilespmem:s24+$0xFFFFFF80]  }
0x10e: {  	v9 =	vadd.f32 v9, v16;
	v19 =	vld [tilespmem:s24+$0xFFFFFFD0]  }
0x10f: {  	v16 =	vld [tilespmem:s24+$0x80]  }
0x110: {  	v13 =	vadd.f32 v13, v17;
	v20 =	vld [tilespmem:s24+$0x20]  }
0x111: {  	v17 =	vld.idx.msk [tilespmem:v3+s2+$0x0], $0xffff  }
0x112: {  	v10 =	vadd.f32 v10, v18;
	v14 =	vadd.f32 v14, v15;
	v4 =	vld.idx.msk [tilespmem:v4+s11+$0x0], $0xffff  }
0x113: {  	v9 =	vadd.f32 v9, v19;
	v15 =	vld [tilespmem:s25+$0xFFFFFFF0]  }
0x114: {  	v14 =	vmax.f32 v14, $0.0e+00;
	v10 =	vadd.f32 v10, v16;
	v16 =	vld [tilespmem:s25+$0x40];
	s25 =	smov.u32 s24  }
0x115: {  	[tilespmem:v8+s17+$0x0] =	vst.idx.add.f32.msk $0xffff, v14;
	v8 =	vmax.f32 v9, $0.0e+00;
	v9 =	vadd.f32 v13, v20  }
0x116: {  	[tilespmem:v11+s17+$0x0] =	vst.idx.add.f32.msk $0xffff, v8;
	v8 =	vmax.f32 v10, $0.0e+00  }
0x117: {  	v9 =	vmax.f32 v9, $0.0e+00;
	[tilespmem:v7+s18+$0x0] =	vst.idx.add.f32.msk $0xffff, v8  }
0x118: {  	v4 =	vadd.f32 v4, v17;
	v7 =	vld [tilespmem:s28+$0x90];
	v6 =	vadd.f32 v6, v15  }
0x119: {  	v8 =	vld [tilespmem:s23+$0x90]  }
0x11a: {  	v4 =	vadd.f32 v4, v16;
	[tilespmem:v12+s17+$0x0] =	vst.idx.add.f32.msk $0xffff, v9;
	v6 =	vmax.f32 v6, $0.0e+00  }
0x11b: {  	v9 =	vld [tilespmem:s28+$0xFFFFFF90]  }
0x11c: {  	v4 =	vmax.f32 v4, $0.0e+00;
	v10 =	vld [tilespmem:s23+$0xFFFFFF90]  }
0x11d: {  	v11 =	vld [tilespmem:s28+$0xFFFFFFE0]  }
0x11e: {  	v12 =	vld [tilespmem:s23+$0xFFFFFFE0]  }
0x11f: {  	v13 =	vld [tilespmem:s28+$0x30]  }
0x120: {  	v14 =	vld.idx.msk [tilespmem:v7+s2+$0x0], $0xffff  }
0x121: {  	v8 =	vld.idx.msk [tilespmem:v8+s11+$0x0], $0xffff  }
0x122: {  	v15 =	vld [tilespmem:s23+$0x30]  }
0x123: {  	v16 =	vld.idx.msk [tilespmem:v9+s2+$0x0], $0xffff  }
0x124: {  	v17 =	vld [tilespmem:s24+$0x90]  }
0x125: {  	v10 =	vld.idx.msk [tilespmem:v10+s11+$0x0], $0xffff  }
0x126: {  	v18 =	vld.idx.msk [tilespmem:v11+s2+$0x0], $0xffff  }
0x127: {  	v8 =	vadd.f32 v8, v14;
	v12 =	vld.idx.msk [tilespmem:v12+s11+$0x0], $0xffff  }
0x128: {  	v14 =	vld.idx.msk [tilespmem:v13+s2+$0x0], $0xffff  }
0x129: {  	v19 =	vld [tilespmem:s24+$0xFFFFFF90];
	v8 =	vadd.f32 v8, v17  }
0x12a: {  	v15 =	vld.idx.msk [tilespmem:v15+s11+$0x0], $0xffff  }
0x12b: {  	v10 =	vadd.f32 v10, v16;
	v16 =	vld [tilespmem:s24+$0xFFFFFFE0];
	v8 =	vmax.f32 v8, $0.0e+00  }
0x12c: {  	[tilespmem:v7+s19+$0x0] =	vst.idx.add.f32.msk $0xffff, v8  }
0x12d: {  	v7 =	vadd.f32 v12, v18;
	v8 =	vld [tilespmem:s24+$0x30]  }
0x12e: {  	v10 =	vadd.f32 v10, v19;
	[tilespmem:v1+s19+$0x0] =	vst.idx.add.f32.msk $0xffff, v5  }
0x12f: {  	[tilespmem:v2+s19+$0x0] =	vst.idx.add.f32.msk $0xffff, v6  }
0x130: {  	v5 =	vadd.f32 v15, v14;
	v1 =	vmax.f32 v10, $0.0e+00;
	v2 =	vadd.f32 v7, v16;
	[tilespmem:v3+s19+$0x0] =	vst.idx.add.f32.msk $0xffff, v4  }
0x131: {  	[tilespmem:v9+s18+$0x0] =	vst.idx.add.f32.msk $0xffff, v1  }
0x132: {  	v1 =	vld [tilespmem:s28+$0xFFFFFFA0];
	v2 =	vmax.f32 v2, $0.0e+00;
	v3 =	vadd.f32 v5, v8  }
0x133: {  	[tilespmem:v11+s18+$0x0] =	vst.idx.add.f32.msk $0xffff, v2  }
0x134: {  	v7 =	vld [tilespmem:s23+$0xFFFFFFA0];
	v2 =	vmax.f32 v3, $0.0e+00  }
0x135: {  	[tilespmem:v13+s18+$0x0] =	vst.idx.add.f32.msk $0xffff, v2  }
0x136: {  	v2 =	vld [tilespmem:s28+$0xFFFFFFF0]  }
.Ltmp1:
0x137: {  	v8 =	vld [tilespmem:s23+$0xFFFFFFF0];
	(pc) =	sbr.rel @p0 .LBB2_4-.Ltmp1, $4  }
0x138: {  	v3 =	vld [tilespmem:s28+$0x40]  }
0x139: {  	v4 =	vld [tilespmem:s23+$0x40]  }
0x13a: {  	v6 =	vld.idx.msk [tilespmem:v1+s2+$0x0], $0xffff  }
0x13b: {  	s28 =	sadd.s32 $0x140, s28;
	v5 =	vld [tilespmem:s24+$0xFFFFFFA0]  }
0x13c: {  	_ =	sdelay $0x3  }
0x13d: {  	v7 =	vld.idx.msk [tilespmem:v7+s11+$0x0], $0xffff  }
0x13e: {  	v9 =	vld.idx.msk [tilespmem:v2+s2+$0x0], $0xffff  }
0x13f: {  	v8 =	vld.idx.msk [tilespmem:v8+s11+$0x0], $0xffff  }
0x140: {  	v10 =	vld.idx.msk [tilespmem:v3+s2+$0x0], $0xffff  }
0x141: {  	v4 =	vld.idx.msk [tilespmem:v4+s11+$0x0], $0xffff  }
0x142: {  	v11 =	vld [tilespmem:s25+$0xFFFFFFF0]  }
0x143: {  	v12 =	vld [tilespmem:s25+$0x40]  }
0x144: {  	v6 =	vadd.f32 v7, v6  }
0x145: {  	v7 =	vadd.f32 v8, v9  }
0x146: {  	v5 =	vadd.f32 v6, v5;
	v4 =	vadd.f32 v4, v10  }
0x147: {  	v6 =	vadd.f32 v7, v11  }
0x148: {  	v5 =	vmax.f32 v5, $0.0e+00;
	v4 =	vadd.f32 v4, v12  }
0x149: {  	v6 =	vmax.f32 v6, $0.0e+00;
	[tilespmem:v1+s19+$0x0] =	vst.idx.add.f32.msk $0xffff, v5  }
0x14a: {  	[tilespmem:v2+s19+$0x0] =	vst.idx.add.f32.msk $0xffff, v6;
	v1 =	vmax.f32 v4, $0.0e+00  }
0x14b: {  	[tilespmem:v3+s19+$0x0] =	vst.idx.add.f32.msk $0xffff, v1  }
0x14c: {  	v1 =	vld [tilespmem:$0x9D40]  }
0x14d: {  	v2 =	vld [tilespmem:$0x75C0];
	_ =	sdelay $0x6  }
0x14e: {  	v3 =	vld.idx.msk [tilespmem:v1+s2+$0x0], $0xffff  }
0x14f: {  	v2 =	vld.idx.msk [tilespmem:v2+s11+$0x0], $0xffff;
	_ =	sdelay $0x1  }
0x150: {  	v4 =	vld [tilespmem:$0xC4C0];
	_ =	sdelay $0x2  }
0x151: {  	v2 =	vadd.f32 v2, v3;
	_ =	sdelay $0x1  }
0x152: {  	v2 =	vadd.f32 v2, v4;
	_ =	sdelay $0x1  }
0x153: {  	v2 =	vmax.f32 v2, $0.0e+00  }
0x154: {  	[tilespmem:v1+s15+$0x0] =	vst.idx.add.f32.msk $0xffff, v2  }
0x155: {  	v1 =	vld [tilespmem:$0x9D50]  }
0x156: {  	v2 =	vld [tilespmem:$0x75D0];
	_ =	sdelay $0x6  }
0x157: {  	v3 =	vld.idx.msk [tilespmem:v1+s2+$0x0], $0xffff  }
0x158: {  	v2 =	vld.idx.msk [tilespmem:v2+s11+$0x0], $0xffff;
	_ =	sdelay $0x1  }
0x159: {  	v4 =	vld [tilespmem:$0xC4D0];
	_ =	sdelay $0x2  }
0x15a: {  	v2 =	vadd.f32 v2, v3;
	_ =	sdelay $0x1  }
0x15b: {  	v2 =	vadd.f32 v2, v4;
	_ =	sdelay $0x1  }
0x15c: {  	v2 =	vmax.f32 v2, $0.0e+00  }
0x15d: {  	[tilespmem:v1+s16+$0x0] =	vst.idx.add.f32.msk $0xffff, v2  }
0x15e: {  	v1 =	vld [tilespmem:$0x9D60]  }
0x15f: {  	v2 =	vld [tilespmem:$0x75E0];
	_ =	sdelay $0x6  }
0x160: {  	v3 =	vld.idx.msk [tilespmem:v1+s2+$0x0], $0xffff  }
0x161: {  	v2 =	vld.idx.msk [tilespmem:v2+s11+$0x0], $0xffff;
	_ =	sdelay $0x1  }
0x162: {  	v4 =	vld [tilespmem:$0xC4E0];
	_ =	sdelay $0x2  }
0x163: {  	v2 =	vadd.f32 v2, v3;
	_ =	sdelay $0x1  }
0x164: {  	v2 =	vadd.f32 v2, v4;
	_ =	sdelay $0x1  }
0x165: {  	v2 =	vmax.f32 v2, $0.0e+00  }
0x166: {  	[tilespmem:v1+s17+$0x0] =	vst.idx.add.f32.msk $0xffff, v2  }
0x167: {  	v1 =	vld [tilespmem:$0x9D70]  }
0x168: {  	v2 =	vld [tilespmem:$0x75F0];
	_ =	sdelay $0x6  }
0x169: {  	v3 =	vld.idx.msk [tilespmem:v1+s2+$0x0], $0xffff  }
0x16a: {  	v2 =	vld.idx.msk [tilespmem:v2+s11+$0x0], $0xffff;
	_ =	sdelay $0x1  }
0x16b: {  	v4 =	vld [tilespmem:$0xC4F0];
	_ =	sdelay $0x2  }
0x16c: {  	v2 =	vadd.f32 v2, v3;
	_ =	sdelay $0x1  }
0x16d: {  	v2 =	vadd.f32 v2, v4;
	_ =	sdelay $0x1  }
0x16e: {  	v2 =	vmax.f32 v2, $0.0e+00  }
0x16f: {  	[tilespmem:v1+s18+$0x0] =	vst.idx.add.f32.msk $0xffff, v2  }
0x170: {  	v1 =	vld [tilespmem:$0x9D80]  }
0x171: {  	v2 =	vld [tilespmem:$0x7600];
	_ =	sdelay $0x6  }
0x172: {  	v3 =	vld.idx.msk [tilespmem:v1+s2+$0x0], $0xffff  }
0x173: {  	v2 =	vld.idx.msk [tilespmem:v2+s11+$0x0], $0xffff;
	_ =	sdelay $0x1  }
0x174: {  	v4 =	vld [tilespmem:$0xC500];
	_ =	sdelay $0x2  }
0x175: {  	v2 =	vadd.f32 v2, v3;
	_ =	sdelay $0x1  }
0x176: {  	v2 =	vadd.f32 v2, v4;
	_ =	sdelay $0x1  }
0x177: {  	v2 =	vmax.f32 v2, $0.0e+00  }
0x178: {  	s23 =	simm.s32 $0xC5A0;
	[tilespmem:v1+s19+$0x0] =	vst.idx.add.f32.msk $0xffff, v2  }
0x179: {  	s24 =	simm.s32 $0xED20;
	v1 =	vld [tilespmem:s23+$0x10]  }
0x17a: {  	v2 =	vld [tilespmem:s24+$0x10]  }
0x17b: {  	s25 =	simm.s32 $0x114A0;
	v3 =	vld [tilespmem:s24+$0xFFFFFFE0]  }
0x17c: {  	v4 =	vld [tilespmem:s25+$0x10]  }
0x17d: {  	s26 =	simm.s32 $0x13C20;
	v5 =	vld [tilespmem:s23+$0xFFFFFFF0]  }
0x17e: {  	v6 =	vld [tilespmem:s26+$0x10]  }
0x17f: {  	s28 =	simm.s32 $0x163A0;
	v7 =	vld [tilespmem:s24+$0xFFFFFFF0]  }
0x180: {  	v8 =	vld [tilespmem:s28+$0x10]  }
0x181: {  	v9 =	vld [tilespmem:s23+$0x0]  }
0x182: {  	v10 =	vld [tilespmem:s24+$0x0]  }
0x183: {  	v1 =	vadd.f32 v2, v1;
	v2 =	vld [tilespmem:s23+$0xFFFFFFE0]  }
0x184: {  	v11 =	vld [tilespmem:s25+$0xFFFFFFE0]  }
0x185: {  	v63 =	vld [tilespmem:s25+$0x0];
	v1 =	vadd.f32 v4, v1  }
0x186: {  	v4 =	vld [tilespmem:s25+$0xFFFFFFF0]  }
0x187: {  	v1 =	vadd.f32 v6, v1;
	v6 =	vld [tilespmem:s26+$0xFFFFFFE0]  }
0x188: {  	v3 =	vadd.f32 v3, v2;
	v2 =	vld [tilespmem:s26+$0xFFFFFFF0]  }
0x189: {  	v5 =	vadd.f32 v7, v5;
	v8 =	vadd.f32 v8, v1;
	v1 =	vld [tilespmem:s26+$0x0]  }
0x18a: {  	v9 =	vadd.f32 v10, v9;
	v10 =	vadd.f32 v11, v3;
	v3 =	vld [tilespmem:s28+$0xFFFFFFE0]  }
0x18b: {  	v7 =	vadd.f32 v4, v5;
	v4 =	vld [tilespmem:s28+$0xFFFFFFF0]  }
0x18c: {  	s29 =	simm.s32 $0x0;
	s30 =	simm.s32 $0xC5E0;
	v5 =	vld [tilespmem:s28+$0x0];
	[tilespmem:s23+$0x10] =	vst v8;
	v8 =	vadd.f32 v63, v9;
	v6 =	vadd.f32 v6, v10  }
.LBB2_6:
0x18d: {  	v9 =	vld [tilespmem:s30+$0x10];
	v2 =	vadd.f32 v2, v7;
	s24 =	sadd.s32 $0x40, s24  }
0x18e: {  	s29 =	sadd.s32 $0x4, s29;
	v7 =	vld [tilespmem:s24+$0x10];
	v1 =	vadd.f32 v1, v8  }
0x18f: {  	s25 =	sadd.s32 $0x40, s25;
	p0 =	slt.u32 s29, $0x26C;
	v8 =	vld [tilespmem:s24+$0xFFFFFFE0];
	v3 =	vadd.f32 v3, v6  }
0x190: {  	v6 =	vld [tilespmem:s25+$0x10];
	v2 =	vadd.f32 v4, v2  }
0x191: {  	s26 =	sadd.s32 $0x40, s26;
	v4 =	vld [tilespmem:s30+$0xFFFFFFF0];
	[tilespmem:s23+$0xFFFFFFE0] =	vst v3;
	v1 =	vadd.f32 v5, v1  }
0x192: {  	v3 =	vld [tilespmem:s26+$0x10];
	[tilespmem:s23+$0xFFFFFFF0] =	vst v2  }
0x193: {  	s28 =	sadd.s32 $0x40, s28;
	v2 =	vld [tilespmem:s24+$0xFFFFFFF0];
	v5 =	vadd.f32 v7, v9;
	[tilespmem:s23+$0x0] =	vst v1;
	s23 =	smov.u32 s30  }
0x194: {  	v1 =	vld [tilespmem:s28+$0x10]  }
0x195: {  	v7 =	vld [tilespmem:s30+$0x0];
	v5 =	vadd.f32 v6, v5  }
0x196: {  	v6 =	vld [tilespmem:s24+$0x0]  }
0x197: {  	v9 =	vld [tilespmem:s30+$0xFFFFFFE0];
	v3 =	vadd.f32 v3, v5  }
0x198: {  	v5 =	vld [tilespmem:s25+$0xFFFFFFE0];
	v4 =	vadd.f32 v2, v4  }
0x199: {  	v10 =	vld [tilespmem:s25+$0xFFFFFFF0];
	v1 =	vadd.f32 v1, v3  }
0x19a: {  	v11 =	vld [tilespmem:s25+$0x0]  }
0x19b: {  	v12 =	vld [tilespmem:s26+$0xFFFFFFE0];
	v6 =	vadd.f32 v6, v7;
	[tilespmem:s30+$0x10] =	vst v1  }
.Ltmp2:
0x19c: {  	v3 =	vadd.f32 v8, v9;
	v2 =	vld [tilespmem:s26+$0xFFFFFFF0];
	(pc) =	sbr.rel @p0 .LBB2_6-.Ltmp2, $4  }
0x19d: {  	v1 =	vld [tilespmem:s26+$0x0]  }
0x19e: {  	v5 =	vadd.f32 v5, v3;
	v3 =	vld [tilespmem:s28+$0xFFFFFFE0];
	v7 =	vadd.f32 v10, v4  }
0x19f: {  	v4 =	vld [tilespmem:s28+$0xFFFFFFF0];
	v8 =	vadd.f32 v11, v6  }
0x1a0: {  	s30 =	sadd.s32 $0x40, s30;
	v6 =	vadd.f32 v12, v5;
	v5 =	vld [tilespmem:s28+$0x0]  }
0x1a1: {  	_ = 	snop  }
0x1a2: {  	v2 =	vadd.f32 v2, v7  }
0x1a3: {  	v1 =	vadd.f32 v1, v8;
	v3 =	vadd.f32 v3, v6  }
0x1a4: {  	v2 =	vadd.f32 v4, v2  }
0x1a5: {  	[tilespmem:s23+$0xFFFFFFE0] =	vst v3;
	v1 =	vadd.f32 v5, v1  }
0x1a6: {  	[tilespmem:s23+$0xFFFFFFF0] =	vst v2  }
0x1a7: {  	[tilespmem:s23+$0x0] =	vst v1  }
0x1a8: {  	v1 =	vld [tilespmem:$0xEC80]  }
0x1a9: {  	v2 =	vld [tilespmem:$0x11400];
	_ =	sdelay $0x1  }
0x1aa: {  	v3 =	vld [tilespmem:$0x13B80];
	_ =	sdelay $0x1  }
0x1ab: {  	v63 =	vld [tilespmem:$0x16300]  }
0x1ac: {  	v1 =	vadd.f32 v2, v1  }
0x1ad: {  	v2 =	vld [tilespmem:$0x18A80]  }
0x1ae: {  	v1 =	vadd.f32 v3, v1;
	_ =	sdelay $0x1  }
0x1af: {  	v1 =	vadd.f32 v63, v1;
	_ =	sdelay $0x1  }
0x1b0: {  	s22 =	sadd.s32 $0x1, s22;
	v1 =	vadd.f32 v2, v1  }
0x1b1: {  	p0 =	sne.s32 s22, s9  }
.Ltmp3:
0x1b2: {  	[tilespmem:$0xEC80] =	vst v1;
	(pc) =	sbr.rel @p0 .LBB2_1-.Ltmp3, $4  }
0x1b3: {  	[hbm4b:s8+s20] =	stream.strided.scatter [tilespmem:s15], [sflag:$0x1], $0x2780, s21, s20, $0x38;
	[tilespmem:$0x18B00] =	vst v63  }
0x1b4: {  	_ =	swait.ge [sflag:s10], $0x2780  }
0x1b5: {  	[sflag:s10] =	ssyncset.done $0x0  }
0x1b6: {  	[sflag:s10] =	ssyncadd.s32 $0xFFFFD880  }
0x1b7: {  	_ =	sfence.sel $0x180000  }
0x1b8: {  	[bflag:$0x0] =	sbarrier.arrive $0xFFFF  }
0x1b9: {  	p0 =	sne.s32 s1, $0x0;
	_ =	strace $0x9000004D  }
0x1ba: {  	s0 =	sadd.s32 @!p0 $0x100000, s0;
	[bflag:$0x2] =	sbarrier.arrive $0xFFFF  }
0x1bb: {  	[sflag:s0] =	ssyncadd.tile.s32 @!p0 $0x1;
	_ =	shalt  }
.Lfunc_end2:
_tile_overlayer_lowered:
.L_overlay_start_2:
0x1bc: {  	(tag) =	ssettag $0x2  }
0x1bd: {  	s0 =	rddreg [dreg:$0x0];
	s2 =	stileid.u32  }
0x1be: {  	s1 =	rddreg [dreg:$0x1];
	p0 =	sne.s32 s2, $0x0  }
0x1bf: {  	s3 =	rddreg [dreg:$0x2];
	[bflag:$0x3] =	sbarrier.arrive $0xFFFF;
	s2 =	simm.s32 @!p0 $0x1C01  }
0x1c0: {  	[timem:s3], [sflag:s2] =	dma.local @!p0 [hbm:s0], s1  }
0x1c1: {  	s0 =	simm.s32 @!p0 $0x1  }
0x1c2: {  	_ =	swait.ge @!p0 [sflag:s0], s1  }
0x1c3: {  	s1 =	ssub.s32 @!p0 $0x0, s1;
	[sflag:s0] =	ssyncset.done @!p0 $0x0  }
0x1c4: {  	[sflag:s0] =	ssyncadd.s32 @!p0 s1  }
0x1c5: {  	[bflag:$0x3] =	sbarrier.arrive $0xFFFF  }
0x1c6: {  	_ =	shalt  }

</sc_bundles>
